<compile_context>
chip_gen: v7x
topology: tpu7x:2x2x1
jax: 0.10.2.dev20260603
libtpu: 0.0.44.dev20260713+nightly
codegen_flags: <defaults>
</compile_context>

<pallas_src>
import functools

import jax
import jax.numpy as jnp
from jax import lax
from jax.experimental import pallas as pl
from jax.experimental.pallas import tpu as pltpu
from jax.experimental.pallas import tpu_sc as plsc

_N = 100000
_BATCH = 16384
_NUM_CORES = 2
_NUM_SUBCORES = 16
_NW = _NUM_CORES * _NUM_SUBCORES
_BPW = _BATCH // _NW
_CHUNK = 512
_W = 8
_CPT = 3128
_CPT_LAST = _N - 31 * _CPT
_NCH = 200
_NCH_LAST = 192
_PACK_PAD = 3200
_L = 16

_mesh = plsc.VectorSubcoreMesh(
    core_axis_name="c",
    subcore_axis_name="s",
    num_cores=_NUM_CORES,
    num_subcores=_NUM_SUBCORES,
)
_params = pltpu.CompilerParams(
    use_tc_tiling_on_sc=False, needs_layout_passes=False)


def _pack_block(rott, trt, ppt, packed_out, colstack, packed_v, sem,
                cam0, ncams, nch):
    copies = []
    for j in range(3):
        copies.append(pltpu.async_copy(
            rott.at[j, pl.ds(cam0, ncams)], colstack.at[j, pl.ds(0, ncams)],
            sem))
        copies.append(pltpu.async_copy(
            trt.at[j, pl.ds(cam0, ncams)],
            colstack.at[3 + j, pl.ds(0, ncams)], sem))
    for j in range(2):
        copies.append(pltpu.async_copy(
            ppt.at[j, pl.ds(cam0, ncams)],
            colstack.at[6 + j, pl.ds(0, ncams)], sem))
    for c in copies:
        c.wait()

    lane = lax.iota(jnp.int32, _L)
    cols = [jnp.full((_L,), j, jnp.int32) for j in range(_W)]

    @plsc.parallel_loop(0, nch, unroll=16)
    def _(ch):
        rows = lane + ch * _L
        for j in range(_W):
            v = colstack[j, pl.ds(ch * _L, _L)]
            plsc.store_scatter(packed_v, [rows, cols[j]], v)
    pltpu.sync_copy(
        packed_v.at[pl.ds(0, ncams)],
        packed_out.at[pl.ds(cam0, ncams)])


def _pack_body(rott, trt, ppt, packed_out, colstack, packed_v, sem):
    wid = lax.axis_index("s") * _NUM_CORES + lax.axis_index("c")

    @pl.when(wid < _NW - 1)
    def _():
        _pack_block(rott, trt, ppt, packed_out, colstack, packed_v, sem,
                    wid * _CPT, _CPT, _NCH)

    @pl.when(wid == _NW - 1)
    def _():
        _pack_block(rott, trt, ppt, packed_out, colstack, packed_v, sem,
                    (_NW - 1) * _CPT, _CPT_LAST, _NCH_LAST)


_pack = functools.partial(
    pl.kernel,
    mesh=_mesh,
    compiler_params=_params,
    out_type=jax.ShapeDtypeStruct((_N, _W), jnp.float32),
    scratch_types=[
        pltpu.VMEM((_W, _PACK_PAD), jnp.float32),
        pltpu.VMEM((_PACK_PAD, _W), jnp.float32),
        pltpu.SemaphoreType.DMA,
    ],
)(_pack_body)


def _gather_body(tab, fv, idx_hbm, rvt_out, trt_out, fg_out, ppt_out,
                 idx_v, rows_v, fbuf, colbuf, sem, fsem):
    wid = lax.axis_index("s") * _NUM_CORES + lax.axis_index("c")
    base = wid * _BPW
    pltpu.sync_copy(idx_hbm.at[pl.ds(base, _BPW)], idx_v)
    copies = []
    for j in range(_BPW // _CHUNK):
        d = pl.ds(j * _CHUNK, _CHUNK)
        copies.append(pltpu.async_copy(tab.at[idx_v.at[d]], rows_v.at[d], sem))
        copies.append(pltpu.async_copy(fv.at[idx_v.at[d]], fbuf.at[d], fsem))
    for c in copies:
        c.wait()

    lane = lax.iota(jnp.int32, _L)
    jvs = [jnp.full((_L,), j, jnp.int32) for j in range(_W)]

    @plsc.parallel_loop(0, _BPW // _L, unroll=16)
    def _(c):
        rows = c * _L + lane
        for j in range(_W):
            v = plsc.load_gather(rows_v, [rows, jvs[j]])
            colbuf[j, pl.ds(c * _L, _L)] = v

    for j in range(3):
        pltpu.sync_copy(colbuf.at[j],
                        rvt_out.at[pl.ds(j * _BATCH + base, _BPW)])
        pltpu.sync_copy(colbuf.at[3 + j],
                        trt_out.at[pl.ds(j * _BATCH + base, _BPW)])
    for j in range(2):
        pltpu.sync_copy(colbuf.at[6 + j],
                        ppt_out.at[pl.ds(j * _BATCH + base, _BPW)])
    pltpu.sync_copy(fbuf, fg_out.at[pl.ds(base, _BPW)])


_gather = functools.partial(
    pl.kernel,
    mesh=_mesh,
    compiler_params=_params,
    out_type=(
        jax.ShapeDtypeStruct((3 * _BATCH,), jnp.float32),
        jax.ShapeDtypeStruct((3 * _BATCH,), jnp.float32),
        jax.ShapeDtypeStruct((_BATCH,), jnp.float32),
        jax.ShapeDtypeStruct((2 * _BATCH,), jnp.float32),
    ),
    scratch_types=[
        pltpu.VMEM((_BPW,), jnp.int32),
        pltpu.VMEM((_BPW, _W), jnp.float32),
        pltpu.VMEM((_BPW,), jnp.float32),
        pltpu.VMEM((_W, _BPW), jnp.float32),
        pltpu.SemaphoreType.DMA,
        pltpu.SemaphoreType.DMA,
    ],
)(_gather_body)


def kernel(rotvecs, translations, f, pp, camera_idxs):
    idx = camera_idxs.astype(jnp.int32)
    packed = _pack(rotvecs.T, translations.T, pp.T)
    rvt, trt, fg, ppt = _gather(packed, f, idx)
    return (rvt.reshape(3, _BATCH).T, trt.reshape(3, _BATCH).T, fg,
            ppt.reshape(2, _BATCH).T)

# --- scband reference (transcript-rebuilt; emitter-appended) ---
"""Pipeline reference for scband-camera-parameters-79035988181026 (READ-ONLY COPY).

The authoritative reference and input builder live on the scoring server;
editing this copy changes nothing except your own understanding.
"""

import jax, jax.numpy as jnp
import numpy as np

NUM_CAMERAS = 100000
BATCH = 16384

def setup_inputs(seed: int = 0) -> dict:
    key = jax.random.key(seed)
    k1, k2, k3, k4, k5 = jax.random.split(key, 5)
    rotvecs = jax.random.normal(k1, (NUM_CAMERAS, 3), dtype=jnp.float32)
    translations = jax.random.normal(k2, (NUM_CAMERAS, 3), dtype=jnp.float32)
    f = jax.random.uniform(k3, (NUM_CAMERAS,), dtype=jnp.float32)
    pp = jax.random.normal(k4, (NUM_CAMERAS, 2), dtype=jnp.float32)
    camera_idxs = jax.random.randint(k5, (BATCH,), 0, NUM_CAMERAS, dtype=jnp.int64 if jax.config.jax_enable_x64 else jnp.int32)
    return {"rotvecs": rotvecs, "translations": translations, "f": f, "pp": pp, "camera_idxs": camera_idxs}

def reference(rotvecs, translations, f, pp, camera_idxs):
    # Faithful translation of CameraParameters.get_tensors: per-index gather
    # from the learned camera parameter tables (embedding-style row lookup).
    rv = jnp.take(rotvecs, camera_idxs, axis=0)
    tr = jnp.take(translations, camera_idxs, axis=0)
    fg = jnp.take(f, camera_idxs, axis=0)
    ppg = jnp.take(pp, camera_idxs, axis=0)
    return (rv, tr, fg, ppg)

if __name__ == "__main__":
    import jax
    _d = setup_inputs()
    print(jax.jit(kernel)(*tuple(_d.values())))

</pallas_src>

<mosaic_0001>
#map = affine_map<(d0, d1) -> (0, 0)>
module attributes {stable_mosaic.version = 14 : i64} {
  func.func @_pack_body(%arg0: i32, %arg1: i32, %arg2: memref<3x100000xf32, #tpu.memory_space<hbm>>, %arg3: memref<3x100000xf32, #tpu.memory_space<hbm>>, %arg4: memref<2x100000xf32, #tpu.memory_space<hbm>>, %arg5: memref<100000x8xf32, #tpu.memory_space<hbm>>, %arg6: memref<8x3200xf32, #tpu.memory_space<vmem>>, %arg7: memref<3200x8xf32, #tpu.memory_space<vmem>>, %arg8: memref<!tpu.dma_semaphore, #tpu.memory_space<semaphore_mem>>) attributes {dimension_semantics = [#tpu.dimension_semantics<core_parallel>, #tpu.dimension_semantics<subcore_parallel>], iteration_bounds = array<i64: 2, 16>, scalar_prefetch = 0 : i64, scratch_operands = 3 : i64, tpu.core_type = #tpu.core_type<sc_vector_subcore>, window_params = [{transform_indices = #map}, {transform_indices = #map}, {transform_indices = #map}, {transform_indices = #map}]} {
    %mul3A = arith.constant 2 : i32
    %mul3A_0 = arith.muli %arg1, %mul3A : i32
    %add3A = arith.addi %mul3A_0, %arg0 : i32
    %lt3A = arith.constant 31 : i32
    %lt3A_1 = arith.cmpi slt, %add3A, %lt3A : i32
    %convert_element_type3A = arith.extui %lt3A_1 : i1 to i32
    %cond3A = arith.constant 0 : i32
    %cond3A_2 = arith.cmpi ne, %convert_element_type3A, %cond3A : i32
    scf.if %cond3A_2 {
      %mul3A_7 = arith.constant 3128 : i32
      %mul3A_8 = arith.muli %add3A, %mul3A_7 : i32
      %dma_start3A = arith.constant 0 : i32
      %dma_start3A_9 = arith.constant 0 : i32
      %dma_start3A_10 = arith.constant 0 : i32
      %dma_start3A_11 = tpu.memref_slice %arg6[%dma_start3A_9, %dma_start3A_10] : memref<8x3200xf32, #tpu.memory_space<vmem>> -> memref<1x3128xf32, #tpu.memory_space<vmem>>
      %dma_start3A_12 = tpu.memref_squeeze %dma_start3A_11 : memref<1x3128xf32, #tpu.memory_space<vmem>> -> memref<3128xf32, #tpu.memory_space<vmem>>
      %dma_start3A_13 = tpu.memref_slice %arg2[%dma_start3A, %mul3A_8] : memref<3x100000xf32, #tpu.memory_space<hbm>> -> memref<1x3128xf32, #tpu.memory_space<hbm>>
      %dma_start3A_14 = tpu.memref_squeeze %dma_start3A_13 : memref<1x3128xf32, #tpu.memory_space<hbm>> -> memref<3128xf32, #tpu.memory_space<hbm>>
      %dma_start3A_15 = arith.constant 0 : i32
      %dma_start3A_16 = tpu.memref_slice %arg6[%dma_start3A_9, %dma_start3A_15] : memref<8x3200xf32, #tpu.memory_space<vmem>> -> memref<1x3128xf32, #tpu.memory_space<vmem>>
      %dma_start3A_17 = tpu.memref_squeeze %dma_start3A_16 : memref<1x3128xf32, #tpu.memory_space<vmem>> -> memref<3128xf32, #tpu.memory_space<vmem>>
      %dma_start3A_18 = tpu.memref_slice %arg2[%dma_start3A, %mul3A_8] : memref<3x100000xf32, #tpu.memory_space<hbm>> -> memref<1x3128xf32, #tpu.memory_space<hbm>>
      %dma_start3A_19 = tpu.memref_squeeze %dma_start3A_18 : memref<1x3128xf32, #tpu.memory_space<hbm>> -> memref<3128xf32, #tpu.memory_space<hbm>>
      tpu.enqueue_dma source(%dma_start3A_19 : memref<3128xf32, #tpu.memory_space<hbm>>) target(%dma_start3A_17 : memref<3128xf32, #tpu.memory_space<vmem>>) target_semaphore(%arg8 : memref<!tpu.dma_semaphore, #tpu.memory_space<semaphore_mem>>)
      %dma_start3A_20 = arith.constant 0 : i32
      %dma_start3A_21 = arith.constant 3 : i32
      %dma_start3A_22 = arith.constant 0 : i32
      %dma_start3A_23 = tpu.memref_slice %arg6[%dma_start3A_21, %dma_start3A_22] : memref<8x3200xf32, #tpu.memory_space<vmem>> -> memref<1x3128xf32, #tpu.memory_space<vmem>>
      %dma_start3A_24 = tpu.memref_squeeze %dma_start3A_23 : memref<1x3128xf32, #tpu.memory_space<vmem>> -> memref<3128xf32, #tpu.memory_space<vmem>>
      %dma_start3A_25 = tpu.memref_slice %arg3[%dma_start3A_20, %mul3A_8] : memref<3x100000xf32, #tpu.memory_space<hbm>> -> memref<1x3128xf32, #tpu.memory_space<hbm>>
      %dma_start3A_26 = tpu.memref_squeeze %dma_start3A_25 : memref<1x3128xf32, #tpu.memory_space<hbm>> -> memref<3128xf32, #tpu.memory_space<hbm>>
      %dma_start3A_27 = arith.constant 0 : i32
      %dma_start3A_28 = tpu.memref_slice %arg6[%dma_start3A_21, %dma_start3A_27] : memref<8x3200xf32, #tpu.memory_space<vmem>> -> memref<1x3128xf32, #tpu.memory_space<vmem>>
      %dma_start3A_29 = tpu.memref_squeeze %dma_start3A_28 : memref<1x3128xf32, #tpu.memory_space<vmem>> -> memref<3128xf32, #tpu.memory_space<vmem>>
      %dma_start3A_30 = tpu.memref_slice %arg3[%dma_start3A_20, %mul3A_8] : memref<3x100000xf32, #tpu.memory_space<hbm>> -> memref<1x3128xf32, #tpu.memory_space<hbm>>
      %dma_start3A_31 = tpu.memref_squeeze %dma_start3A_30 : memref<1x3128xf32, #tpu.memory_space<hbm>> -> memref<3128xf32, #tpu.memory_space<hbm>>
      tpu.enqueue_dma source(%dma_start3A_31 : memref<3128xf32, #tpu.memory_space<hbm>>) target(%dma_start3A_29 : memref<3128xf32, #tpu.memory_space<vmem>>) target_semaphore(%arg8 : memref<!tpu.dma_semaphore, #tpu.memory_space<semaphore_mem>>)
      %dma_start3A_32 = arith.constant 1 : i32
      %dma_start3A_33 = arith.constant 1 : i32
      %dma_start3A_34 = arith.constant 0 : i32
      %dma_start3A_35 = tpu.memref_slice %arg6[%dma_start3A_33, %dma_start3A_34] : memref<8x3200xf32, #tpu.memory_space<vmem>> -> memref<1x3128xf32, #tpu.memory_space<vmem>>
      %dma_start3A_36 = tpu.memref_squeeze %dma_start3A_35 : memref<1x3128xf32, #tpu.memory_space<vmem>> -> memref<3128xf32, #tpu.memory_space<vmem>>
      %dma_start3A_37 = tpu.memref_slice %arg2[%dma_start3A_32, %mul3A_8] : memref<3x100000xf32, #tpu.memory_space<hbm>> -> memref<1x3128xf32, #tpu.memory_space<hbm>>
      %dma_start3A_38 = tpu.memref_squeeze %dma_start3A_37 : memref<1x3128xf32, #tpu.memory_space<hbm>> -> memref<3128xf32, #tpu.memory_space<hbm>>
      %dma_start3A_39 = arith.constant 0 : i32
      %dma_start3A_40 = tpu.memref_slice %arg6[%dma_start3A_33, %dma_start3A_39] : memref<8x3200xf32, #tpu.memory_space<vmem>> -> memref<1x3128xf32, #tpu.memory_space<vmem>>
      %dma_start3A_41 = tpu.memref_squeeze %dma_start3A_40 : memref<1x3128xf32, #tpu.memory_space<vmem>> -> memref<3128xf32, #tpu.memory_space<vmem>>
      %dma_start3A_42 = tpu.memref_slice %arg2[%dma_start3A_32, %mul3A_8] : memref<3x100000xf32, #tpu.memory_space<hbm>> -> memref<1x3128xf32, #tpu.memory_space<hbm>>
      %dma_start3A_43 = tpu.memref_squeeze %dma_start3A_42 : memref<1x3128xf32, #tpu.memory_space<hbm>> -> memref<3128xf32, #tpu.memory_space<hbm>>
      tpu.enqueue_dma source(%dma_start3A_43 : memref<3128xf32, #tpu.memory_space<hbm>>) target(%dma_start3A_41 : memref<3128xf32, #tpu.memory_space<vmem>>) target_semaphore(%arg8 : memref<!tpu.dma_semaphore, #tpu.memory_space<semaphore_mem>>)
      %dma_start3A_44 = arith.constant 1 : i32
      %dma_start3A_45 = arith.constant 4 : i32
      %dma_start3A_46 = arith.constant 0 : i32
      %dma_start3A_47 = tpu.memref_slice %arg6[%dma_start3A_45, %dma_start3A_46] : memref<8x3200xf32, #tpu.memory_space<vmem>> -> memref<1x3128xf32, #tpu.memory_space<vmem>>
      %dma_start3A_48 = tpu.memref_squeeze %dma_start3A_47 : memref<1x3128xf32, #tpu.memory_space<vmem>> -> memref<3128xf32, #tpu.memory_space<vmem>>
      %dma_start3A_49 = tpu.memref_slice %arg3[%dma_start3A_44, %mul3A_8] : memref<3x100000xf32, #tpu.memory_space<hbm>> -> memref<1x3128xf32, #tpu.memory_space<hbm>>
      %dma_start3A_50 = tpu.memref_squeeze %dma_start3A_49 : memref<1x3128xf32, #tpu.memory_space<hbm>> -> memref<3128xf32, #tpu.memory_space<hbm>>
      %dma_start3A_51 = arith.constant 0 : i32
      %dma_start3A_52 = tpu.memref_slice %arg6[%dma_start3A_45, %dma_start3A_51] : memref<8x3200xf32, #tpu.memory_space<vmem>> -> memref<1x3128xf32, #tpu.memory_space<vmem>>
      %dma_start3A_53 = tpu.memref_squeeze %dma_start3A_52 : memref<1x3128xf32, #tpu.memory_space<vmem>> -> memref<3128xf32, #tpu.memory_space<vmem>>
      %dma_start3A_54 = tpu.memref_slice %arg3[%dma_start3A_44, %mul3A_8] : memref<3x100000xf32, #tpu.memory_space<hbm>> -> memref<1x3128xf32, #tpu.memory_space<hbm>>
      %dma_start3A_55 = tpu.memref_squeeze %dma_start3A_54 : memref<1x3128xf32, #tpu.memory_space<hbm>> -> memref<3128xf32, #tpu.memory_space<hbm>>
      tpu.enqueue_dma source(%dma_start3A_55 : memref<3128xf32, #tpu.memory_space<hbm>>) target(%dma_start3A_53 : memref<3128xf32, #tpu.memory_space<vmem>>) target_semaphore(%arg8 : memref<!tpu.dma_semaphore, #tpu.memory_space<semaphore_mem>>)
      %dma_start3A_56 = arith.constant 2 : i32
      %dma_start3A_57 = arith.constant 2 : i32
      %dma_start3A_58 = arith.constant 0 : i32
      %dma_start3A_59 = tpu.memref_slice %arg6[%dma_start3A_57, %dma_start3A_58] : memref<8x3200xf32, #tpu.memory_space<vmem>> -> memref<1x3128xf32, #tpu.memory_space<vmem>>
      %dma_start3A_60 = tpu.memref_squeeze %dma_start3A_59 : memref<1x3128xf32, #tpu.memory_space<vmem>> -> memref<3128xf32, #tpu.memory_space<vmem>>
      %dma_start3A_61 = tpu.memref_slice %arg2[%dma_start3A_56, %mul3A_8] : memref<3x100000xf32, #tpu.memory_space<hbm>> -> memref<1x3128xf32, #tpu.memory_space<hbm>>
      %dma_start3A_62 = tpu.memref_squeeze %dma_start3A_61 : memref<1x3128xf32, #tpu.memory_space<hbm>> -> memref<3128xf32, #tpu.memory_space<hbm>>
      %dma_start3A_63 = arith.constant 0 : i32
      %dma_start3A_64 = tpu.memref_slice %arg6[%dma_start3A_57, %dma_start3A_63] : memref<8x3200xf32, #tpu.memory_space<vmem>> -> memref<1x3128xf32, #tpu.memory_space<vmem>>
      %dma_start3A_65 = tpu.memref_squeeze %dma_start3A_64 : memref<1x3128xf32, #tpu.memory_space<vmem>> -> memref<3128xf32, #tpu.memory_space<vmem>>
      %dma_start3A_66 = tpu.memref_slice %arg2[%dma_start3A_56, %mul3A_8] : memref<3x100000xf32, #tpu.memory_space<hbm>> -> memref<1x3128xf32, #tpu.memory_space<hbm>>
      %dma_start3A_67 = tpu.memref_squeeze %dma_start3A_66 : memref<1x3128xf32, #tpu.memory_space<hbm>> -> memref<3128xf32, #tpu.memory_space<hbm>>
      tpu.enqueue_dma source(%dma_start3A_67 : memref<3128xf32, #tpu.memory_space<hbm>>) target(%dma_start3A_65 : memref<3128xf32, #tpu.memory_space<vmem>>) target_semaphore(%arg8 : memref<!tpu.dma_semaphore, #tpu.memory_space<semaphore_mem>>)
      %dma_start3A_68 = arith.constant 2 : i32
      %dma_start3A_69 = arith.constant 5 : i32
      %dma_start3A_70 = arith.constant 0 : i32
      %dma_start3A_71 = tpu.memref_slice %arg6[%dma_start3A_69, %dma_start3A_70] : memref<8x3200xf32, #tpu.memory_space<vmem>> -> memref<1x3128xf32, #tpu.memory_space<vmem>>
      %dma_start3A_72 = tpu.memref_squeeze %dma_start3A_71 : memref<1x3128xf32, #tpu.memory_space<vmem>> -> memref<3128xf32, #tpu.memory_space<vmem>>
      %dma_start3A_73 = tpu.memref_slice %arg3[%dma_start3A_68, %mul3A_8] : memref<3x100000xf32, #tpu.memory_space<hbm>> -> memref<1x3128xf32, #tpu.memory_space<hbm>>
      %dma_start3A_74 = tpu.memref_squeeze %dma_start3A_73 : memref<1x3128xf32, #tpu.memory_space<hbm>> -> memref<3128xf32, #tpu.memory_space<hbm>>
      %dma_start3A_75 = arith.constant 0 : i32
      %dma_start3A_76 = tpu.memref_slice %arg6[%dma_start3A_69, %dma_start3A_75] : memref<8x3200xf32, #tpu.memory_space<vmem>> -> memref<1x3128xf32, #tpu.memory_space<vmem>>
      %dma_start3A_77 = tpu.memref_squeeze %dma_start3A_76 : memref<1x3128xf32, #tpu.memory_space<vmem>> -> memref<3128xf32, #tpu.memory_space<vmem>>
      %dma_start3A_78 = tpu.memref_slice %arg3[%dma_start3A_68, %mul3A_8] : memref<3x100000xf32, #tpu.memory_space<hbm>> -> memref<1x3128xf32, #tpu.memory_space<hbm>>
      %dma_start3A_79 = tpu.memref_squeeze %dma_start3A_78 : memref<1x3128xf32, #tpu.memory_space<hbm>> -> memref<3128xf32, #tpu.memory_space<hbm>>
      tpu.enqueue_dma source(%dma_start3A_79 : memref<3128xf32, #tpu.memory_space<hbm>>) target(%dma_start3A_77 : memref<3128xf32, #tpu.memory_space<vmem>>) target_semaphore(%arg8 : memref<!tpu.dma_semaphore, #tpu.memory_space<semaphore_mem>>)
      %dma_start3A_80 = arith.constant 0 : i32
      %dma_start3A_81 = arith.constant 6 : i32
      %dma_start3A_82 = arith.constant 0 : i32
      %dma_start3A_83 = tpu.memref_slice %arg6[%dma_start3A_81, %dma_start3A_82] : memref<8x3200xf32, #tpu.memory_space<vmem>> -> memref<1x3128xf32, #tpu.memory_space<vmem>>
      %dma_start3A_84 = tpu.memref_squeeze %dma_start3A_83 : memref<1x3128xf32, #tpu.memory_space<vmem>> -> memref<3128xf32, #tpu.memory_space<vmem>>
      %dma_start3A_85 = tpu.memref_slice %arg4[%dma_start3A_80, %mul3A_8] : memref<2x100000xf32, #tpu.memory_space<hbm>> -> memref<1x3128xf32, #tpu.memory_space<hbm>>
      %dma_start3A_86 = tpu.memref_squeeze %dma_start3A_85 : memref<1x3128xf32, #tpu.memory_space<hbm>> -> memref<3128xf32, #tpu.memory_space<hbm>>
      %dma_start3A_87 = arith.constant 0 : i32
      %dma_start3A_88 = tpu.memref_slice %arg6[%dma_start3A_81, %dma_start3A_87] : memref<8x3200xf32, #tpu.memory_space<vmem>> -> memref<1x3128xf32, #tpu.memory_space<vmem>>
      %dma_start3A_89 = tpu.memref_squeeze %dma_start3A_88 : memref<1x3128xf32, #tpu.memory_space<vmem>> -> memref<3128xf32, #tpu.memory_space<vmem>>
      %dma_start3A_90 = tpu.memref_slice %arg4[%dma_start3A_80, %mul3A_8] : memref<2x100000xf32, #tpu.memory_space<hbm>> -> memref<1x3128xf32, #tpu.memory_space<hbm>>
      %dma_start3A_91 = tpu.memref_squeeze %dma_start3A_90 : memref<1x3128xf32, #tpu.memory_space<hbm>> -> memref<3128xf32, #tpu.memory_space<hbm>>
      tpu.enqueue_dma source(%dma_start3A_91 : memref<3128xf32, #tpu.memory_space<hbm>>) target(%dma_start3A_89 : memref<3128xf32, #tpu.memory_space<vmem>>) target_semaphore(%arg8 : memref<!tpu.dma_semaphore, #tpu.memory_space<semaphore_mem>>)
      %dma_start3A_92 = arith.constant 1 : i32
      %dma_start3A_93 = arith.constant 7 : i32
      %dma_start3A_94 = arith.constant 0 : i32
      %dma_start3A_95 = tpu.memref_slice %arg6[%dma_start3A_93, %dma_start3A_94] : memref<8x3200xf32, #tpu.memory_space<vmem>> -> memref<1x3128xf32, #tpu.memory_space<vmem>>
      %dma_start3A_96 = tpu.memref_squeeze %dma_start3A_95 : memref<1x3128xf32, #tpu.memory_space<vmem>> -> memref<3128xf32, #tpu.memory_space<vmem>>
      %dma_start3A_97 = tpu.memref_slice %arg4[%dma_start3A_92, %mul3A_8] : memref<2x100000xf32, #tpu.memory_space<hbm>> -> memref<1x3128xf32, #tpu.memory_space<hbm>>
      %dma_start3A_98 = tpu.memref_squeeze %dma_start3A_97 : memref<1x3128xf32, #tpu.memory_space<hbm>> -> memref<3128xf32, #tpu.memory_space<hbm>>
      %dma_start3A_99 = arith.constant 0 : i32
      %dma_start3A_100 = tpu.memref_slice %arg6[%dma_start3A_93, %dma_start3A_99] : memref<8x3200xf32, #tpu.memory_space<vmem>> -> memref<1x3128xf32, #tpu.memory_space<vmem>>
      %dma_start3A_101 = tpu.memref_squeeze %dma_start3A_100 : memref<1x3128xf32, #tpu.memory_space<vmem>> -> memref<3128xf32, #tpu.memory_space<vmem>>
      %dma_start3A_102 = tpu.memref_slice %arg4[%dma_start3A_92, %mul3A_8] : memref<2x100000xf32, #tpu.memory_space<hbm>> -> memref<1x3128xf32, #tpu.memory_space<hbm>>
      %dma_start3A_103 = tpu.memref_squeeze %dma_start3A_102 : memref<1x3128xf32, #tpu.memory_space<hbm>> -> memref<3128xf32, #tpu.memory_space<hbm>>
      tpu.enqueue_dma source(%dma_start3A_103 : memref<3128xf32, #tpu.memory_space<hbm>>) target(%dma_start3A_101 : memref<3128xf32, #tpu.memory_space<vmem>>) target_semaphore(%arg8 : memref<!tpu.dma_semaphore, #tpu.memory_space<semaphore_mem>>)
      %dma_wait3A = arith.constant 0 : i32
      %dma_wait3A_104 = arith.constant 0 : i32
      %dma_wait3A_105 = arith.constant 0 : i32
      %dma_wait3A_106 = tpu.memref_slice %arg6[%dma_wait3A_104, %dma_wait3A_105] : memref<8x3200xf32, #tpu.memory_space<vmem>> -> memref<1x3128xf32, #tpu.memory_space<vmem>>
      %dma_wait3A_107 = tpu.memref_squeeze %dma_wait3A_106 : memref<1x3128xf32, #tpu.memory_space<vmem>> -> memref<3128xf32, #tpu.memory_space<vmem>>
      %dma_wait3A_108 = tpu.memref_slice %arg2[%dma_wait3A, %mul3A_8] : memref<3x100000xf32, #tpu.memory_space<hbm>> -> memref<1x3128xf32, #tpu.memory_space<hbm>>
      %dma_wait3A_109 = tpu.memref_squeeze %dma_wait3A_108 : memref<1x3128xf32, #tpu.memory_space<hbm>> -> memref<3128xf32, #tpu.memory_space<hbm>>
      %dma_wait3A_110 = arith.constant 0 : i32
      %dma_wait3A_111 = tpu.memref_slice %arg6[%dma_wait3A_104, %dma_wait3A_110] : memref<8x3200xf32, #tpu.memory_space<vmem>> -> memref<1x3128xf32, #tpu.memory_space<vmem>>
      %dma_wait3A_112 = tpu.memref_squeeze %dma_wait3A_111 : memref<1x3128xf32, #tpu.memory_space<vmem>> -> memref<3128xf32, #tpu.memory_space<vmem>>
      %dma_wait3A_113 = tpu.memref_slice %arg2[%dma_wait3A, %mul3A_8] : memref<3x100000xf32, #tpu.memory_space<hbm>> -> memref<1x3128xf32, #tpu.memory_space<hbm>>
      %dma_wait3A_114 = tpu.memref_squeeze %dma_wait3A_113 : memref<1x3128xf32, #tpu.memory_space<hbm>> -> memref<3128xf32, #tpu.memory_space<hbm>>
      tpu.wait_dma2 semaphore(%arg8 : memref<!tpu.dma_semaphore, #tpu.memory_space<semaphore_mem>>) src(%dma_wait3A_114 : memref<3128xf32, #tpu.memory_space<hbm>>) dst(%dma_wait3A_112 : memref<3128xf32, #tpu.memory_space<vmem>>)
      %dma_wait3A_115 = arith.constant 0 : i32
      %dma_wait3A_116 = arith.constant 3 : i32
      %dma_wait3A_117 = arith.constant 0 : i32
      %dma_wait3A_118 = tpu.memref_slice %arg6[%dma_wait3A_116, %dma_wait3A_117] : memref<8x3200xf32, #tpu.memory_space<vmem>> -> memref<1x3128xf32, #tpu.memory_space<vmem>>
      %dma_wait3A_119 = tpu.memref_squeeze %dma_wait3A_118 : memref<1x3128xf32, #tpu.memory_space<vmem>> -> memref<3128xf32, #tpu.memory_space<vmem>>
      %dma_wait3A_120 = tpu.memref_slice %arg3[%dma_wait3A_115, %mul3A_8] : memref<3x100000xf32, #tpu.memory_space<hbm>> -> memref<1x3128xf32, #tpu.memory_space<hbm>>
      %dma_wait3A_121 = tpu.memref_squeeze %dma_wait3A_120 : memref<1x3128xf32, #tpu.memory_space<hbm>> -> memref<3128xf32, #tpu.memory_space<hbm>>
      %dma_wait3A_122 = arith.constant 0 : i32
      %dma_wait3A_123 = tpu.memref_slice %arg6[%dma_wait3A_116, %dma_wait3A_122] : memref<8x3200xf32, #tpu.memory_space<vmem>> -> memref<1x3128xf32, #tpu.memory_space<vmem>>
      %dma_wait3A_124 = tpu.memref_squeeze %dma_wait3A_123 : memref<1x3128xf32, #tpu.memory_space<vmem>> -> memref<3128xf32, #tpu.memory_space<vmem>>
      %dma_wait3A_125 = tpu.memref_slice %arg3[%dma_wait3A_115, %mul3A_8] : memref<3x100000xf32, #tpu.memory_space<hbm>> -> memref<1x3128xf32, #tpu.memory_space<hbm>>
      %dma_wait3A_126 = tpu.memref_squeeze %dma_wait3A_125 : memref<1x3128xf32, #tpu.memory_space<hbm>> -> memref<3128xf32, #tpu.memory_space<hbm>>
      tpu.wait_dma2 semaphore(%arg8 : memref<!tpu.dma_semaphore, #tpu.memory_space<semaphore_mem>>) src(%dma_wait3A_126 : memref<3128xf32, #tpu.memory_space<hbm>>) dst(%dma_wait3A_124 : memref<3128xf32, #tpu.memory_space<vmem>>)
      %dma_wait3A_127 = arith.constant 1 : i32
      %dma_wait3A_128 = arith.constant 1 : i32
      %dma_wait3A_129 = arith.constant 0 : i32
      %dma_wait3A_130 = tpu.memref_slice %arg6[%dma_wait3A_128, %dma_wait3A_129] : memref<8x3200xf32, #tpu.memory_space<vmem>> -> memref<1x3128xf32, #tpu.memory_space<vmem>>
      %dma_wait3A_131 = tpu.memref_squeeze %dma_wait3A_130 : memref<1x3128xf32, #tpu.memory_space<vmem>> -> memref<3128xf32, #tpu.memory_space<vmem>>
      %dma_wait3A_132 = tpu.memref_slice %arg2[%dma_wait3A_127, %mul3A_8] : memref<3x100000xf32, #tpu.memory_space<hbm>> -> memref<1x3128xf32, #tpu.memory_space<hbm>>
      %dma_wait3A_133 = tpu.memref_squeeze %dma_wait3A_132 : memref<1x3128xf32, #tpu.memory_space<hbm>> -> memref<3128xf32, #tpu.memory_space<hbm>>
      %dma_wait3A_134 = arith.constant 0 : i32
      %dma_wait3A_135 = tpu.memref_slice %arg6[%dma_wait3A_128, %dma_wait3A_134] : memref<8x3200xf32, #tpu.memory_space<vmem>> -> memref<1x3128xf32, #tpu.memory_space<vmem>>
      %dma_wait3A_136 = tpu.memref_squeeze %dma_wait3A_135 : memref<1x3128xf32, #tpu.memory_space<vmem>> -> memref<3128xf32, #tpu.memory_space<vmem>>
      %dma_wait3A_137 = tpu.memref_slice %arg2[%dma_wait3A_127, %mul3A_8] : memref<3x100000xf32, #tpu.memory_space<hbm>> -> memref<1x3128xf32, #tpu.memory_space<hbm>>
      %dma_wait3A_138 = tpu.memref_squeeze %dma_wait3A_137 : memref<1x3128xf32, #tpu.memory_space<hbm>> -> memref<3128xf32, #tpu.memory_space<hbm>>
      tpu.wait_dma2 semaphore(%arg8 : memref<!tpu.dma_semaphore, #tpu.memory_space<semaphore_mem>>) src(%dma_wait3A_138 : memref<3128xf32, #tpu.memory_space<hbm>>) dst(%dma_wait3A_136 : memref<3128xf32, #tpu.memory_space<vmem>>)
      %dma_wait3A_139 = arith.constant 1 : i32
      %dma_wait3A_140 = arith.constant 4 : i32
      %dma_wait3A_141 = arith.constant 0 : i32
      %dma_wait3A_142 = tpu.memref_slice %arg6[%dma_wait3A_140, %dma_wait3A_141] : memref<8x3200xf32, #tpu.memory_space<vmem>> -> memref<1x3128xf32, #tpu.memory_space<vmem>>
      %dma_wait3A_143 = tpu.memref_squeeze %dma_wait3A_142 : memref<1x3128xf32, #tpu.memory_space<vmem>> -> memref<3128xf32, #tpu.memory_space<vmem>>
      %dma_wait3A_144 = tpu.memref_slice %arg3[%dma_wait3A_139, %mul3A_8] : memref<3x100000xf32, #tpu.memory_space<hbm>> -> memref<1x3128xf32, #tpu.memory_space<hbm>>
      %dma_wait3A_145 = tpu.memref_squeeze %dma_wait3A_144 : memref<1x3128xf32, #tpu.memory_space<hbm>> -> memref<3128xf32, #tpu.memory_space<hbm>>
      %dma_wait3A_146 = arith.constant 0 : i32
      %dma_wait3A_147 = tpu.memref_slice %arg6[%dma_wait3A_140, %dma_wait3A_146] : memref<8x3200xf32, #tpu.memory_space<vmem>> -> memref<1x3128xf32, #tpu.memory_space<vmem>>
      %dma_wait3A_148 = tpu.memref_squeeze %dma_wait3A_147 : memref<1x3128xf32, #tpu.memory_space<vmem>> -> memref<3128xf32, #tpu.memory_space<vmem>>
      %dma_wait3A_149 = tpu.memref_slice %arg3[%dma_wait3A_139, %mul3A_8] : memref<3x100000xf32, #tpu.memory_space<hbm>> -> memref<1x3128xf32, #tpu.memory_space<hbm>>
      %dma_wait3A_150 = tpu.memref_squeeze %dma_wait3A_149 : memref<1x3128xf32, #tpu.memory_space<hbm>> -> memref<3128xf32, #tpu.memory_space<hbm>>
      tpu.wait_dma2 semaphore(%arg8 : memref<!tpu.dma_semaphore, #tpu.memory_space<semaphore_mem>>) src(%dma_wait3A_150 : memref<3128xf32, #tpu.memory_space<hbm>>) dst(%dma_wait3A_148 : memref<3128xf32, #tpu.memory_space<vmem>>)
      %dma_wait3A_151 = arith.constant 2 : i32
      %dma_wait3A_152 = arith.constant 2 : i32
      %dma_wait3A_153 = arith.constant 0 : i32
      %dma_wait3A_154 = tpu.memref_slice %arg6[%dma_wait3A_152, %dma_wait3A_153] : memref<8x3200xf32, #tpu.memory_space<vmem>> -> memref<1x3128xf32, #tpu.memory_space<vmem>>
      %dma_wait3A_155 = tpu.memref_squeeze %dma_wait3A_154 : memref<1x3128xf32, #tpu.memory_space<vmem>> -> memref<3128xf32, #tpu.memory_space<vmem>>
      %dma_wait3A_156 = tpu.memref_slice %arg2[%dma_wait3A_151, %mul3A_8] : memref<3x100000xf32, #tpu.memory_space<hbm>> -> memref<1x3128xf32, #tpu.memory_space<hbm>>
      %dma_wait3A_157 = tpu.memref_squeeze %dma_wait3A_156 : memref<1x3128xf32, #tpu.memory_space<hbm>> -> memref<3128xf32, #tpu.memory_space<hbm>>
      %dma_wait3A_158 = arith.constant 0 : i32
      %dma_wait3A_159 = tpu.memref_slice %arg6[%dma_wait3A_152, %dma_wait3A_158] : memref<8x3200xf32, #tpu.memory_space<vmem>> -> memref<1x3128xf32, #tpu.memory_space<vmem>>
      %dma_wait3A_160 = tpu.memref_squeeze %dma_wait3A_159 : memref<1x3128xf32, #tpu.memory_space<vmem>> -> memref<3128xf32, #tpu.memory_space<vmem>>
      %dma_wait3A_161 = tpu.memref_slice %arg2[%dma_wait3A_151, %mul3A_8] : memref<3x100000xf32, #tpu.memory_space<hbm>> -> memref<1x3128xf32, #tpu.memory_space<hbm>>
      %dma_wait3A_162 = tpu.memref_squeeze %dma_wait3A_161 : memref<1x3128xf32, #tpu.memory_space<hbm>> -> memref<3128xf32, #tpu.memory_space<hbm>>
      tpu.wait_dma2 semaphore(%arg8 : memref<!tpu.dma_semaphore, #tpu.memory_space<semaphore_mem>>) src(%dma_wait3A_162 : memref<3128xf32, #tpu.memory_space<hbm>>) dst(%dma_wait3A_160 : memref<3128xf32, #tpu.memory_space<vmem>>)
      %dma_wait3A_163 = arith.constant 2 : i32
      %dma_wait3A_164 = arith.constant 5 : i32
      %dma_wait3A_165 = arith.constant 0 : i32
      %dma_wait3A_166 = tpu.memref_slice %arg6[%dma_wait3A_164, %dma_wait3A_165] : memref<8x3200xf32, #tpu.memory_space<vmem>> -> memref<1x3128xf32, #tpu.memory_space<vmem>>
      %dma_wait3A_167 = tpu.memref_squeeze %dma_wait3A_166 : memref<1x3128xf32, #tpu.memory_space<vmem>> -> memref<3128xf32, #tpu.memory_space<vmem>>
      %dma_wait3A_168 = tpu.memref_slice %arg3[%dma_wait3A_163, %mul3A_8] : memref<3x100000xf32, #tpu.memory_space<hbm>> -> memref<1x3128xf32, #tpu.memory_space<hbm>>
      %dma_wait3A_169 = tpu.memref_squeeze %dma_wait3A_168 : memref<1x3128xf32, #tpu.memory_space<hbm>> -> memref<3128xf32, #tpu.memory_space<hbm>>
      %dma_wait3A_170 = arith.constant 0 : i32
      %dma_wait3A_171 = tpu.memref_slice %arg6[%dma_wait3A_164, %dma_wait3A_170] : memref<8x3200xf32, #tpu.memory_space<vmem>> -> memref<1x3128xf32, #tpu.memory_space<vmem>>
      %dma_wait3A_172 = tpu.memref_squeeze %dma_wait3A_171 : memref<1x3128xf32, #tpu.memory_space<vmem>> -> memref<3128xf32, #tpu.memory_space<vmem>>
      %dma_wait3A_173 = tpu.memref_slice %arg3[%dma_wait3A_163, %mul3A_8] : memref<3x100000xf32, #tpu.memory_space<hbm>> -> memref<1x3128xf32, #tpu.memory_space<hbm>>
      %dma_wait3A_174 = tpu.memref_squeeze %dma_wait3A_173 : memref<1x3128xf32, #tpu.memory_space<hbm>> -> memref<3128xf32, #tpu.memory_space<hbm>>
      tpu.wait_dma2 semaphore(%arg8 : memref<!tpu.dma_semaphore, #tpu.memory_space<semaphore_mem>>) src(%dma_wait3A_174 : memref<3128xf32, #tpu.memory_space<hbm>>) dst(%dma_wait3A_172 : memref<3128xf32, #tpu.memory_space<vmem>>)
      %dma_wait3A_175 = arith.constant 0 : i32
      %dma_wait3A_176 = arith.constant 6 : i32
      %dma_wait3A_177 = arith.constant 0 : i32
      %dma_wait3A_178 = tpu.memref_slice %arg6[%dma_wait3A_176, %dma_wait3A_177] : memref<8x3200xf32, #tpu.memory_space<vmem>> -> memref<1x3128xf32, #tpu.memory_space<vmem>>
      %dma_wait3A_179 = tpu.memref_squeeze %dma_wait3A_178 : memref<1x3128xf32, #tpu.memory_space<vmem>> -> memref<3128xf32, #tpu.memory_space<vmem>>
      %dma_wait3A_180 = tpu.memref_slice %arg4[%dma_wait3A_175, %mul3A_8] : memref<2x100000xf32, #tpu.memory_space<hbm>> -> memref<1x3128xf32, #tpu.memory_space<hbm>>
      %dma_wait3A_181 = tpu.memref_squeeze %dma_wait3A_180 : memref<1x3128xf32, #tpu.memory_space<hbm>> -> memref<3128xf32, #tpu.memory_space<hbm>>
      %dma_wait3A_182 = arith.constant 0 : i32
      %dma_wait3A_183 = tpu.memref_slice %arg6[%dma_wait3A_176, %dma_wait3A_182] : memref<8x3200xf32, #tpu.memory_space<vmem>> -> memref<1x3128xf32, #tpu.memory_space<vmem>>
      %dma_wait3A_184 = tpu.memref_squeeze %dma_wait3A_183 : memref<1x3128xf32, #tpu.memory_space<vmem>> -> memref<3128xf32, #tpu.memory_space<vmem>>
      %dma_wait3A_185 = tpu.memref_slice %arg4[%dma_wait3A_175, %mul3A_8] : memref<2x100000xf32, #tpu.memory_space<hbm>> -> memref<1x3128xf32, #tpu.memory_space<hbm>>
      %dma_wait3A_186 = tpu.memref_squeeze %dma_wait3A_185 : memref<1x3128xf32, #tpu.memory_space<hbm>> -> memref<3128xf32, #tpu.memory_space<hbm>>
      tpu.wait_dma2 semaphore(%arg8 : memref<!tpu.dma_semaphore, #tpu.memory_space<semaphore_mem>>) src(%dma_wait3A_186 : memref<3128xf32, #tpu.memory_space<hbm>>) dst(%dma_wait3A_184 : memref<3128xf32, #tpu.memory_space<vmem>>)
      %dma_wait3A_187 = arith.constant 1 : i32
      %dma_wait3A_188 = arith.constant 7 : i32
      %dma_wait3A_189 = arith.constant 0 : i32
      %dma_wait3A_190 = tpu.memref_slice %arg6[%dma_wait3A_188, %dma_wait3A_189] : memref<8x3200xf32, #tpu.memory_space<vmem>> -> memref<1x3128xf32, #tpu.memory_space<vmem>>
      %dma_wait3A_191 = tpu.memref_squeeze %dma_wait3A_190 : memref<1x3128xf32, #tpu.memory_space<vmem>> -> memref<3128xf32, #tpu.memory_space<vmem>>
      %dma_wait3A_192 = tpu.memref_slice %arg4[%dma_wait3A_187, %mul3A_8] : memref<2x100000xf32, #tpu.memory_space<hbm>> -> memref<1x3128xf32, #tpu.memory_space<hbm>>
      %dma_wait3A_193 = tpu.memref_squeeze %dma_wait3A_192 : memref<1x3128xf32, #tpu.memory_space<hbm>> -> memref<3128xf32, #tpu.memory_space<hbm>>
      %dma_wait3A_194 = arith.constant 0 : i32
      %dma_wait3A_195 = tpu.memref_slice %arg6[%dma_wait3A_188, %dma_wait3A_194] : memref<8x3200xf32, #tpu.memory_space<vmem>> -> memref<1x3128xf32, #tpu.memory_space<vmem>>
      %dma_wait3A_196 = tpu.memref_squeeze %dma_wait3A_195 : memref<1x3128xf32, #tpu.memory_space<vmem>> -> memref<3128xf32, #tpu.memory_space<vmem>>
      %dma_wait3A_197 = tpu.memref_slice %arg4[%dma_wait3A_187, %mul3A_8] : memref<2x100000xf32, #tpu.memory_space<hbm>> -> memref<1x3128xf32, #tpu.memory_space<hbm>>
      %dma_wait3A_198 = tpu.memref_squeeze %dma_wait3A_197 : memref<1x3128xf32, #tpu.memory_space<hbm>> -> memref<3128xf32, #tpu.memory_space<hbm>>
      tpu.wait_dma2 semaphore(%arg8 : memref<!tpu.dma_semaphore, #tpu.memory_space<semaphore_mem>>) src(%dma_wait3A_198 : memref<3128xf32, #tpu.memory_space<hbm>>) dst(%dma_wait3A_196 : memref<3128xf32, #tpu.memory_space<vmem>>)
      %iota3A = tpu.iota {dimensions = array<i32: 0>} : vector<16xi32>
      %broadcast_in_dim3A = arith.constant 0 : i32
      %broadcast_in_dim3A_199 = vector.broadcast %broadcast_in_dim3A : i32 to vector<16xi32>
      %broadcast_in_dim3A_200 = arith.constant 1 : i32
      %broadcast_in_dim3A_201 = vector.broadcast %broadcast_in_dim3A_200 : i32 to vector<16xi32>
      %broadcast_in_dim3A_202 = arith.constant 2 : i32
      %broadcast_in_dim3A_203 = vector.broadcast %broadcast_in_dim3A_202 : i32 to vector<16xi32>
      %broadcast_in_dim3A_204 = arith.constant 3 : i32
      %broadcast_in_dim3A_205 = vector.broadcast %broadcast_in_dim3A_204 : i32 to vector<16xi32>
      %broadcast_in_dim3A_206 = arith.constant 4 : i32
      %broadcast_in_dim3A_207 = vector.broadcast %broadcast_in_dim3A_206 : i32 to vector<16xi32>
      %broadcast_in_dim3A_208 = arith.constant 5 : i32
      %broadcast_in_dim3A_209 = vector.broadcast %broadcast_in_dim3A_208 : i32 to vector<16xi32>
      %broadcast_in_dim3A_210 = arith.constant 6 : i32
      %broadcast_in_dim3A_211 = vector.broadcast %broadcast_in_dim3A_210 : i32 to vector<16xi32>
      %broadcast_in_dim3A_212 = arith.constant 7 : i32
      %broadcast_in_dim3A_213 = vector.broadcast %broadcast_in_dim3A_212 : i32 to vector<16xi32>
      %parallel_loop3A = arith.constant 0 : i32
      %parallel_loop3A_214 = arith.constant 200 : i32
      %parallel_loop3A_215 = arith.constant 1 : i32
      scf.for %parallel_loop3A_216 = %parallel_loop3A to %parallel_loop3A_214 step %parallel_loop3A_215  : i32 {
        %parallel_loop3A_217 = arith.constant 16 : i32
        %parallel_loop3A_218 = arith.muli %parallel_loop3A_216, %parallel_loop3A_217 : i32
        %parallel_loop3A_219 = vector.broadcast %parallel_loop3A_218 : i32 to vector<16xi32>
        %parallel_loop3A_220 = arith.addi %iota3A, %parallel_loop3A_219 : vector<16xi32>
        %parallel_loop3A_221 = arith.constant 16 : i32
        %parallel_loop3A_222 = arith.muli %parallel_loop3A_216, %parallel_loop3A_221 : i32
        %parallel_loop3A_223 = arith.constant 0 : i32
        %parallel_loop3A_224 = arith.index_cast %parallel_loop3A_223 : i32 to index
        %parallel_loop3A_225 = arith.index_cast %parallel_loop3A_222 : i32 to index
        %parallel_loop3A_226 = tpu.vector_load %arg6[%parallel_loop3A_224, %parallel_loop3A_225] {strides = array<i32>} : memref<8x3200xf32, #tpu.memory_space<vmem>>, vector<16xf32>,
        tpu.vector_store_idx %arg7[%parallel_loop3A_220, %broadcast_in_dim3A_199], %parallel_loop3A_226 : memref<3200x8xf32, #tpu.memory_space<vmem>>[vector<16xi32>, vector<16xi32>], vector<16xf32>,
        %parallel_loop3A_227 = arith.constant 16 : i32
        %parallel_loop3A_228 = arith.muli %parallel_loop3A_216, %parallel_loop3A_227 : i32
        %parallel_loop3A_229 = arith.constant 1 : i32
        %parallel_loop3A_230 = arith.index_cast %parallel_loop3A_229 : i32 to index
        %parallel_loop3A_231 = arith.index_cast %parallel_loop3A_228 : i32 to index
        %parallel_loop3A_232 = tpu.vector_load %arg6[%parallel_loop3A_230, %parallel_loop3A_231] {strides = array<i32>} : memref<8x3200xf32, #tpu.memory_space<vmem>>, vector<16xf32>,
        tpu.vector_store_idx %arg7[%parallel_loop3A_220, %broadcast_in_dim3A_201], %parallel_loop3A_232 : memref<3200x8xf32, #tpu.memory_space<vmem>>[vector<16xi32>, vector<16xi32>], vector<16xf32>,
        %parallel_loop3A_233 = arith.constant 16 : i32
        %parallel_loop3A_234 = arith.muli %parallel_loop3A_216, %parallel_loop3A_233 : i32
        %parallel_loop3A_235 = arith.constant 2 : i32
        %parallel_loop3A_236 = arith.index_cast %parallel_loop3A_235 : i32 to index
        %parallel_loop3A_237 = arith.index_cast %parallel_loop3A_234 : i32 to index
        %parallel_loop3A_238 = tpu.vector_load %arg6[%parallel_loop3A_236, %parallel_loop3A_237] {strides = array<i32>} : memref<8x3200xf32, #tpu.memory_space<vmem>>, vector<16xf32>,
        tpu.vector_store_idx %arg7[%parallel_loop3A_220, %broadcast_in_dim3A_203], %parallel_loop3A_238 : memref<3200x8xf32, #tpu.memory_space<vmem>>[vector<16xi32>, vector<16xi32>], vector<16xf32>,
        %parallel_loop3A_239 = arith.constant 16 : i32
        %parallel_loop3A_240 = arith.muli %parallel_loop3A_216, %parallel_loop3A_239 : i32
        %parallel_loop3A_241 = arith.constant 3 : i32
        %parallel_loop3A_242 = arith.index_cast %parallel_loop3A_241 : i32 to index
        %parallel_loop3A_243 = arith.index_cast %parallel_loop3A_240 : i32 to index
        %parallel_loop3A_244 = tpu.vector_load %arg6[%parallel_loop3A_242, %parallel_loop3A_243] {strides = array<i32>} : memref<8x3200xf32, #tpu.memory_space<vmem>>, vector<16xf32>,
        tpu.vector_store_idx %arg7[%parallel_loop3A_220, %broadcast_in_dim3A_205], %parallel_loop3A_244 : memref<3200x8xf32, #tpu.memory_space<vmem>>[vector<16xi32>, vector<16xi32>], vector<16xf32>,
        %parallel_loop3A_245 = arith.constant 16 : i32
        %parallel_loop3A_246 = arith.muli %parallel_loop3A_216, %parallel_loop3A_245 : i32
        %parallel_loop3A_247 = arith.constant 4 : i32
        %parallel_loop3A_248 = arith.index_cast %parallel_loop3A_247 : i32 to index
        %parallel_loop3A_249 = arith.index_cast %parallel_loop3A_246 : i32 to index
        %parallel_loop3A_250 = tpu.vector_load %arg6[%parallel_loop3A_248, %parallel_loop3A_249] {strides = array<i32>} : memref<8x3200xf32, #tpu.memory_space<vmem>>, vector<16xf32>,
        tpu.vector_store_idx %arg7[%parallel_loop3A_220, %broadcast_in_dim3A_207], %parallel_loop3A_250 : memref<3200x8xf32, #tpu.memory_space<vmem>>[vector<16xi32>, vector<16xi32>], vector<16xf32>,
        %parallel_loop3A_251 = arith.constant 16 : i32
        %parallel_loop3A_252 = arith.muli %parallel_loop3A_216, %parallel_loop3A_251 : i32
        %parallel_loop3A_253 = arith.constant 5 : i32
        %parallel_loop3A_254 = arith.index_cast %parallel_loop3A_253 : i32 to index
        %parallel_loop3A_255 = arith.index_cast %parallel_loop3A_252 : i32 to index
        %parallel_loop3A_256 = tpu.vector_load %arg6[%parallel_loop3A_254, %parallel_loop3A_255] {strides = array<i32>} : memref<8x3200xf32, #tpu.memory_space<vmem>>, vector<16xf32>,
        tpu.vector_store_idx %arg7[%parallel_loop3A_220, %broadcast_in_dim3A_209], %parallel_loop3A_256 : memref<3200x8xf32, #tpu.memory_space<vmem>>[vector<16xi32>, vector<16xi32>], vector<16xf32>,
        %parallel_loop3A_257 = arith.constant 16 : i32
        %parallel_loop3A_258 = arith.muli %parallel_loop3A_216, %parallel_loop3A_257 : i32
        %parallel_loop3A_259 = arith.constant 6 : i32
        %parallel_loop3A_260 = arith.index_cast %parallel_loop3A_259 : i32 to index
        %parallel_loop3A_261 = arith.index_cast %parallel_loop3A_258 : i32 to index
        %parallel_loop3A_262 = tpu.vector_load %arg6[%parallel_loop3A_260, %parallel_loop3A_261] {strides = array<i32>} : memref<8x3200xf32, #tpu.memory_space<vmem>>, vector<16xf32>,
        tpu.vector_store_idx %arg7[%parallel_loop3A_220, %broadcast_in_dim3A_211], %parallel_loop3A_262 : memref<3200x8xf32, #tpu.memory_space<vmem>>[vector<16xi32>, vector<16xi32>], vector<16xf32>,
        %parallel_loop3A_263 = arith.constant 16 : i32
        %parallel_loop3A_264 = arith.muli %parallel_loop3A_216, %parallel_loop3A_263 : i32
        %parallel_loop3A_265 = arith.constant 7 : i32
        %parallel_loop3A_266 = arith.index_cast %parallel_loop3A_265 : i32 to index
        %parallel_loop3A_267 = arith.index_cast %parallel_loop3A_264 : i32 to index
        %parallel_loop3A_268 = tpu.vector_load %arg6[%parallel_loop3A_266, %parallel_loop3A_267] {strides = array<i32>} : memref<8x3200xf32, #tpu.memory_space<vmem>>, vector<16xf32>,
        tpu.vector_store_idx %arg7[%parallel_loop3A_220, %broadcast_in_dim3A_213], %parallel_loop3A_268 : memref<3200x8xf32, #tpu.memory_space<vmem>>[vector<16xi32>, vector<16xi32>], vector<16xf32>,
      } {sc.loop_unroll_factor = 16 : i64, sc.parallel_access}
      "tpu.region"() ({
        %run_scoped3A = tpu.sem_alloc : memref<!tpu.dma_semaphore, #tpu.memory_space<semaphore_mem>>
        %dma_start3A_216 = arith.constant 0 : i32
        %dma_start3A_217 = arith.constant 0 : i32
        %dma_start3A_218 = tpu.memref_slice %arg7[%dma_start3A_216, %dma_start3A_217] : memref<3200x8xf32, #tpu.memory_space<vmem>> -> memref<3128x8xf32, #tpu.memory_space<vmem>>
        %dma_start3A_219 = arith.constant 0 : i32
        %dma_start3A_220 = tpu.memref_slice %arg5[%mul3A_8, %dma_start3A_219] : memref<100000x8xf32, #tpu.memory_space<hbm>> -> memref<3128x8xf32, #tpu.memory_space<hbm>>
        %dma_start3A_221 = arith.constant 0 : i32
        %dma_start3A_222 = tpu.memref_slice %arg5[%mul3A_8, %dma_start3A_221] : memref<100000x8xf32, #tpu.memory_space<hbm>> -> memref<3128x8xf32, #tpu.memory_space<hbm>>
        %dma_start3A_223 = arith.constant 0 : i32
        %dma_start3A_224 = arith.constant 0 : i32
        %dma_start3A_225 = tpu.memref_slice %arg7[%dma_start3A_223, %dma_start3A_224] : memref<3200x8xf32, #tpu.memory_space<vmem>> -> memref<3128x8xf32, #tpu.memory_space<vmem>>
        tpu.enqueue_dma source(%dma_start3A_225 : memref<3128x8xf32, #tpu.memory_space<vmem>>) target(%dma_start3A_222 : memref<3128x8xf32, #tpu.memory_space<hbm>>) target_semaphore(%run_scoped3A : memref<!tpu.dma_semaphore, #tpu.memory_space<semaphore_mem>>)
        %dma_wait3A_226 = arith.constant 0 : i32
        %dma_wait3A_227 = arith.constant 0 : i32
        %dma_wait3A_228 = tpu.memref_slice %arg7[%dma_wait3A_226, %dma_wait3A_227] : memref<3200x8xf32, #tpu.memory_space<vmem>> -> memref<3128x8xf32, #tpu.memory_space<vmem>>
        %dma_wait3A_229 = arith.constant 0 : i32
        %dma_wait3A_230 = tpu.memref_slice %arg5[%mul3A_8, %dma_wait3A_229] : memref<100000x8xf32, #tpu.memory_space<hbm>> -> memref<3128x8xf32, #tpu.memory_space<hbm>>
        %dma_wait3A_231 = arith.constant 0 : i32
        %dma_wait3A_232 = tpu.memref_slice %arg5[%mul3A_8, %dma_wait3A_231] : memref<100000x8xf32, #tpu.memory_space<hbm>> -> memref<3128x8xf32, #tpu.memory_space<hbm>>
        %dma_wait3A_233 = arith.constant 0 : i32
        %dma_wait3A_234 = arith.constant 0 : i32
        %dma_wait3A_235 = tpu.memref_slice %arg7[%dma_wait3A_233, %dma_wait3A_234] : memref<3200x8xf32, #tpu.memory_space<vmem>> -> memref<3128x8xf32, #tpu.memory_space<vmem>>
        tpu.wait_dma2 semaphore(%run_scoped3A : memref<!tpu.dma_semaphore, #tpu.memory_space<semaphore_mem>>) src(%dma_wait3A_235 : memref<3128x8xf32, #tpu.memory_space<vmem>>) dst(%dma_wait3A_232 : memref<3128x8xf32, #tpu.memory_space<hbm>>)
        tpu.yield
      }) : () -> ()
    } else {
    }
    %eq3A = arith.constant 31 : i32
    %eq3A_3 = arith.cmpi eq, %add3A, %eq3A : i32
    %convert_element_type3A_4 = arith.extui %eq3A_3 : i1 to i32
    %cond3A_5 = arith.constant 0 : i32
    %cond3A_6 = arith.cmpi ne, %convert_element_type3A_4, %cond3A_5 : i32
    scf.if %cond3A_6 {
      %dma_start3A = arith.constant 0 : i32
      %dma_start3A_7 = arith.constant 0 : i32
      %dma_start3A_8 = arith.constant 0 : i32
      %dma_start3A_9 = tpu.memref_slice %arg6[%dma_start3A_7, %dma_start3A_8] : memref<8x3200xf32, #tpu.memory_space<vmem>> -> memref<1x3032xf32, #tpu.memory_space<vmem>>
      %dma_start3A_10 = tpu.memref_squeeze %dma_start3A_9 : memref<1x3032xf32, #tpu.memory_space<vmem>> -> memref<3032xf32, #tpu.memory_space<vmem>>
      %dma_start3A_11 = arith.constant 96968 : i32
      %dma_start3A_12 = tpu.memref_slice %arg2[%dma_start3A, %dma_start3A_11] : memref<3x100000xf32, #tpu.memory_space<hbm>> -> memref<1x3032xf32, #tpu.memory_space<hbm>>
      %dma_start3A_13 = tpu.memref_squeeze %dma_start3A_12 : memref<1x3032xf32, #tpu.memory_space<hbm>> -> memref<3032xf32, #tpu.memory_space<hbm>>
      %dma_start3A_14 = arith.constant 0 : i32
      %dma_start3A_15 = tpu.memref_slice %arg6[%dma_start3A_7, %dma_start3A_14] : memref<8x3200xf32, #tpu.memory_space<vmem>> -> memref<1x3032xf32, #tpu.memory_space<vmem>>
      %dma_start3A_16 = tpu.memref_squeeze %dma_start3A_15 : memref<1x3032xf32, #tpu.memory_space<vmem>> -> memref<3032xf32, #tpu.memory_space<vmem>>
      %dma_start3A_17 = arith.constant 96968 : i32
      %dma_start3A_18 = tpu.memref_slice %arg2[%dma_start3A, %dma_start3A_17] : memref<3x100000xf32, #tpu.memory_space<hbm>> -> memref<1x3032xf32, #tpu.memory_space<hbm>>
      %dma_start3A_19 = tpu.memref_squeeze %dma_start3A_18 : memref<1x3032xf32, #tpu.memory_space<hbm>> -> memref<3032xf32, #tpu.memory_space<hbm>>
      tpu.enqueue_dma source(%dma_start3A_19 : memref<3032xf32, #tpu.memory_space<hbm>>) target(%dma_start3A_16 : memref<3032xf32, #tpu.memory_space<vmem>>) target_semaphore(%arg8 : memref<!tpu.dma_semaphore, #tpu.memory_space<semaphore_mem>>)
      %dma_start3A_20 = arith.constant 0 : i32
      %dma_start3A_21 = arith.constant 3 : i32
      %dma_start3A_22 = arith.constant 0 : i32
      %dma_start3A_23 = tpu.memref_slice %arg6[%dma_start3A_21, %dma_start3A_22] : memref<8x3200xf32, #tpu.memory_space<vmem>> -> memref<1x3032xf32, #tpu.memory_space<vmem>>
      %dma_start3A_24 = tpu.memref_squeeze %dma_start3A_23 : memref<1x3032xf32, #tpu.memory_space<vmem>> -> memref<3032xf32, #tpu.memory_space<vmem>>
      %dma_start3A_25 = arith.constant 96968 : i32
      %dma_start3A_26 = tpu.memref_slice %arg3[%dma_start3A_20, %dma_start3A_25] : memref<3x100000xf32, #tpu.memory_space<hbm>> -> memref<1x3032xf32, #tpu.memory_space<hbm>>
      %dma_start3A_27 = tpu.memref_squeeze %dma_start3A_26 : memref<1x3032xf32, #tpu.memory_space<hbm>> -> memref<3032xf32, #tpu.memory_space<hbm>>
      %dma_start3A_28 = arith.constant 0 : i32
      %dma_start3A_29 = tpu.memref_slice %arg6[%dma_start3A_21, %dma_start3A_28] : memref<8x3200xf32, #tpu.memory_space<vmem>> -> memref<1x3032xf32, #tpu.memory_space<vmem>>
      %dma_start3A_30 = tpu.memref_squeeze %dma_start3A_29 : memref<1x3032xf32, #tpu.memory_space<vmem>> -> memref<3032xf32, #tpu.memory_space<vmem>>
      %dma_start3A_31 = arith.constant 96968 : i32
      %dma_start3A_32 = tpu.memref_slice %arg3[%dma_start3A_20, %dma_start3A_31] : memref<3x100000xf32, #tpu.memory_space<hbm>> -> memref<1x3032xf32, #tpu.memory_space<hbm>>
      %dma_start3A_33 = tpu.memref_squeeze %dma_start3A_32 : memref<1x3032xf32, #tpu.memory_space<hbm>> -> memref<3032xf32, #tpu.memory_space<hbm>>
      tpu.enqueue_dma source(%dma_start3A_33 : memref<3032xf32, #tpu.memory_space<hbm>>) target(%dma_start3A_30 : memref<3032xf32, #tpu.memory_space<vmem>>) target_semaphore(%arg8 : memref<!tpu.dma_semaphore, #tpu.memory_space<semaphore_mem>>)
      %dma_start3A_34 = arith.constant 1 : i32
      %dma_start3A_35 = arith.constant 1 : i32
      %dma_start3A_36 = arith.constant 0 : i32
      %dma_start3A_37 = tpu.memref_slice %arg6[%dma_start3A_35, %dma_start3A_36] : memref<8x3200xf32, #tpu.memory_space<vmem>> -> memref<1x3032xf32, #tpu.memory_space<vmem>>
      %dma_start3A_38 = tpu.memref_squeeze %dma_start3A_37 : memref<1x3032xf32, #tpu.memory_space<vmem>> -> memref<3032xf32, #tpu.memory_space<vmem>>
      %dma_start3A_39 = arith.constant 96968 : i32
      %dma_start3A_40 = tpu.memref_slice %arg2[%dma_start3A_34, %dma_start3A_39] : memref<3x100000xf32, #tpu.memory_space<hbm>> -> memref<1x3032xf32, #tpu.memory_space<hbm>>
      %dma_start3A_41 = tpu.memref_squeeze %dma_start3A_40 : memref<1x3032xf32, #tpu.memory_space<hbm>> -> memref<3032xf32, #tpu.memory_space<hbm>>
      %dma_start3A_42 = arith.constant 0 : i32
      %dma_start3A_43 = tpu.memref_slice %arg6[%dma_start3A_35, %dma_start3A_42] : memref<8x3200xf32, #tpu.memory_space<vmem>> -> memref<1x3032xf32, #tpu.memory_space<vmem>>
      %dma_start3A_44 = tpu.memref_squeeze %dma_start3A_43 : memref<1x3032xf32, #tpu.memory_space<vmem>> -> memref<3032xf32, #tpu.memory_space<vmem>>
      %dma_start3A_45 = arith.constant 96968 : i32
      %dma_start3A_46 = tpu.memref_slice %arg2[%dma_start3A_34, %dma_start3A_45] : memref<3x100000xf32, #tpu.memory_space<hbm>> -> memref<1x3032xf32, #tpu.memory_space<hbm>>
      %dma_start3A_47 = tpu.memref_squeeze %dma_start3A_46 : memref<1x3032xf32, #tpu.memory_space<hbm>> -> memref<3032xf32, #tpu.memory_space<hbm>>
      tpu.enqueue_dma source(%dma_start3A_47 : memref<3032xf32, #tpu.memory_space<hbm>>) target(%dma_start3A_44 : memref<3032xf32, #tpu.memory_space<vmem>>) target_semaphore(%arg8 : memref<!tpu.dma_semaphore, #tpu.memory_space<semaphore_mem>>)
      %dma_start3A_48 = arith.constant 1 : i32
      %dma_start3A_49 = arith.constant 4 : i32
      %dma_start3A_50 = arith.constant 0 : i32
      %dma_start3A_51 = tpu.memref_slice %arg6[%dma_start3A_49, %dma_start3A_50] : memref<8x3200xf32, #tpu.memory_space<vmem>> -> memref<1x3032xf32, #tpu.memory_space<vmem>>
      %dma_start3A_52 = tpu.memref_squeeze %dma_start3A_51 : memref<1x3032xf32, #tpu.memory_space<vmem>> -> memref<3032xf32, #tpu.memory_space<vmem>>
      %dma_start3A_53 = arith.constant 96968 : i32
      %dma_start3A_54 = tpu.memref_slice %arg3[%dma_start3A_48, %dma_start3A_53] : memref<3x100000xf32, #tpu.memory_space<hbm>> -> memref<1x3032xf32, #tpu.memory_space<hbm>>
      %dma_start3A_55 = tpu.memref_squeeze %dma_start3A_54 : memref<1x3032xf32, #tpu.memory_space<hbm>> -> memref<3032xf32, #tpu.memory_space<hbm>>
      %dma_start3A_56 = arith.constant 0 : i32
      %dma_start3A_57 = tpu.memref_slice %arg6[%dma_start3A_49, %dma_start3A_56] : memref<8x3200xf32, #tpu.memory_space<vmem>> -> memref<1x3032xf32, #tpu.memory_space<vmem>>
      %dma_start3A_58 = tpu.memref_squeeze %dma_start3A_57 : memref<1x3032xf32, #tpu.memory_space<vmem>> -> memref<3032xf32, #tpu.memory_space<vmem>>
      %dma_start3A_59 = arith.constant 96968 : i32
      %dma_start3A_60 = tpu.memref_slice %arg3[%dma_start3A_48, %dma_start3A_59] : memref<3x100000xf32, #tpu.memory_space<hbm>> -> memref<1x3032xf32, #tpu.memory_space<hbm>>
      %dma_start3A_61 = tpu.memref_squeeze %dma_start3A_60 : memref<1x3032xf32, #tpu.memory_space<hbm>> -> memref<3032xf32, #tpu.memory_space<hbm>>
      tpu.enqueue_dma source(%dma_start3A_61 : memref<3032xf32, #tpu.memory_space<hbm>>) target(%dma_start3A_58 : memref<3032xf32, #tpu.memory_space<vmem>>) target_semaphore(%arg8 : memref<!tpu.dma_semaphore, #tpu.memory_space<semaphore_mem>>)
      %dma_start3A_62 = arith.constant 2 : i32
      %dma_start3A_63 = arith.constant 2 : i32
      %dma_start3A_64 = arith.constant 0 : i32
      %dma_start3A_65 = tpu.memref_slice %arg6[%dma_start3A_63, %dma_start3A_64] : memref<8x3200xf32, #tpu.memory_space<vmem>> -> memref<1x3032xf32, #tpu.memory_space<vmem>>
      %dma_start3A_66 = tpu.memref_squeeze %dma_start3A_65 : memref<1x3032xf32, #tpu.memory_space<vmem>> -> memref<3032xf32, #tpu.memory_space<vmem>>
      %dma_start3A_67 = arith.constant 96968 : i32
      %dma_start3A_68 = tpu.memref_slice %arg2[%dma_start3A_62, %dma_start3A_67] : memref<3x100000xf32, #tpu.memory_space<hbm>> -> memref<1x3032xf32, #tpu.memory_space<hbm>>
      %dma_start3A_69 = tpu.memref_squeeze %dma_start3A_68 : memref<1x3032xf32, #tpu.memory_space<hbm>> -> memref<3032xf32, #tpu.memory_space<hbm>>
      %dma_start3A_70 = arith.constant 0 : i32
      %dma_start3A_71 = tpu.memref_slice %arg6[%dma_start3A_63, %dma_start3A_70] : memref<8x3200xf32, #tpu.memory_space<vmem>> -> memref<1x3032xf32, #tpu.memory_space<vmem>>
      %dma_start3A_72 = tpu.memref_squeeze %dma_start3A_71 : memref<1x3032xf32, #tpu.memory_space<vmem>> -> memref<3032xf32, #tpu.memory_space<vmem>>
      %dma_start3A_73 = arith.constant 96968 : i32
      %dma_start3A_74 = tpu.memref_slice %arg2[%dma_start3A_62, %dma_start3A_73] : memref<3x100000xf32, #tpu.memory_space<hbm>> -> memref<1x3032xf32, #tpu.memory_space<hbm>>
      %dma_start3A_75 = tpu.memref_squeeze %dma_start3A_74 : memref<1x3032xf32, #tpu.memory_space<hbm>> -> memref<3032xf32, #tpu.memory_space<hbm>>
      tpu.enqueue_dma source(%dma_start3A_75 : memref<3032xf32, #tpu.memory_space<hbm>>) target(%dma_start3A_72 : memref<3032xf32, #tpu.memory_space<vmem>>) target_semaphore(%arg8 : memref<!tpu.dma_semaphore, #tpu.memory_space<semaphore_mem>>)
      %dma_start3A_76 = arith.constant 2 : i32
      %dma_start3A_77 = arith.constant 5 : i32
      %dma_start3A_78 = arith.constant 0 : i32
      %dma_start3A_79 = tpu.memref_slice %arg6[%dma_start3A_77, %dma_start3A_78] : memref<8x3200xf32, #tpu.memory_space<vmem>> -> memref<1x3032xf32, #tpu.memory_space<vmem>>
      %dma_start3A_80 = tpu.memref_squeeze %dma_start3A_79 : memref<1x3032xf32, #tpu.memory_space<vmem>> -> memref<3032xf32, #tpu.memory_space<vmem>>
      %dma_start3A_81 = arith.constant 96968 : i32
      %dma_start3A_82 = tpu.memref_slice %arg3[%dma_start3A_76, %dma_start3A_81] : memref<3x100000xf32, #tpu.memory_space<hbm>> -> memref<1x3032xf32, #tpu.memory_space<hbm>>
      %dma_start3A_83 = tpu.memref_squeeze %dma_start3A_82 : memref<1x3032xf32, #tpu.memory_space<hbm>> -> memref<3032xf32, #tpu.memory_space<hbm>>
      %dma_start3A_84 = arith.constant 0 : i32
      %dma_start3A_85 = tpu.memref_slice %arg6[%dma_start3A_77, %dma_start3A_84] : memref<8x3200xf32, #tpu.memory_space<vmem>> -> memref<1x3032xf32, #tpu.memory_space<vmem>>
      %dma_start3A_86 = tpu.memref_squeeze %dma_start3A_85 : memref<1x3032xf32, #tpu.memory_space<vmem>> -> memref<3032xf32, #tpu.memory_space<vmem>>
      %dma_start3A_87 = arith.constant 96968 : i32
      %dma_start3A_88 = tpu.memref_slice %arg3[%dma_start3A_76, %dma_start3A_87] : memref<3x100000xf32, #tpu.memory_space<hbm>> -> memref<1x3032xf32, #tpu.memory_space<hbm>>
      %dma_start3A_89 = tpu.memref_squeeze %dma_start3A_88 : memref<1x3032xf32, #tpu.memory_space<hbm>> -> memref<3032xf32, #tpu.memory_space<hbm>>
      tpu.enqueue_dma source(%dma_start3A_89 : memref<3032xf32, #tpu.memory_space<hbm>>) target(%dma_start3A_86 : memref<3032xf32, #tpu.memory_space<vmem>>) target_semaphore(%arg8 : memref<!tpu.dma_semaphore, #tpu.memory_space<semaphore_mem>>)
      %dma_start3A_90 = arith.constant 0 : i32
      %dma_start3A_91 = arith.constant 6 : i32
      %dma_start3A_92 = arith.constant 0 : i32
      %dma_start3A_93 = tpu.memref_slice %arg6[%dma_start3A_91, %dma_start3A_92] : memref<8x3200xf32, #tpu.memory_space<vmem>> -> memref<1x3032xf32, #tpu.memory_space<vmem>>
      %dma_start3A_94 = tpu.memref_squeeze %dma_start3A_93 : memref<1x3032xf32, #tpu.memory_space<vmem>> -> memref<3032xf32, #tpu.memory_space<vmem>>
      %dma_start3A_95 = arith.constant 96968 : i32
      %dma_start3A_96 = tpu.memref_slice %arg4[%dma_start3A_90, %dma_start3A_95] : memref<2x100000xf32, #tpu.memory_space<hbm>> -> memref<1x3032xf32, #tpu.memory_space<hbm>>
      %dma_start3A_97 = tpu.memref_squeeze %dma_start3A_96 : memref<1x3032xf32, #tpu.memory_space<hbm>> -> memref<3032xf32, #tpu.memory_space<hbm>>
      %dma_start3A_98 = arith.constant 0 : i32
      %dma_start3A_99 = tpu.memref_slice %arg6[%dma_start3A_91, %dma_start3A_98] : memref<8x3200xf32, #tpu.memory_space<vmem>> -> memref<1x3032xf32, #tpu.memory_space<vmem>>
      %dma_start3A_100 = tpu.memref_squeeze %dma_start3A_99 : memref<1x3032xf32, #tpu.memory_space<vmem>> -> memref<3032xf32, #tpu.memory_space<vmem>>
      %dma_start3A_101 = arith.constant 96968 : i32
      %dma_start3A_102 = tpu.memref_slice %arg4[%dma_start3A_90, %dma_start3A_101] : memref<2x100000xf32, #tpu.memory_space<hbm>> -> memref<1x3032xf32, #tpu.memory_space<hbm>>
      %dma_start3A_103 = tpu.memref_squeeze %dma_start3A_102 : memref<1x3032xf32, #tpu.memory_space<hbm>> -> memref<3032xf32, #tpu.memory_space<hbm>>
      tpu.enqueue_dma source(%dma_start3A_103 : memref<3032xf32, #tpu.memory_space<hbm>>) target(%dma_start3A_100 : memref<3032xf32, #tpu.memory_space<vmem>>) target_semaphore(%arg8 : memref<!tpu.dma_semaphore, #tpu.memory_space<semaphore_mem>>)
      %dma_start3A_104 = arith.constant 1 : i32
      %dma_start3A_105 = arith.constant 7 : i32
      %dma_start3A_106 = arith.constant 0 : i32
      %dma_start3A_107 = tpu.memref_slice %arg6[%dma_start3A_105, %dma_start3A_106] : memref<8x3200xf32, #tpu.memory_space<vmem>> -> memref<1x3032xf32, #tpu.memory_space<vmem>>
      %dma_start3A_108 = tpu.memref_squeeze %dma_start3A_107 : memref<1x3032xf32, #tpu.memory_space<vmem>> -> memref<3032xf32, #tpu.memory_space<vmem>>
      %dma_start3A_109 = arith.constant 96968 : i32
      %dma_start3A_110 = tpu.memref_slice %arg4[%dma_start3A_104, %dma_start3A_109] : memref<2x100000xf32, #tpu.memory_space<hbm>> -> memref<1x3032xf32, #tpu.memory_space<hbm>>
      %dma_start3A_111 = tpu.memref_squeeze %dma_start3A_110 : memref<1x3032xf32, #tpu.memory_space<hbm>> -> memref<3032xf32, #tpu.memory_space<hbm>>
      %dma_start3A_112 = arith.constant 0 : i32
      %dma_start3A_113 = tpu.memref_slice %arg6[%dma_start3A_105, %dma_start3A_112] : memref<8x3200xf32, #tpu.memory_space<vmem>> -> memref<1x3032xf32, #tpu.memory_space<vmem>>
      %dma_start3A_114 = tpu.memref_squeeze %dma_start3A_113 : memref<1x3032xf32, #tpu.memory_space<vmem>> -> memref<3032xf32, #tpu.memory_space<vmem>>
      %dma_start3A_115 = arith.constant 96968 : i32
      %dma_start3A_116 = tpu.memref_slice %arg4[%dma_start3A_104, %dma_start3A_115] : memref<2x100000xf32, #tpu.memory_space<hbm>> -> memref<1x3032xf32, #tpu.memory_space<hbm>>
      %dma_start3A_117 = tpu.memref_squeeze %dma_start3A_116 : memref<1x3032xf32, #tpu.memory_space<hbm>> -> memref<3032xf32, #tpu.memory_space<hbm>>
      tpu.enqueue_dma source(%dma_start3A_117 : memref<3032xf32, #tpu.memory_space<hbm>>) target(%dma_start3A_114 : memref<3032xf32, #tpu.memory_space<vmem>>) target_semaphore(%arg8 : memref<!tpu.dma_semaphore, #tpu.memory_space<semaphore_mem>>)
      %dma_wait3A = arith.constant 0 : i32
      %dma_wait3A_118 = arith.constant 0 : i32
      %dma_wait3A_119 = arith.constant 0 : i32
      %dma_wait3A_120 = tpu.memref_slice %arg6[%dma_wait3A_118, %dma_wait3A_119] : memref<8x3200xf32, #tpu.memory_space<vmem>> -> memref<1x3032xf32, #tpu.memory_space<vmem>>
      %dma_wait3A_121 = tpu.memref_squeeze %dma_wait3A_120 : memref<1x3032xf32, #tpu.memory_space<vmem>> -> memref<3032xf32, #tpu.memory_space<vmem>>
      %dma_wait3A_122 = arith.constant 96968 : i32
      %dma_wait3A_123 = tpu.memref_slice %arg2[%dma_wait3A, %dma_wait3A_122] : memref<3x100000xf32, #tpu.memory_space<hbm>> -> memref<1x3032xf32, #tpu.memory_space<hbm>>
      %dma_wait3A_124 = tpu.memref_squeeze %dma_wait3A_123 : memref<1x3032xf32, #tpu.memory_space<hbm>> -> memref<3032xf32, #tpu.memory_space<hbm>>
      %dma_wait3A_125 = arith.constant 0 : i32
      %dma_wait3A_126 = tpu.memref_slice %arg6[%dma_wait3A_118, %dma_wait3A_125] : memref<8x3200xf32, #tpu.memory_space<vmem>> -> memref<1x3032xf32, #tpu.memory_space<vmem>>
      %dma_wait3A_127 = tpu.memref_squeeze %dma_wait3A_126 : memref<1x3032xf32, #tpu.memory_space<vmem>> -> memref<3032xf32, #tpu.memory_space<vmem>>
      %dma_wait3A_128 = arith.constant 96968 : i32
      %dma_wait3A_129 = tpu.memref_slice %arg2[%dma_wait3A, %dma_wait3A_128] : memref<3x100000xf32, #tpu.memory_space<hbm>> -> memref<1x3032xf32, #tpu.memory_space<hbm>>
      %dma_wait3A_130 = tpu.memref_squeeze %dma_wait3A_129 : memref<1x3032xf32, #tpu.memory_space<hbm>> -> memref<3032xf32, #tpu.memory_space<hbm>>
      tpu.wait_dma2 semaphore(%arg8 : memref<!tpu.dma_semaphore, #tpu.memory_space<semaphore_mem>>) src(%dma_wait3A_130 : memref<3032xf32, #tpu.memory_space<hbm>>) dst(%dma_wait3A_127 : memref<3032xf32, #tpu.memory_space<vmem>>)
      %dma_wait3A_131 = arith.constant 0 : i32
      %dma_wait3A_132 = arith.constant 3 : i32
      %dma_wait3A_133 = arith.constant 0 : i32
      %dma_wait3A_134 = tpu.memref_slice %arg6[%dma_wait3A_132, %dma_wait3A_133] : memref<8x3200xf32, #tpu.memory_space<vmem>> -> memref<1x3032xf32, #tpu.memory_space<vmem>>
      %dma_wait3A_135 = tpu.memref_squeeze %dma_wait3A_134 : memref<1x3032xf32, #tpu.memory_space<vmem>> -> memref<3032xf32, #tpu.memory_space<vmem>>
      %dma_wait3A_136 = arith.constant 96968 : i32
      %dma_wait3A_137 = tpu.memref_slice %arg3[%dma_wait3A_131, %dma_wait3A_136] : memref<3x100000xf32, #tpu.memory_space<hbm>> -> memref<1x3032xf32, #tpu.memory_space<hbm>>
      %dma_wait3A_138 = tpu.memref_squeeze %dma_wait3A_137 : memref<1x3032xf32, #tpu.memory_space<hbm>> -> memref<3032xf32, #tpu.memory_space<hbm>>
      %dma_wait3A_139 = arith.constant 0 : i32
      %dma_wait3A_140 = tpu.memref_slice %arg6[%dma_wait3A_132, %dma_wait3A_139] : memref<8x3200xf32, #tpu.memory_space<vmem>> -> memref<1x3032xf32, #tpu.memory_space<vmem>>
      %dma_wait3A_141 = tpu.memref_squeeze %dma_wait3A_140 : memref<1x3032xf32, #tpu.memory_space<vmem>> -> memref<3032xf32, #tpu.memory_space<vmem>>
      %dma_wait3A_142 = arith.constant 96968 : i32
      %dma_wait3A_143 = tpu.memref_slice %arg3[%dma_wait3A_131, %dma_wait3A_142] : memref<3x100000xf32, #tpu.memory_space<hbm>> -> memref<1x3032xf32, #tpu.memory_space<hbm>>
      %dma_wait3A_144 = tpu.memref_squeeze %dma_wait3A_143 : memref<1x3032xf32, #tpu.memory_space<hbm>> -> memref<3032xf32, #tpu.memory_space<hbm>>
      tpu.wait_dma2 semaphore(%arg8 : memref<!tpu.dma_semaphore, #tpu.memory_space<semaphore_mem>>) src(%dma_wait3A_144 : memref<3032xf32, #tpu.memory_space<hbm>>) dst(%dma_wait3A_141 : memref<3032xf32, #tpu.memory_space<vmem>>)
      %dma_wait3A_145 = arith.constant 1 : i32
      %dma_wait3A_146 = arith.constant 1 : i32
      %dma_wait3A_147 = arith.constant 0 : i32
      %dma_wait3A_148 = tpu.memref_slice %arg6[%dma_wait3A_146, %dma_wait3A_147] : memref<8x3200xf32, #tpu.memory_space<vmem>> -> memref<1x3032xf32, #tpu.memory_space<vmem>>
      %dma_wait3A_149 = tpu.memref_squeeze %dma_wait3A_148 : memref<1x3032xf32, #tpu.memory_space<vmem>> -> memref<3032xf32, #tpu.memory_space<vmem>>
      %dma_wait3A_150 = arith.constant 96968 : i32
      %dma_wait3A_151 = tpu.memref_slice %arg2[%dma_wait3A_145, %dma_wait3A_150] : memref<3x100000xf32, #tpu.memory_space<hbm>> -> memref<1x3032xf32, #tpu.memory_space<hbm>>
      %dma_wait3A_152 = tpu.memref_squeeze %dma_wait3A_151 : memref<1x3032xf32, #tpu.memory_space<hbm>> -> memref<3032xf32, #tpu.memory_space<hbm>>
      %dma_wait3A_153 = arith.constant 0 : i32
      %dma_wait3A_154 = tpu.memref_slice %arg6[%dma_wait3A_146, %dma_wait3A_153] : memref<8x3200xf32, #tpu.memory_space<vmem>> -> memref<1x3032xf32, #tpu.memory_space<vmem>>
      %dma_wait3A_155 = tpu.memref_squeeze %dma_wait3A_154 : memref<1x3032xf32, #tpu.memory_space<vmem>> -> memref<3032xf32, #tpu.memory_space<vmem>>
      %dma_wait3A_156 = arith.constant 96968 : i32
      %dma_wait3A_157 = tpu.memref_slice %arg2[%dma_wait3A_145, %dma_wait3A_156] : memref<3x100000xf32, #tpu.memory_space<hbm>> -> memref<1x3032xf32, #tpu.memory_space<hbm>>
      %dma_wait3A_158 = tpu.memref_squeeze %dma_wait3A_157 : memref<1x3032xf32, #tpu.memory_space<hbm>> -> memref<3032xf32, #tpu.memory_space<hbm>>
      tpu.wait_dma2 semaphore(%arg8 : memref<!tpu.dma_semaphore, #tpu.memory_space<semaphore_mem>>) src(%dma_wait3A_158 : memref<3032xf32, #tpu.memory_space<hbm>>) dst(%dma_wait3A_155 : memref<3032xf32, #tpu.memory_space<vmem>>)
      %dma_wait3A_159 = arith.constant 1 : i32
      %dma_wait3A_160 = arith.constant 4 : i32
      %dma_wait3A_161 = arith.constant 0 : i32
      %dma_wait3A_162 = tpu.memref_slice %arg6[%dma_wait3A_160, %dma_wait3A_161] : memref<8x3200xf32, #tpu.memory_space<vmem>> -> memref<1x3032xf32, #tpu.memory_space<vmem>>
      %dma_wait3A_163 = tpu.memref_squeeze %dma_wait3A_162 : memref<1x3032xf32, #tpu.memory_space<vmem>> -> memref<3032xf32, #tpu.memory_space<vmem>>
      %dma_wait3A_164 = arith.constant 96968 : i32
      %dma_wait3A_165 = tpu.memref_slice %arg3[%dma_wait3A_159, %dma_wait3A_164] : memref<3x100000xf32, #tpu.memory_space<hbm>> -> memref<1x3032xf32, #tpu.memory_space<hbm>>
      %dma_wait3A_166 = tpu.memref_squeeze %dma_wait3A_165 : memref<1x3032xf32, #tpu.memory_space<hbm>> -> memref<3032xf32, #tpu.memory_space<hbm>>
      %dma_wait3A_167 = arith.constant 0 : i32
      %dma_wait3A_168 = tpu.memref_slice %arg6[%dma_wait3A_160, %dma_wait3A_167] : memref<8x3200xf32, #tpu.memory_space<vmem>> -> memref<1x3032xf32, #tpu.memory_space<vmem>>
      %dma_wait3A_169 = tpu.memref_squeeze %dma_wait3A_168 : memref<1x3032xf32, #tpu.memory_space<vmem>> -> memref<3032xf32, #tpu.memory_space<vmem>>
      %dma_wait3A_170 = arith.constant 96968 : i32
      %dma_wait3A_171 = tpu.memref_slice %arg3[%dma_wait3A_159, %dma_wait3A_170] : memref<3x100000xf32, #tpu.memory_space<hbm>> -> memref<1x3032xf32, #tpu.memory_space<hbm>>
      %dma_wait3A_172 = tpu.memref_squeeze %dma_wait3A_171 : memref<1x3032xf32, #tpu.memory_space<hbm>> -> memref<3032xf32, #tpu.memory_space<hbm>>
      tpu.wait_dma2 semaphore(%arg8 : memref<!tpu.dma_semaphore, #tpu.memory_space<semaphore_mem>>) src(%dma_wait3A_172 : memref<3032xf32, #tpu.memory_space<hbm>>) dst(%dma_wait3A_169 : memref<3032xf32, #tpu.memory_space<vmem>>)
      %dma_wait3A_173 = arith.constant 2 : i32
      %dma_wait3A_174 = arith.constant 2 : i32
      %dma_wait3A_175 = arith.constant 0 : i32
      %dma_wait3A_176 = tpu.memref_slice %arg6[%dma_wait3A_174, %dma_wait3A_175] : memref<8x3200xf32, #tpu.memory_space<vmem>> -> memref<1x3032xf32, #tpu.memory_space<vmem>>
      %dma_wait3A_177 = tpu.memref_squeeze %dma_wait3A_176 : memref<1x3032xf32, #tpu.memory_space<vmem>> -> memref<3032xf32, #tpu.memory_space<vmem>>
      %dma_wait3A_178 = arith.constant 96968 : i32
      %dma_wait3A_179 = tpu.memref_slice %arg2[%dma_wait3A_173, %dma_wait3A_178] : memref<3x100000xf32, #tpu.memory_space<hbm>> -> memref<1x3032xf32, #tpu.memory_space<hbm>>
      %dma_wait3A_180 = tpu.memref_squeeze %dma_wait3A_179 : memref<1x3032xf32, #tpu.memory_space<hbm>> -> memref<3032xf32, #tpu.memory_space<hbm>>
      %dma_wait3A_181 = arith.constant 0 : i32
      %dma_wait3A_182 = tpu.memref_slice %arg6[%dma_wait3A_174, %dma_wait3A_181] : memref<8x3200xf32, #tpu.memory_space<vmem>> -> memref<1x3032xf32, #tpu.memory_space<vmem>>
      %dma_wait3A_183 = tpu.memref_squeeze %dma_wait3A_182 : memref<1x3032xf32, #tpu.memory_space<vmem>> -> memref<3032xf32, #tpu.memory_space<vmem>>
      %dma_wait3A_184 = arith.constant 96968 : i32
      %dma_wait3A_185 = tpu.memref_slice %arg2[%dma_wait3A_173, %dma_wait3A_184] : memref<3x100000xf32, #tpu.memory_space<hbm>> -> memref<1x3032xf32, #tpu.memory_space<hbm>>
      %dma_wait3A_186 = tpu.memref_squeeze %dma_wait3A_185 : memref<1x3032xf32, #tpu.memory_space<hbm>> -> memref<3032xf32, #tpu.memory_space<hbm>>
      tpu.wait_dma2 semaphore(%arg8 : memref<!tpu.dma_semaphore, #tpu.memory_space<semaphore_mem>>) src(%dma_wait3A_186 : memref<3032xf32, #tpu.memory_space<hbm>>) dst(%dma_wait3A_183 : memref<3032xf32, #tpu.memory_space<vmem>>)
      %dma_wait3A_187 = arith.constant 2 : i32
      %dma_wait3A_188 = arith.constant 5 : i32
      %dma_wait3A_189 = arith.constant 0 : i32
      %dma_wait3A_190 = tpu.memref_slice %arg6[%dma_wait3A_188, %dma_wait3A_189] : memref<8x3200xf32, #tpu.memory_space<vmem>> -> memref<1x3032xf32, #tpu.memory_space<vmem>>
      %dma_wait3A_191 = tpu.memref_squeeze %dma_wait3A_190 : memref<1x3032xf32, #tpu.memory_space<vmem>> -> memref<3032xf32, #tpu.memory_space<vmem>>
      %dma_wait3A_192 = arith.constant 96968 : i32
      %dma_wait3A_193 = tpu.memref_slice %arg3[%dma_wait3A_187, %dma_wait3A_192] : memref<3x100000xf32, #tpu.memory_space<hbm>> -> memref<1x3032xf32, #tpu.memory_space<hbm>>
      %dma_wait3A_194 = tpu.memref_squeeze %dma_wait3A_193 : memref<1x3032xf32, #tpu.memory_space<hbm>> -> memref<3032xf32, #tpu.memory_space<hbm>>
      %dma_wait3A_195 = arith.constant 0 : i32
      %dma_wait3A_196 = tpu.memref_slice %arg6[%dma_wait3A_188, %dma_wait3A_195] : memref<8x3200xf32, #tpu.memory_space<vmem>> -> memref<1x3032xf32, #tpu.memory_space<vmem>>
      %dma_wait3A_197 = tpu.memref_squeeze %dma_wait3A_196 : memref<1x3032xf32, #tpu.memory_space<vmem>> -> memref<3032xf32, #tpu.memory_space<vmem>>
      %dma_wait3A_198 = arith.constant 96968 : i32
      %dma_wait3A_199 = tpu.memref_slice %arg3[%dma_wait3A_187, %dma_wait3A_198] : memref<3x100000xf32, #tpu.memory_space<hbm>> -> memref<1x3032xf32, #tpu.memory_space<hbm>>
      %dma_wait3A_200 = tpu.memref_squeeze %dma_wait3A_199 : memref<1x3032xf32, #tpu.memory_space<hbm>> -> memref<3032xf32, #tpu.memory_space<hbm>>
      tpu.wait_dma2 semaphore(%arg8 : memref<!tpu.dma_semaphore, #tpu.memory_space<semaphore_mem>>) src(%dma_wait3A_200 : memref<3032xf32, #tpu.memory_space<hbm>>) dst(%dma_wait3A_197 : memref<3032xf32, #tpu.memory_space<vmem>>)
      %dma_wait3A_201 = arith.constant 0 : i32
      %dma_wait3A_202 = arith.constant 6 : i32
      %dma_wait3A_203 = arith.constant 0 : i32
      %dma_wait3A_204 = tpu.memref_slice %arg6[%dma_wait3A_202, %dma_wait3A_203] : memref<8x3200xf32, #tpu.memory_space<vmem>> -> memref<1x3032xf32, #tpu.memory_space<vmem>>
      %dma_wait3A_205 = tpu.memref_squeeze %dma_wait3A_204 : memref<1x3032xf32, #tpu.memory_space<vmem>> -> memref<3032xf32, #tpu.memory_space<vmem>>
      %dma_wait3A_206 = arith.constant 96968 : i32
      %dma_wait3A_207 = tpu.memref_slice %arg4[%dma_wait3A_201, %dma_wait3A_206] : memref<2x100000xf32, #tpu.memory_space<hbm>> -> memref<1x3032xf32, #tpu.memory_space<hbm>>
      %dma_wait3A_208 = tpu.memref_squeeze %dma_wait3A_207 : memref<1x3032xf32, #tpu.memory_space<hbm>> -> memref<3032xf32, #tpu.memory_space<hbm>>
      %dma_wait3A_209 = arith.constant 0 : i32
      %dma_wait3A_210 = tpu.memref_slice %arg6[%dma_wait3A_202, %dma_wait3A_209] : memref<8x3200xf32, #tpu.memory_space<vmem>> -> memref<1x3032xf32, #tpu.memory_space<vmem>>
      %dma_wait3A_211 = tpu.memref_squeeze %dma_wait3A_210 : memref<1x3032xf32, #tpu.memory_space<vmem>> -> memref<3032xf32, #tpu.memory_space<vmem>>
      %dma_wait3A_212 = arith.constant 96968 : i32
      %dma_wait3A_213 = tpu.memref_slice %arg4[%dma_wait3A_201, %dma_wait3A_212] : memref<2x100000xf32, #tpu.memory_space<hbm>> -> memref<1x3032xf32, #tpu.memory_space<hbm>>
      %dma_wait3A_214 = tpu.memref_squeeze %dma_wait3A_213 : memref<1x3032xf32, #tpu.memory_space<hbm>> -> memref<3032xf32, #tpu.memory_space<hbm>>
      tpu.wait_dma2 semaphore(%arg8 : memref<!tpu.dma_semaphore, #tpu.memory_space<semaphore_mem>>) src(%dma_wait3A_214 : memref<3032xf32, #tpu.memory_space<hbm>>) dst(%dma_wait3A_211 : memref<3032xf32, #tpu.memory_space<vmem>>)
      %dma_wait3A_215 = arith.constant 1 : i32
      %dma_wait3A_216 = arith.constant 7 : i32
      %dma_wait3A_217 = arith.constant 0 : i32
      %dma_wait3A_218 = tpu.memref_slice %arg6[%dma_wait3A_216, %dma_wait3A_217] : memref<8x3200xf32, #tpu.memory_space<vmem>> -> memref<1x3032xf32, #tpu.memory_space<vmem>>
      %dma_wait3A_219 = tpu.memref_squeeze %dma_wait3A_218 : memref<1x3032xf32, #tpu.memory_space<vmem>> -> memref<3032xf32, #tpu.memory_space<vmem>>
      %dma_wait3A_220 = arith.constant 96968 : i32
      %dma_wait3A_221 = tpu.memref_slice %arg4[%dma_wait3A_215, %dma_wait3A_220] : memref<2x100000xf32, #tpu.memory_space<hbm>> -> memref<1x3032xf32, #tpu.memory_space<hbm>>
      %dma_wait3A_222 = tpu.memref_squeeze %dma_wait3A_221 : memref<1x3032xf32, #tpu.memory_space<hbm>> -> memref<3032xf32, #tpu.memory_space<hbm>>
      %dma_wait3A_223 = arith.constant 0 : i32
      %dma_wait3A_224 = tpu.memref_slice %arg6[%dma_wait3A_216, %dma_wait3A_223] : memref<8x3200xf32, #tpu.memory_space<vmem>> -> memref<1x3032xf32, #tpu.memory_space<vmem>>
      %dma_wait3A_225 = tpu.memref_squeeze %dma_wait3A_224 : memref<1x3032xf32, #tpu.memory_space<vmem>> -> memref<3032xf32, #tpu.memory_space<vmem>>
      %dma_wait3A_226 = arith.constant 96968 : i32
      %dma_wait3A_227 = tpu.memref_slice %arg4[%dma_wait3A_215, %dma_wait3A_226] : memref<2x100000xf32, #tpu.memory_space<hbm>> -> memref<1x3032xf32, #tpu.memory_space<hbm>>
      %dma_wait3A_228 = tpu.memref_squeeze %dma_wait3A_227 : memref<1x3032xf32, #tpu.memory_space<hbm>> -> memref<3032xf32, #tpu.memory_space<hbm>>
      tpu.wait_dma2 semaphore(%arg8 : memref<!tpu.dma_semaphore, #tpu.memory_space<semaphore_mem>>) src(%dma_wait3A_228 : memref<3032xf32, #tpu.memory_space<hbm>>) dst(%dma_wait3A_225 : memref<3032xf32, #tpu.memory_space<vmem>>)
      %iota3A = tpu.iota {dimensions = array<i32: 0>} : vector<16xi32>
      %broadcast_in_dim3A = arith.constant 0 : i32
      %broadcast_in_dim3A_229 = vector.broadcast %broadcast_in_dim3A : i32 to vector<16xi32>
      %broadcast_in_dim3A_230 = arith.constant 1 : i32
      %broadcast_in_dim3A_231 = vector.broadcast %broadcast_in_dim3A_230 : i32 to vector<16xi32>
      %broadcast_in_dim3A_232 = arith.constant 2 : i32
      %broadcast_in_dim3A_233 = vector.broadcast %broadcast_in_dim3A_232 : i32 to vector<16xi32>
      %broadcast_in_dim3A_234 = arith.constant 3 : i32
      %broadcast_in_dim3A_235 = vector.broadcast %broadcast_in_dim3A_234 : i32 to vector<16xi32>
      %broadcast_in_dim3A_236 = arith.constant 4 : i32
      %broadcast_in_dim3A_237 = vector.broadcast %broadcast_in_dim3A_236 : i32 to vector<16xi32>
      %broadcast_in_dim3A_238 = arith.constant 5 : i32
      %broadcast_in_dim3A_239 = vector.broadcast %broadcast_in_dim3A_238 : i32 to vector<16xi32>
      %broadcast_in_dim3A_240 = arith.constant 6 : i32
      %broadcast_in_dim3A_241 = vector.broadcast %broadcast_in_dim3A_240 : i32 to vector<16xi32>
      %broadcast_in_dim3A_242 = arith.constant 7 : i32
      %broadcast_in_dim3A_243 = vector.broadcast %broadcast_in_dim3A_242 : i32 to vector<16xi32>
      %parallel_loop3A = arith.constant 0 : i32
      %parallel_loop3A_244 = arith.constant 192 : i32
      %parallel_loop3A_245 = arith.constant 1 : i32
      scf.for %parallel_loop3A_246 = %parallel_loop3A to %parallel_loop3A_244 step %parallel_loop3A_245  : i32 {
        %parallel_loop3A_247 = arith.constant 16 : i32
        %parallel_loop3A_248 = arith.muli %parallel_loop3A_246, %parallel_loop3A_247 : i32
        %parallel_loop3A_249 = vector.broadcast %parallel_loop3A_248 : i32 to vector<16xi32>
        %parallel_loop3A_250 = arith.addi %iota3A, %parallel_loop3A_249 : vector<16xi32>
        %parallel_loop3A_251 = arith.constant 16 : i32
        %parallel_loop3A_252 = arith.muli %parallel_loop3A_246, %parallel_loop3A_251 : i32
        %parallel_loop3A_253 = arith.constant 0 : i32
        %parallel_loop3A_254 = arith.index_cast %parallel_loop3A_253 : i32 to index
        %parallel_loop3A_255 = arith.index_cast %parallel_loop3A_252 : i32 to index
        %parallel_loop3A_256 = tpu.vector_load %arg6[%parallel_loop3A_254, %parallel_loop3A_255] {strides = array<i32>} : memref<8x3200xf32, #tpu.memory_space<vmem>>, vector<16xf32>,
        tpu.vector_store_idx %arg7[%parallel_loop3A_250, %broadcast_in_dim3A_229], %parallel_loop3A_256 : memref<3200x8xf32, #tpu.memory_space<vmem>>[vector<16xi32>, vector<16xi32>], vector<16xf32>,
        %parallel_loop3A_257 = arith.constant 16 : i32
        %parallel_loop3A_258 = arith.muli %parallel_loop3A_246, %parallel_loop3A_257 : i32
        %parallel_loop3A_259 = arith.constant 1 : i32
        %parallel_loop3A_260 = arith.index_cast %parallel_loop3A_259 : i32 to index
        %parallel_loop3A_261 = arith.index_cast %parallel_loop3A_258 : i32 to index
        %parallel_loop3A_262 = tpu.vector_load %arg6[%parallel_loop3A_260, %parallel_loop3A_261] {strides = array<i32>} : memref<8x3200xf32, #tpu.memory_space<vmem>>, vector<16xf32>,
        tpu.vector_store_idx %arg7[%parallel_loop3A_250, %broadcast_in_dim3A_231], %parallel_loop3A_262 : memref<3200x8xf32, #tpu.memory_space<vmem>>[vector<16xi32>, vector<16xi32>], vector<16xf32>,
        %parallel_loop3A_263 = arith.constant 16 : i32
        %parallel_loop3A_264 = arith.muli %parallel_loop3A_246, %parallel_loop3A_263 : i32
        %parallel_loop3A_265 = arith.constant 2 : i32
        %parallel_loop3A_266 = arith.index_cast %parallel_loop3A_265 : i32 to index
        %parallel_loop3A_267 = arith.index_cast %parallel_loop3A_264 : i32 to index
        %parallel_loop3A_268 = tpu.vector_load %arg6[%parallel_loop3A_266, %parallel_loop3A_267] {strides = array<i32>} : memref<8x3200xf32, #tpu.memory_space<vmem>>, vector<16xf32>,
        tpu.vector_store_idx %arg7[%parallel_loop3A_250, %broadcast_in_dim3A_233], %parallel_loop3A_268 : memref<3200x8xf32, #tpu.memory_space<vmem>>[vector<16xi32>, vector<16xi32>], vector<16xf32>,
        %parallel_loop3A_269 = arith.constant 16 : i32
        %parallel_loop3A_270 = arith.muli %parallel_loop3A_246, %parallel_loop3A_269 : i32
        %parallel_loop3A_271 = arith.constant 3 : i32
        %parallel_loop3A_272 = arith.index_cast %parallel_loop3A_271 : i32 to index
        %parallel_loop3A_273 = arith.index_cast %parallel_loop3A_270 : i32 to index
        %parallel_loop3A_274 = tpu.vector_load %arg6[%parallel_loop3A_272, %parallel_loop3A_273] {strides = array<i32>} : memref<8x3200xf32, #tpu.memory_space<vmem>>, vector<16xf32>,
        tpu.vector_store_idx %arg7[%parallel_loop3A_250, %broadcast_in_dim3A_235], %parallel_loop3A_274 : memref<3200x8xf32, #tpu.memory_space<vmem>>[vector<16xi32>, vector<16xi32>], vector<16xf32>,
        %parallel_loop3A_275 = arith.constant 16 : i32
        %parallel_loop3A_276 = arith.muli %parallel_loop3A_246, %parallel_loop3A_275 : i32
        %parallel_loop3A_277 = arith.constant 4 : i32
        %parallel_loop3A_278 = arith.index_cast %parallel_loop3A_277 : i32 to index
        %parallel_loop3A_279 = arith.index_cast %parallel_loop3A_276 : i32 to index
        %parallel_loop3A_280 = tpu.vector_load %arg6[%parallel_loop3A_278, %parallel_loop3A_279] {strides = array<i32>} : memref<8x3200xf32, #tpu.memory_space<vmem>>, vector<16xf32>,
        tpu.vector_store_idx %arg7[%parallel_loop3A_250, %broadcast_in_dim3A_237], %parallel_loop3A_280 : memref<3200x8xf32, #tpu.memory_space<vmem>>[vector<16xi32>, vector<16xi32>], vector<16xf32>,
        %parallel_loop3A_281 = arith.constant 16 : i32
        %parallel_loop3A_282 = arith.muli %parallel_loop3A_246, %parallel_loop3A_281 : i32
        %parallel_loop3A_283 = arith.constant 5 : i32
        %parallel_loop3A_284 = arith.index_cast %parallel_loop3A_283 : i32 to index
        %parallel_loop3A_285 = arith.index_cast %parallel_loop3A_282 : i32 to index
        %parallel_loop3A_286 = tpu.vector_load %arg6[%parallel_loop3A_284, %parallel_loop3A_285] {strides = array<i32>} : memref<8x3200xf32, #tpu.memory_space<vmem>>, vector<16xf32>,
        tpu.vector_store_idx %arg7[%parallel_loop3A_250, %broadcast_in_dim3A_239], %parallel_loop3A_286 : memref<3200x8xf32, #tpu.memory_space<vmem>>[vector<16xi32>, vector<16xi32>], vector<16xf32>,
        %parallel_loop3A_287 = arith.constant 16 : i32
        %parallel_loop3A_288 = arith.muli %parallel_loop3A_246, %parallel_loop3A_287 : i32
        %parallel_loop3A_289 = arith.constant 6 : i32
        %parallel_loop3A_290 = arith.index_cast %parallel_loop3A_289 : i32 to index
        %parallel_loop3A_291 = arith.index_cast %parallel_loop3A_288 : i32 to index
        %parallel_loop3A_292 = tpu.vector_load %arg6[%parallel_loop3A_290, %parallel_loop3A_291] {strides = array<i32>} : memref<8x3200xf32, #tpu.memory_space<vmem>>, vector<16xf32>,
        tpu.vector_store_idx %arg7[%parallel_loop3A_250, %broadcast_in_dim3A_241], %parallel_loop3A_292 : memref<3200x8xf32, #tpu.memory_space<vmem>>[vector<16xi32>, vector<16xi32>], vector<16xf32>,
        %parallel_loop3A_293 = arith.constant 16 : i32
        %parallel_loop3A_294 = arith.muli %parallel_loop3A_246, %parallel_loop3A_293 : i32
        %parallel_loop3A_295 = arith.constant 7 : i32
        %parallel_loop3A_296 = arith.index_cast %parallel_loop3A_295 : i32 to index
        %parallel_loop3A_297 = arith.index_cast %parallel_loop3A_294 : i32 to index
        %parallel_loop3A_298 = tpu.vector_load %arg6[%parallel_loop3A_296, %parallel_loop3A_297] {strides = array<i32>} : memref<8x3200xf32, #tpu.memory_space<vmem>>, vector<16xf32>,
        tpu.vector_store_idx %arg7[%parallel_loop3A_250, %broadcast_in_dim3A_243], %parallel_loop3A_298 : memref<3200x8xf32, #tpu.memory_space<vmem>>[vector<16xi32>, vector<16xi32>], vector<16xf32>,
      } {sc.loop_unroll_factor = 16 : i64, sc.parallel_access}
      "tpu.region"() ({
        %run_scoped3A = tpu.sem_alloc : memref<!tpu.dma_semaphore, #tpu.memory_space<semaphore_mem>>
        %dma_start3A_246 = arith.constant 0 : i32
        %dma_start3A_247 = arith.constant 0 : i32
        %dma_start3A_248 = tpu.memref_slice %arg7[%dma_start3A_246, %dma_start3A_247] : memref<3200x8xf32, #tpu.memory_space<vmem>> -> memref<3032x8xf32, #tpu.memory_space<vmem>>
        %dma_start3A_249 = arith.constant 96968 : i32
        %dma_start3A_250 = arith.constant 0 : i32
        %dma_start3A_251 = tpu.memref_slice %arg5[%dma_start3A_249, %dma_start3A_250] : memref<100000x8xf32, #tpu.memory_space<hbm>> -> memref<3032x8xf32, #tpu.memory_space<hbm>>
        %dma_start3A_252 = arith.constant 96968 : i32
        %dma_start3A_253 = arith.constant 0 : i32
        %dma_start3A_254 = tpu.memref_slice %arg5[%dma_start3A_252, %dma_start3A_253] : memref<100000x8xf32, #tpu.memory_space<hbm>> -> memref<3032x8xf32, #tpu.memory_space<hbm>>
        %dma_start3A_255 = arith.constant 0 : i32
        %dma_start3A_256 = arith.constant 0 : i32
        %dma_start3A_257 = tpu.memref_slice %arg7[%dma_start3A_255, %dma_start3A_256] : memref<3200x8xf32, #tpu.memory_space<vmem>> -> memref<3032x8xf32, #tpu.memory_space<vmem>>
        tpu.enqueue_dma source(%dma_start3A_257 : memref<3032x8xf32, #tpu.memory_space<vmem>>) target(%dma_start3A_254 : memref<3032x8xf32, #tpu.memory_space<hbm>>) target_semaphore(%run_scoped3A : memref<!tpu.dma_semaphore, #tpu.memory_space<semaphore_mem>>)
        %dma_wait3A_258 = arith.constant 0 : i32
        %dma_wait3A_259 = arith.constant 0 : i32
        %dma_wait3A_260 = tpu.memref_slice %arg7[%dma_wait3A_258, %dma_wait3A_259] : memref<3200x8xf32, #tpu.memory_space<vmem>> -> memref<3032x8xf32, #tpu.memory_space<vmem>>
        %dma_wait3A_261 = arith.constant 96968 : i32
        %dma_wait3A_262 = arith.constant 0 : i32
        %dma_wait3A_263 = tpu.memref_slice %arg5[%dma_wait3A_261, %dma_wait3A_262] : memref<100000x8xf32, #tpu.memory_space<hbm>> -> memref<3032x8xf32, #tpu.memory_space<hbm>>
        %dma_wait3A_264 = arith.constant 96968 : i32
        %dma_wait3A_265 = arith.constant 0 : i32
        %dma_wait3A_266 = tpu.memref_slice %arg5[%dma_wait3A_264, %dma_wait3A_265] : memref<100000x8xf32, #tpu.memory_space<hbm>> -> memref<3032x8xf32, #tpu.memory_space<hbm>>
        %dma_wait3A_267 = arith.constant 0 : i32
        %dma_wait3A_268 = arith.constant 0 : i32
        %dma_wait3A_269 = tpu.memref_slice %arg7[%dma_wait3A_267, %dma_wait3A_268] : memref<3200x8xf32, #tpu.memory_space<vmem>> -> memref<3032x8xf32, #tpu.memory_space<vmem>>
        tpu.wait_dma2 semaphore(%run_scoped3A : memref<!tpu.dma_semaphore, #tpu.memory_space<semaphore_mem>>) src(%dma_wait3A_269 : memref<3032x8xf32, #tpu.memory_space<vmem>>) dst(%dma_wait3A_266 : memref<3032x8xf32, #tpu.memory_space<hbm>>)
        tpu.yield
      }) : () -> ()
    } else {
    }
    return
  }
}

#map = affine_map<(d0, d1) -> (0, 0)>
#map1 = affine_map<(d0, d1) -> (0)>
module attributes {stable_mosaic.version = 14 : i64} {
  func.func @_gather_body(%arg0: i32, %arg1: i32, %arg2: memref<100000x8xf32, #tpu.memory_space<hbm>>, %arg3: memref<100000xf32, #tpu.memory_space<hbm>>, %arg4: memref<16384xi32, #tpu.memory_space<hbm>>, %arg5: memref<49152xf32, #tpu.memory_space<hbm>>, %arg6: memref<49152xf32, #tpu.memory_space<hbm>>, %arg7: memref<16384xf32, #tpu.memory_space<hbm>>, %arg8: memref<32768xf32, #tpu.memory_space<hbm>>, %arg9: memref<512xi32, #tpu.memory_space<vmem>>, %arg10: memref<512x8xf32, #tpu.memory_space<vmem>>, %arg11: memref<512xf32, #tpu.memory_space<vmem>>, %arg12: memref<8x512xf32, #tpu.memory_space<vmem>>, %arg13: memref<!tpu.dma_semaphore, #tpu.memory_space<semaphore_mem>>, %arg14: memref<!tpu.dma_semaphore, #tpu.memory_space<semaphore_mem>>) attributes {dimension_semantics = [#tpu.dimension_semantics<core_parallel>, #tpu.dimension_semantics<subcore_parallel>], iteration_bounds = array<i64: 2, 16>, scalar_prefetch = 0 : i64, scratch_operands = 6 : i64, tpu.core_type = #tpu.core_type<sc_vector_subcore>, window_params = [{transform_indices = #map}, {transform_indices = #map1}, {transform_indices = #map1}, {transform_indices = #map1}, {transform_indices = #map1}, {transform_indices = #map1}, {transform_indices = #map1}]} {
    %mul3A = arith.constant 2 : i32
    %mul3A_0 = arith.muli %arg1, %mul3A : i32
    %add3A = arith.addi %mul3A_0, %arg0 : i32
    %mul3A_1 = arith.constant 512 : i32
    %mul3A_2 = arith.muli %add3A, %mul3A_1 : i32
    "tpu.region"() ({
      %run_scoped3A_69 = tpu.sem_alloc : memref<!tpu.dma_semaphore, #tpu.memory_space<semaphore_mem>>
      %dma_start3A_70 = tpu.memref_slice %arg4[%mul3A_2] : memref<16384xi32, #tpu.memory_space<hbm>> -> memref<512xi32, #tpu.memory_space<hbm>>
      %dma_start3A_71 = tpu.memref_slice %arg4[%mul3A_2] : memref<16384xi32, #tpu.memory_space<hbm>> -> memref<512xi32, #tpu.memory_space<hbm>>
      tpu.enqueue_dma source(%dma_start3A_71 : memref<512xi32, #tpu.memory_space<hbm>>) target(%arg9 : memref<512xi32, #tpu.memory_space<vmem>>) target_semaphore(%run_scoped3A_69 : memref<!tpu.dma_semaphore, #tpu.memory_space<semaphore_mem>>)
      %dma_wait3A_72 = tpu.memref_slice %arg4[%mul3A_2] : memref<16384xi32, #tpu.memory_space<hbm>> -> memref<512xi32, #tpu.memory_space<hbm>>
      %dma_wait3A_73 = tpu.memref_slice %arg4[%mul3A_2] : memref<16384xi32, #tpu.memory_space<hbm>> -> memref<512xi32, #tpu.memory_space<hbm>>
      tpu.wait_dma2 semaphore(%run_scoped3A_69 : memref<!tpu.dma_semaphore, #tpu.memory_space<semaphore_mem>>) src(%dma_wait3A_73 : memref<512xi32, #tpu.memory_space<hbm>>) dst(%arg9 : memref<512xi32, #tpu.memory_space<vmem>>)
      tpu.yield
    }) : () -> ()
    %dma_start3A = arith.constant 0 : i32
    %dma_start3A_3 = arith.constant 0 : i32
    %dma_start3A_4 = tpu.memref_slice %arg10[%dma_start3A, %dma_start3A_3] : memref<512x8xf32, #tpu.memory_space<vmem>> -> memref<512x8xf32, #tpu.memory_space<vmem>>
    %dma_start3A_5 = arith.constant 0 : i32
    %dma_start3A_6 = tpu.memref_slice %arg9[%dma_start3A_5] : memref<512xi32, #tpu.memory_space<vmem>> -> memref<512xi32, #tpu.memory_space<vmem>>
    %dma_start3A_7 = arith.constant 0 : i32
    %dma_start3A_8 = arith.constant 0 : i32
    %dma_start3A_9 = tpu.memref_slice %arg2[%dma_start3A_7, %dma_start3A_8] : memref<100000x8xf32, #tpu.memory_space<hbm>> -> memref<100000x8xf32, #tpu.memory_space<hbm>>
    tpu.enqueue_indirect_dma source(%dma_start3A_9 : memref<100000x8xf32, #tpu.memory_space<hbm>>) target(%dma_start3A_4 : memref<512x8xf32, #tpu.memory_space<vmem>>) offsets(%dma_start3A_6 : memref<512xi32, #tpu.memory_space<vmem>>) semaphore(%arg13 : memref<!tpu.dma_semaphore, #tpu.memory_space<semaphore_mem>>)
    %dma_start3A_10 = arith.constant 0 : i32
    %dma_start3A_11 = tpu.memref_slice %arg11[%dma_start3A_10] : memref<512xf32, #tpu.memory_space<vmem>> -> memref<512xf32, #tpu.memory_space<vmem>>
    %dma_start3A_12 = arith.constant 0 : i32
    %dma_start3A_13 = tpu.memref_slice %arg9[%dma_start3A_12] : memref<512xi32, #tpu.memory_space<vmem>> -> memref<512xi32, #tpu.memory_space<vmem>>
    %dma_start3A_14 = arith.constant 0 : i32
    %dma_start3A_15 = tpu.memref_slice %arg3[%dma_start3A_14] : memref<100000xf32, #tpu.memory_space<hbm>> -> memref<100000xf32, #tpu.memory_space<hbm>>
    tpu.enqueue_indirect_dma source(%dma_start3A_15 : memref<100000xf32, #tpu.memory_space<hbm>>) target(%dma_start3A_11 : memref<512xf32, #tpu.memory_space<vmem>>) offsets(%dma_start3A_13 : memref<512xi32, #tpu.memory_space<vmem>>) semaphore(%arg14 : memref<!tpu.dma_semaphore, #tpu.memory_space<semaphore_mem>>)
    %dma_wait3A = arith.constant 0 : i32
    %dma_wait3A_16 = arith.constant 0 : i32
    %dma_wait3A_17 = tpu.memref_slice %arg10[%dma_wait3A, %dma_wait3A_16] : memref<512x8xf32, #tpu.memory_space<vmem>> -> memref<512x8xf32, #tpu.memory_space<vmem>>
    %dma_wait3A_18 = arith.constant 0 : i32
    %dma_wait3A_19 = tpu.memref_slice %arg9[%dma_wait3A_18] : memref<512xi32, #tpu.memory_space<vmem>> -> memref<512xi32, #tpu.memory_space<vmem>>
    %dma_wait3A_20 = arith.constant 0 : i32
    %dma_wait3A_21 = arith.constant 0 : i32
    %dma_wait3A_22 = tpu.memref_slice %arg2[%dma_wait3A_20, %dma_wait3A_21] : memref<100000x8xf32, #tpu.memory_space<hbm>> -> memref<100000x8xf32, #tpu.memory_space<hbm>>
    tpu.wait_indirect_dma semaphore(%arg13 : memref<!tpu.dma_semaphore, #tpu.memory_space<semaphore_mem>>) src(%dma_wait3A_22 : memref<100000x8xf32, #tpu.memory_space<hbm>>) dst(%dma_wait3A_17 : memref<512x8xf32, #tpu.memory_space<vmem>>)
    %dma_wait3A_23 = arith.constant 0 : i32
    %dma_wait3A_24 = tpu.memref_slice %arg11[%dma_wait3A_23] : memref<512xf32, #tpu.memory_space<vmem>> -> memref<512xf32, #tpu.memory_space<vmem>>
    %dma_wait3A_25 = arith.constant 0 : i32
    %dma_wait3A_26 = tpu.memref_slice %arg9[%dma_wait3A_25] : memref<512xi32, #tpu.memory_space<vmem>> -> memref<512xi32, #tpu.memory_space<vmem>>
    %dma_wait3A_27 = arith.constant 0 : i32
    %dma_wait3A_28 = tpu.memref_slice %arg3[%dma_wait3A_27] : memref<100000xf32, #tpu.memory_space<hbm>> -> memref<100000xf32, #tpu.memory_space<hbm>>
    tpu.wait_indirect_dma semaphore(%arg14 : memref<!tpu.dma_semaphore, #tpu.memory_space<semaphore_mem>>) src(%dma_wait3A_28 : memref<100000xf32, #tpu.memory_space<hbm>>) dst(%dma_wait3A_24 : memref<512xf32, #tpu.memory_space<vmem>>)
    %iota3A = tpu.iota {dimensions = array<i32: 0>} : vector<16xi32>
    %broadcast_in_dim3A = arith.constant 0 : i32
    %broadcast_in_dim3A_29 = vector.broadcast %broadcast_in_dim3A : i32 to vector<16xi32>
    %broadcast_in_dim3A_30 = arith.constant 1 : i32
    %broadcast_in_dim3A_31 = vector.broadcast %broadcast_in_dim3A_30 : i32 to vector<16xi32>
    %broadcast_in_dim3A_32 = arith.constant 2 : i32
    %broadcast_in_dim3A_33 = vector.broadcast %broadcast_in_dim3A_32 : i32 to vector<16xi32>
    %broadcast_in_dim3A_34 = arith.constant 3 : i32
    %broadcast_in_dim3A_35 = vector.broadcast %broadcast_in_dim3A_34 : i32 to vector<16xi32>
    %broadcast_in_dim3A_36 = arith.constant 4 : i32
    %broadcast_in_dim3A_37 = vector.broadcast %broadcast_in_dim3A_36 : i32 to vector<16xi32>
    %broadcast_in_dim3A_38 = arith.constant 5 : i32
    %broadcast_in_dim3A_39 = vector.broadcast %broadcast_in_dim3A_38 : i32 to vector<16xi32>
    %broadcast_in_dim3A_40 = arith.constant 6 : i32
    %broadcast_in_dim3A_41 = vector.broadcast %broadcast_in_dim3A_40 : i32 to vector<16xi32>
    %broadcast_in_dim3A_42 = arith.constant 7 : i32
    %broadcast_in_dim3A_43 = vector.broadcast %broadcast_in_dim3A_42 : i32 to vector<16xi32>
    %parallel_loop3A = arith.constant 0 : i32
    %parallel_loop3A_44 = arith.constant 32 : i32
    %parallel_loop3A_45 = arith.constant 1 : i32
    scf.for %parallel_loop3A_69 = %parallel_loop3A to %parallel_loop3A_44 step %parallel_loop3A_45  : i32 {
      %parallel_loop3A_70 = arith.constant 16 : i32
      %parallel_loop3A_71 = arith.muli %parallel_loop3A_69, %parallel_loop3A_70 : i32
      %parallel_loop3A_72 = vector.broadcast %parallel_loop3A_71 : i32 to vector<16xi32>
      %parallel_loop3A_73 = arith.addi %parallel_loop3A_72, %iota3A : vector<16xi32>
      %parallel_loop3A_74 = tpu.vector_load_idx %arg10[%parallel_loop3A_73, %broadcast_in_dim3A_29] : memref<512x8xf32, #tpu.memory_space<vmem>>[vector<16xi32>, vector<16xi32>], vector<16xf32>,
      %parallel_loop3A_75 = arith.constant 16 : i32
      %parallel_loop3A_76 = arith.muli %parallel_loop3A_69, %parallel_loop3A_75 : i32
      %parallel_loop3A_77 = arith.constant 0 : i32
      %parallel_loop3A_78 = arith.index_cast %parallel_loop3A_77 : i32 to index
      %parallel_loop3A_79 = arith.index_cast %parallel_loop3A_76 : i32 to index
      %parallel_loop3A_80 = tpu.vector_load %arg12[%parallel_loop3A_78, %parallel_loop3A_79] {strides = array<i32>} : memref<8x512xf32, #tpu.memory_space<vmem>>, vector<16xf32>,
      tpu.vector_store %arg12[%parallel_loop3A_78, %parallel_loop3A_79], %parallel_loop3A_74 {strides = array<i32>} : memref<8x512xf32, #tpu.memory_space<vmem>>, vector<16xf32>,
      %parallel_loop3A_81 = tpu.vector_load_idx %arg10[%parallel_loop3A_73, %broadcast_in_dim3A_31] : memref<512x8xf32, #tpu.memory_space<vmem>>[vector<16xi32>, vector<16xi32>], vector<16xf32>,
      %parallel_loop3A_82 = arith.constant 16 : i32
      %parallel_loop3A_83 = arith.muli %parallel_loop3A_69, %parallel_loop3A_82 : i32
      %parallel_loop3A_84 = arith.constant 1 : i32
      %parallel_loop3A_85 = arith.index_cast %parallel_loop3A_84 : i32 to index
      %parallel_loop3A_86 = arith.index_cast %parallel_loop3A_83 : i32 to index
      %parallel_loop3A_87 = tpu.vector_load %arg12[%parallel_loop3A_85, %parallel_loop3A_86] {strides = array<i32>} : memref<8x512xf32, #tpu.memory_space<vmem>>, vector<16xf32>,
      tpu.vector_store %arg12[%parallel_loop3A_85, %parallel_loop3A_86], %parallel_loop3A_81 {strides = array<i32>} : memref<8x512xf32, #tpu.memory_space<vmem>>, vector<16xf32>,
      %parallel_loop3A_88 = tpu.vector_load_idx %arg10[%parallel_loop3A_73, %broadcast_in_dim3A_33] : memref<512x8xf32, #tpu.memory_space<vmem>>[vector<16xi32>, vector<16xi32>], vector<16xf32>,
      %parallel_loop3A_89 = arith.constant 16 : i32
      %parallel_loop3A_90 = arith.muli %parallel_loop3A_69, %parallel_loop3A_89 : i32
      %parallel_loop3A_91 = arith.constant 2 : i32
      %parallel_loop3A_92 = arith.index_cast %parallel_loop3A_91 : i32 to index
      %parallel_loop3A_93 = arith.index_cast %parallel_loop3A_90 : i32 to index
      %parallel_loop3A_94 = tpu.vector_load %arg12[%parallel_loop3A_92, %parallel_loop3A_93] {strides = array<i32>} : memref<8x512xf32, #tpu.memory_space<vmem>>, vector<16xf32>,
      tpu.vector_store %arg12[%parallel_loop3A_92, %parallel_loop3A_93], %parallel_loop3A_88 {strides = array<i32>} : memref<8x512xf32, #tpu.memory_space<vmem>>, vector<16xf32>,
      %parallel_loop3A_95 = tpu.vector_load_idx %arg10[%parallel_loop3A_73, %broadcast_in_dim3A_35] : memref<512x8xf32, #tpu.memory_space<vmem>>[vector<16xi32>, vector<16xi32>], vector<16xf32>,
      %parallel_loop3A_96 = arith.constant 16 : i32
      %parallel_loop3A_97 = arith.muli %parallel_loop3A_69, %parallel_loop3A_96 : i32
      %parallel_loop3A_98 = arith.constant 3 : i32
      %parallel_loop3A_99 = arith.index_cast %parallel_loop3A_98 : i32 to index
      %parallel_loop3A_100 = arith.index_cast %parallel_loop3A_97 : i32 to index
      %parallel_loop3A_101 = tpu.vector_load %arg12[%parallel_loop3A_99, %parallel_loop3A_100] {strides = array<i32>} : memref<8x512xf32, #tpu.memory_space<vmem>>, vector<16xf32>,
      tpu.vector_store %arg12[%parallel_loop3A_99, %parallel_loop3A_100], %parallel_loop3A_95 {strides = array<i32>} : memref<8x512xf32, #tpu.memory_space<vmem>>, vector<16xf32>,
      %parallel_loop3A_102 = tpu.vector_load_idx %arg10[%parallel_loop3A_73, %broadcast_in_dim3A_37] : memref<512x8xf32, #tpu.memory_space<vmem>>[vector<16xi32>, vector<16xi32>], vector<16xf32>,
      %parallel_loop3A_103 = arith.constant 16 : i32
      %parallel_loop3A_104 = arith.muli %parallel_loop3A_69, %parallel_loop3A_103 : i32
      %parallel_loop3A_105 = arith.constant 4 : i32
      %parallel_loop3A_106 = arith.index_cast %parallel_loop3A_105 : i32 to index
      %parallel_loop3A_107 = arith.index_cast %parallel_loop3A_104 : i32 to index
      %parallel_loop3A_108 = tpu.vector_load %arg12[%parallel_loop3A_106, %parallel_loop3A_107] {strides = array<i32>} : memref<8x512xf32, #tpu.memory_space<vmem>>, vector<16xf32>,
      tpu.vector_store %arg12[%parallel_loop3A_106, %parallel_loop3A_107], %parallel_loop3A_102 {strides = array<i32>} : memref<8x512xf32, #tpu.memory_space<vmem>>, vector<16xf32>,
      %parallel_loop3A_109 = tpu.vector_load_idx %arg10[%parallel_loop3A_73, %broadcast_in_dim3A_39] : memref<512x8xf32, #tpu.memory_space<vmem>>[vector<16xi32>, vector<16xi32>], vector<16xf32>,
      %parallel_loop3A_110 = arith.constant 16 : i32
      %parallel_loop3A_111 = arith.muli %parallel_loop3A_69, %parallel_loop3A_110 : i32
      %parallel_loop3A_112 = arith.constant 5 : i32
      %parallel_loop3A_113 = arith.index_cast %parallel_loop3A_112 : i32 to index
      %parallel_loop3A_114 = arith.index_cast %parallel_loop3A_111 : i32 to index
      %parallel_loop3A_115 = tpu.vector_load %arg12[%parallel_loop3A_113, %parallel_loop3A_114] {strides = array<i32>} : memref<8x512xf32, #tpu.memory_space<vmem>>, vector<16xf32>,
      tpu.vector_store %arg12[%parallel_loop3A_113, %parallel_loop3A_114], %parallel_loop3A_109 {strides = array<i32>} : memref<8x512xf32, #tpu.memory_space<vmem>>, vector<16xf32>,
      %parallel_loop3A_116 = tpu.vector_load_idx %arg10[%parallel_loop3A_73, %broadcast_in_dim3A_41] : memref<512x8xf32, #tpu.memory_space<vmem>>[vector<16xi32>, vector<16xi32>], vector<16xf32>,
      %parallel_loop3A_117 = arith.constant 16 : i32
      %parallel_loop3A_118 = arith.muli %parallel_loop3A_69, %parallel_loop3A_117 : i32
      %parallel_loop3A_119 = arith.constant 6 : i32
      %parallel_loop3A_120 = arith.index_cast %parallel_loop3A_119 : i32 to index
      %parallel_loop3A_121 = arith.index_cast %parallel_loop3A_118 : i32 to index
      %parallel_loop3A_122 = tpu.vector_load %arg12[%parallel_loop3A_120, %parallel_loop3A_121] {strides = array<i32>} : memref<8x512xf32, #tpu.memory_space<vmem>>, vector<16xf32>,
      tpu.vector_store %arg12[%parallel_loop3A_120, %parallel_loop3A_121], %parallel_loop3A_116 {strides = array<i32>} : memref<8x512xf32, #tpu.memory_space<vmem>>, vector<16xf32>,
      %parallel_loop3A_123 = tpu.vector_load_idx %arg10[%parallel_loop3A_73, %broadcast_in_dim3A_43] : memref<512x8xf32, #tpu.memory_space<vmem>>[vector<16xi32>, vector<16xi32>], vector<16xf32>,
      %parallel_loop3A_124 = arith.constant 16 : i32
      %parallel_loop3A_125 = arith.muli %parallel_loop3A_69, %parallel_loop3A_124 : i32
      %parallel_loop3A_126 = arith.constant 7 : i32
      %parallel_loop3A_127 = arith.index_cast %parallel_loop3A_126 : i32 to index
      %parallel_loop3A_128 = arith.index_cast %parallel_loop3A_125 : i32 to index
      %parallel_loop3A_129 = tpu.vector_load %arg12[%parallel_loop3A_127, %parallel_loop3A_128] {strides = array<i32>} : memref<8x512xf32, #tpu.memory_space<vmem>>, vector<16xf32>,
      tpu.vector_store %arg12[%parallel_loop3A_127, %parallel_loop3A_128], %parallel_loop3A_123 {strides = array<i32>} : memref<8x512xf32, #tpu.memory_space<vmem>>, vector<16xf32>,
    } {sc.loop_unroll_factor = 16 : i64, sc.parallel_access}
    %add3A_46 = arith.constant 0 : i32
    %add3A_47 = arith.addi %add3A_46, %mul3A_2 : i32
    %run_scoped3A = arith.constant 0 : i32
    "tpu.region"() ({
      %run_scoped3A_69 = tpu.sem_alloc : memref<!tpu.dma_semaphore, #tpu.memory_space<semaphore_mem>>
      %dma_start3A_70 = arith.constant 0 : i32
      %dma_start3A_71 = tpu.memref_slice %arg12[%run_scoped3A, %dma_start3A_70] : memref<8x512xf32, #tpu.memory_space<vmem>> -> memref<1x512xf32, #tpu.memory_space<vmem>>
      %dma_start3A_72 = tpu.memref_squeeze %dma_start3A_71 : memref<1x512xf32, #tpu.memory_space<vmem>> -> memref<512xf32, #tpu.memory_space<vmem>>
      %dma_start3A_73 = tpu.memref_slice %arg5[%add3A_47] : memref<49152xf32, #tpu.memory_space<hbm>> -> memref<512xf32, #tpu.memory_space<hbm>>
      %dma_start3A_74 = tpu.memref_slice %arg5[%add3A_47] : memref<49152xf32, #tpu.memory_space<hbm>> -> memref<512xf32, #tpu.memory_space<hbm>>
      %dma_start3A_75 = arith.constant 0 : i32
      %dma_start3A_76 = tpu.memref_slice %arg12[%run_scoped3A, %dma_start3A_75] : memref<8x512xf32, #tpu.memory_space<vmem>> -> memref<1x512xf32, #tpu.memory_space<vmem>>
      %dma_start3A_77 = tpu.memref_squeeze %dma_start3A_76 : memref<1x512xf32, #tpu.memory_space<vmem>> -> memref<512xf32, #tpu.memory_space<vmem>>
      tpu.enqueue_dma source(%dma_start3A_77 : memref<512xf32, #tpu.memory_space<vmem>>) target(%dma_start3A_74 : memref<512xf32, #tpu.memory_space<hbm>>) target_semaphore(%run_scoped3A_69 : memref<!tpu.dma_semaphore, #tpu.memory_space<semaphore_mem>>)
      %dma_wait3A_78 = arith.constant 0 : i32
      %dma_wait3A_79 = tpu.memref_slice %arg12[%run_scoped3A, %dma_wait3A_78] : memref<8x512xf32, #tpu.memory_space<vmem>> -> memref<1x512xf32, #tpu.memory_space<vmem>>
      %dma_wait3A_80 = tpu.memref_squeeze %dma_wait3A_79 : memref<1x512xf32, #tpu.memory_space<vmem>> -> memref<512xf32, #tpu.memory_space<vmem>>
      %dma_wait3A_81 = tpu.memref_slice %arg5[%add3A_47] : memref<49152xf32, #tpu.memory_space<hbm>> -> memref<512xf32, #tpu.memory_space<hbm>>
      %dma_wait3A_82 = tpu.memref_slice %arg5[%add3A_47] : memref<49152xf32, #tpu.memory_space<hbm>> -> memref<512xf32, #tpu.memory_space<hbm>>
      %dma_wait3A_83 = arith.constant 0 : i32
      %dma_wait3A_84 = tpu.memref_slice %arg12[%run_scoped3A, %dma_wait3A_83] : memref<8x512xf32, #tpu.memory_space<vmem>> -> memref<1x512xf32, #tpu.memory_space<vmem>>
      %dma_wait3A_85 = tpu.memref_squeeze %dma_wait3A_84 : memref<1x512xf32, #tpu.memory_space<vmem>> -> memref<512xf32, #tpu.memory_space<vmem>>
      tpu.wait_dma2 semaphore(%run_scoped3A_69 : memref<!tpu.dma_semaphore, #tpu.memory_space<semaphore_mem>>) src(%dma_wait3A_85 : memref<512xf32, #tpu.memory_space<vmem>>) dst(%dma_wait3A_82 : memref<512xf32, #tpu.memory_space<hbm>>)
      tpu.yield
    }) : () -> ()
    %add3A_48 = arith.constant 0 : i32
    %add3A_49 = arith.addi %add3A_48, %mul3A_2 : i32
    %run_scoped3A_50 = arith.constant 3 : i32
    "tpu.region"() ({
      %run_scoped3A_69 = tpu.sem_alloc : memref<!tpu.dma_semaphore, #tpu.memory_space<semaphore_mem>>
      %dma_start3A_70 = arith.constant 0 : i32
      %dma_start3A_71 = tpu.memref_slice %arg12[%run_scoped3A_50, %dma_start3A_70] : memref<8x512xf32, #tpu.memory_space<vmem>> -> memref<1x512xf32, #tpu.memory_space<vmem>>
      %dma_start3A_72 = tpu.memref_squeeze %dma_start3A_71 : memref<1x512xf32, #tpu.memory_space<vmem>> -> memref<512xf32, #tpu.memory_space<vmem>>
      %dma_start3A_73 = tpu.memref_slice %arg6[%add3A_49] : memref<49152xf32, #tpu.memory_space<hbm>> -> memref<512xf32, #tpu.memory_space<hbm>>
      %dma_start3A_74 = tpu.memref_slice %arg6[%add3A_49] : memref<49152xf32, #tpu.memory_space<hbm>> -> memref<512xf32, #tpu.memory_space<hbm>>
      %dma_start3A_75 = arith.constant 0 : i32
      %dma_start3A_76 = tpu.memref_slice %arg12[%run_scoped3A_50, %dma_start3A_75] : memref<8x512xf32, #tpu.memory_space<vmem>> -> memref<1x512xf32, #tpu.memory_space<vmem>>
      %dma_start3A_77 = tpu.memref_squeeze %dma_start3A_76 : memref<1x512xf32, #tpu.memory_space<vmem>> -> memref<512xf32, #tpu.memory_space<vmem>>
      tpu.enqueue_dma source(%dma_start3A_77 : memref<512xf32, #tpu.memory_space<vmem>>) target(%dma_start3A_74 : memref<512xf32, #tpu.memory_space<hbm>>) target_semaphore(%run_scoped3A_69 : memref<!tpu.dma_semaphore, #tpu.memory_space<semaphore_mem>>)
      %dma_wait3A_78 = arith.constant 0 : i32
      %dma_wait3A_79 = tpu.memref_slice %arg12[%run_scoped3A_50, %dma_wait3A_78] : memref<8x512xf32, #tpu.memory_space<vmem>> -> memref<1x512xf32, #tpu.memory_space<vmem>>
      %dma_wait3A_80 = tpu.memref_squeeze %dma_wait3A_79 : memref<1x512xf32, #tpu.memory_space<vmem>> -> memref<512xf32, #tpu.memory_space<vmem>>
      %dma_wait3A_81 = tpu.memref_slice %arg6[%add3A_49] : memref<49152xf32, #tpu.memory_space<hbm>> -> memref<512xf32, #tpu.memory_space<hbm>>
      %dma_wait3A_82 = tpu.memref_slice %arg6[%add3A_49] : memref<49152xf32, #tpu.memory_space<hbm>> -> memref<512xf32, #tpu.memory_space<hbm>>
      %dma_wait3A_83 = arith.constant 0 : i32
      %dma_wait3A_84 = tpu.memref_slice %arg12[%run_scoped3A_50, %dma_wait3A_83] : memref<8x512xf32, #tpu.memory_space<vmem>> -> memref<1x512xf32, #tpu.memory_space<vmem>>
      %dma_wait3A_85 = tpu.memref_squeeze %dma_wait3A_84 : memref<1x512xf32, #tpu.memory_space<vmem>> -> memref<512xf32, #tpu.memory_space<vmem>>
      tpu.wait_dma2 semaphore(%run_scoped3A_69 : memref<!tpu.dma_semaphore, #tpu.memory_space<semaphore_mem>>) src(%dma_wait3A_85 : memref<512xf32, #tpu.memory_space<vmem>>) dst(%dma_wait3A_82 : memref<512xf32, #tpu.memory_space<hbm>>)
      tpu.yield
    }) : () -> ()
    %add3A_51 = arith.constant 16384 : i32
    %add3A_52 = arith.addi %add3A_51, %mul3A_2 : i32
    %run_scoped3A_53 = arith.constant 1 : i32
    "tpu.region"() ({
      %run_scoped3A_69 = tpu.sem_alloc : memref<!tpu.dma_semaphore, #tpu.memory_space<semaphore_mem>>
      %dma_start3A_70 = arith.constant 0 : i32
      %dma_start3A_71 = tpu.memref_slice %arg12[%run_scoped3A_53, %dma_start3A_70] : memref<8x512xf32, #tpu.memory_space<vmem>> -> memref<1x512xf32, #tpu.memory_space<vmem>>
      %dma_start3A_72 = tpu.memref_squeeze %dma_start3A_71 : memref<1x512xf32, #tpu.memory_space<vmem>> -> memref<512xf32, #tpu.memory_space<vmem>>
      %dma_start3A_73 = tpu.memref_slice %arg5[%add3A_52] : memref<49152xf32, #tpu.memory_space<hbm>> -> memref<512xf32, #tpu.memory_space<hbm>>
      %dma_start3A_74 = tpu.memref_slice %arg5[%add3A_52] : memref<49152xf32, #tpu.memory_space<hbm>> -> memref<512xf32, #tpu.memory_space<hbm>>
      %dma_start3A_75 = arith.constant 0 : i32
      %dma_start3A_76 = tpu.memref_slice %arg12[%run_scoped3A_53, %dma_start3A_75] : memref<8x512xf32, #tpu.memory_space<vmem>> -> memref<1x512xf32, #tpu.memory_space<vmem>>
      %dma_start3A_77 = tpu.memref_squeeze %dma_start3A_76 : memref<1x512xf32, #tpu.memory_space<vmem>> -> memref<512xf32, #tpu.memory_space<vmem>>
      tpu.enqueue_dma source(%dma_start3A_77 : memref<512xf32, #tpu.memory_space<vmem>>) target(%dma_start3A_74 : memref<512xf32, #tpu.memory_space<hbm>>) target_semaphore(%run_scoped3A_69 : memref<!tpu.dma_semaphore, #tpu.memory_space<semaphore_mem>>)
      %dma_wait3A_78 = arith.constant 0 : i32
      %dma_wait3A_79 = tpu.memref_slice %arg12[%run_scoped3A_53, %dma_wait3A_78] : memref<8x512xf32, #tpu.memory_space<vmem>> -> memref<1x512xf32, #tpu.memory_space<vmem>>
      %dma_wait3A_80 = tpu.memref_squeeze %dma_wait3A_79 : memref<1x512xf32, #tpu.memory_space<vmem>> -> memref<512xf32, #tpu.memory_space<vmem>>
      %dma_wait3A_81 = tpu.memref_slice %arg5[%add3A_52] : memref<49152xf32, #tpu.memory_space<hbm>> -> memref<512xf32, #tpu.memory_space<hbm>>
      %dma_wait3A_82 = tpu.memref_slice %arg5[%add3A_52] : memref<49152xf32, #tpu.memory_space<hbm>> -> memref<512xf32, #tpu.memory_space<hbm>>
      %dma_wait3A_83 = arith.constant 0 : i32
      %dma_wait3A_84 = tpu.memref_slice %arg12[%run_scoped3A_53, %dma_wait3A_83] : memref<8x512xf32, #tpu.memory_space<vmem>> -> memref<1x512xf32, #tpu.memory_space<vmem>>
      %dma_wait3A_85 = tpu.memref_squeeze %dma_wait3A_84 : memref<1x512xf32, #tpu.memory_space<vmem>> -> memref<512xf32, #tpu.memory_space<vmem>>
      tpu.wait_dma2 semaphore(%run_scoped3A_69 : memref<!tpu.dma_semaphore, #tpu.memory_space<semaphore_mem>>) src(%dma_wait3A_85 : memref<512xf32, #tpu.memory_space<vmem>>) dst(%dma_wait3A_82 : memref<512xf32, #tpu.memory_space<hbm>>)
      tpu.yield
    }) : () -> ()
    %add3A_54 = arith.constant 16384 : i32
    %add3A_55 = arith.addi %add3A_54, %mul3A_2 : i32
    %run_scoped3A_56 = arith.constant 4 : i32
    "tpu.region"() ({
      %run_scoped3A_69 = tpu.sem_alloc : memref<!tpu.dma_semaphore, #tpu.memory_space<semaphore_mem>>
      %dma_start3A_70 = arith.constant 0 : i32
      %dma_start3A_71 = tpu.memref_slice %arg12[%run_scoped3A_56, %dma_start3A_70] : memref<8x512xf32, #tpu.memory_space<vmem>> -> memref<1x512xf32, #tpu.memory_space<vmem>>
      %dma_start3A_72 = tpu.memref_squeeze %dma_start3A_71 : memref<1x512xf32, #tpu.memory_space<vmem>> -> memref<512xf32, #tpu.memory_space<vmem>>
      %dma_start3A_73 = tpu.memref_slice %arg6[%add3A_55] : memref<49152xf32, #tpu.memory_space<hbm>> -> memref<512xf32, #tpu.memory_space<hbm>>
      %dma_start3A_74 = tpu.memref_slice %arg6[%add3A_55] : memref<49152xf32, #tpu.memory_space<hbm>> -> memref<512xf32, #tpu.memory_space<hbm>>
      %dma_start3A_75 = arith.constant 0 : i32
      %dma_start3A_76 = tpu.memref_slice %arg12[%run_scoped3A_56, %dma_start3A_75] : memref<8x512xf32, #tpu.memory_space<vmem>> -> memref<1x512xf32, #tpu.memory_space<vmem>>
      %dma_start3A_77 = tpu.memref_squeeze %dma_start3A_76 : memref<1x512xf32, #tpu.memory_space<vmem>> -> memref<512xf32, #tpu.memory_space<vmem>>
      tpu.enqueue_dma source(%dma_start3A_77 : memref<512xf32, #tpu.memory_space<vmem>>) target(%dma_start3A_74 : memref<512xf32, #tpu.memory_space<hbm>>) target_semaphore(%run_scoped3A_69 : memref<!tpu.dma_semaphore, #tpu.memory_space<semaphore_mem>>)
      %dma_wait3A_78 = arith.constant 0 : i32
      %dma_wait3A_79 = tpu.memref_slice %arg12[%run_scoped3A_56, %dma_wait3A_78] : memref<8x512xf32, #tpu.memory_space<vmem>> -> memref<1x512xf32, #tpu.memory_space<vmem>>
      %dma_wait3A_80 = tpu.memref_squeeze %dma_wait3A_79 : memref<1x512xf32, #tpu.memory_space<vmem>> -> memref<512xf32, #tpu.memory_space<vmem>>
      %dma_wait3A_81 = tpu.memref_slice %arg6[%add3A_55] : memref<49152xf32, #tpu.memory_space<hbm>> -> memref<512xf32, #tpu.memory_space<hbm>>
      %dma_wait3A_82 = tpu.memref_slice %arg6[%add3A_55] : memref<49152xf32, #tpu.memory_space<hbm>> -> memref<512xf32, #tpu.memory_space<hbm>>
      %dma_wait3A_83 = arith.constant 0 : i32
      %dma_wait3A_84 = tpu.memref_slice %arg12[%run_scoped3A_56, %dma_wait3A_83] : memref<8x512xf32, #tpu.memory_space<vmem>> -> memref<1x512xf32, #tpu.memory_space<vmem>>
      %dma_wait3A_85 = tpu.memref_squeeze %dma_wait3A_84 : memref<1x512xf32, #tpu.memory_space<vmem>> -> memref<512xf32, #tpu.memory_space<vmem>>
      tpu.wait_dma2 semaphore(%run_scoped3A_69 : memref<!tpu.dma_semaphore, #tpu.memory_space<semaphore_mem>>) src(%dma_wait3A_85 : memref<512xf32, #tpu.memory_space<vmem>>) dst(%dma_wait3A_82 : memref<512xf32, #tpu.memory_space<hbm>>)
      tpu.yield
    }) : () -> ()
    %add3A_57 = arith.constant 32768 : i32
    %add3A_58 = arith.addi %add3A_57, %mul3A_2 : i32
    %run_scoped3A_59 = arith.constant 2 : i32
    "tpu.region"() ({
      %run_scoped3A_69 = tpu.sem_alloc : memref<!tpu.dma_semaphore, #tpu.memory_space<semaphore_mem>>
      %dma_start3A_70 = arith.constant 0 : i32
      %dma_start3A_71 = tpu.memref_slice %arg12[%run_scoped3A_59, %dma_start3A_70] : memref<8x512xf32, #tpu.memory_space<vmem>> -> memref<1x512xf32, #tpu.memory_space<vmem>>
      %dma_start3A_72 = tpu.memref_squeeze %dma_start3A_71 : memref<1x512xf32, #tpu.memory_space<vmem>> -> memref<512xf32, #tpu.memory_space<vmem>>
      %dma_start3A_73 = tpu.memref_slice %arg5[%add3A_58] : memref<49152xf32, #tpu.memory_space<hbm>> -> memref<512xf32, #tpu.memory_space<hbm>>
      %dma_start3A_74 = tpu.memref_slice %arg5[%add3A_58] : memref<49152xf32, #tpu.memory_space<hbm>> -> memref<512xf32, #tpu.memory_space<hbm>>
      %dma_start3A_75 = arith.constant 0 : i32
      %dma_start3A_76 = tpu.memref_slice %arg12[%run_scoped3A_59, %dma_start3A_75] : memref<8x512xf32, #tpu.memory_space<vmem>> -> memref<1x512xf32, #tpu.memory_space<vmem>>
      %dma_start3A_77 = tpu.memref_squeeze %dma_start3A_76 : memref<1x512xf32, #tpu.memory_space<vmem>> -> memref<512xf32, #tpu.memory_space<vmem>>
      tpu.enqueue_dma source(%dma_start3A_77 : memref<512xf32, #tpu.memory_space<vmem>>) target(%dma_start3A_74 : memref<512xf32, #tpu.memory_space<hbm>>) target_semaphore(%run_scoped3A_69 : memref<!tpu.dma_semaphore, #tpu.memory_space<semaphore_mem>>)
      %dma_wait3A_78 = arith.constant 0 : i32
      %dma_wait3A_79 = tpu.memref_slice %arg12[%run_scoped3A_59, %dma_wait3A_78] : memref<8x512xf32, #tpu.memory_space<vmem>> -> memref<1x512xf32, #tpu.memory_space<vmem>>
      %dma_wait3A_80 = tpu.memref_squeeze %dma_wait3A_79 : memref<1x512xf32, #tpu.memory_space<vmem>> -> memref<512xf32, #tpu.memory_space<vmem>>
      %dma_wait3A_81 = tpu.memref_slice %arg5[%add3A_58] : memref<49152xf32, #tpu.memory_space<hbm>> -> memref<512xf32, #tpu.memory_space<hbm>>
      %dma_wait3A_82 = tpu.memref_slice %arg5[%add3A_58] : memref<49152xf32, #tpu.memory_space<hbm>> -> memref<512xf32, #tpu.memory_space<hbm>>
      %dma_wait3A_83 = arith.constant 0 : i32
      %dma_wait3A_84 = tpu.memref_slice %arg12[%run_scoped3A_59, %dma_wait3A_83] : memref<8x512xf32, #tpu.memory_space<vmem>> -> memref<1x512xf32, #tpu.memory_space<vmem>>
      %dma_wait3A_85 = tpu.memref_squeeze %dma_wait3A_84 : memref<1x512xf32, #tpu.memory_space<vmem>> -> memref<512xf32, #tpu.memory_space<vmem>>
      tpu.wait_dma2 semaphore(%run_scoped3A_69 : memref<!tpu.dma_semaphore, #tpu.memory_space<semaphore_mem>>) src(%dma_wait3A_85 : memref<512xf32, #tpu.memory_space<vmem>>) dst(%dma_wait3A_82 : memref<512xf32, #tpu.memory_space<hbm>>)
      tpu.yield
    }) : () -> ()
    %add3A_60 = arith.constant 32768 : i32
    %add3A_61 = arith.addi %add3A_60, %mul3A_2 : i32
    %run_scoped3A_62 = arith.constant 5 : i32
    "tpu.region"() ({
      %run_scoped3A_69 = tpu.sem_alloc : memref<!tpu.dma_semaphore, #tpu.memory_space<semaphore_mem>>
      %dma_start3A_70 = arith.constant 0 : i32
      %dma_start3A_71 = tpu.memref_slice %arg12[%run_scoped3A_62, %dma_start3A_70] : memref<8x512xf32, #tpu.memory_space<vmem>> -> memref<1x512xf32, #tpu.memory_space<vmem>>
      %dma_start3A_72 = tpu.memref_squeeze %dma_start3A_71 : memref<1x512xf32, #tpu.memory_space<vmem>> -> memref<512xf32, #tpu.memory_space<vmem>>
      %dma_start3A_73 = tpu.memref_slice %arg6[%add3A_61] : memref<49152xf32, #tpu.memory_space<hbm>> -> memref<512xf32, #tpu.memory_space<hbm>>
      %dma_start3A_74 = tpu.memref_slice %arg6[%add3A_61] : memref<49152xf32, #tpu.memory_space<hbm>> -> memref<512xf32, #tpu.memory_space<hbm>>
      %dma_start3A_75 = arith.constant 0 : i32
      %dma_start3A_76 = tpu.memref_slice %arg12[%run_scoped3A_62, %dma_start3A_75] : memref<8x512xf32, #tpu.memory_space<vmem>> -> memref<1x512xf32, #tpu.memory_space<vmem>>
      %dma_start3A_77 = tpu.memref_squeeze %dma_start3A_76 : memref<1x512xf32, #tpu.memory_space<vmem>> -> memref<512xf32, #tpu.memory_space<vmem>>
      tpu.enqueue_dma source(%dma_start3A_77 : memref<512xf32, #tpu.memory_space<vmem>>) target(%dma_start3A_74 : memref<512xf32, #tpu.memory_space<hbm>>) target_semaphore(%run_scoped3A_69 : memref<!tpu.dma_semaphore, #tpu.memory_space<semaphore_mem>>)
      %dma_wait3A_78 = arith.constant 0 : i32
      %dma_wait3A_79 = tpu.memref_slice %arg12[%run_scoped3A_62, %dma_wait3A_78] : memref<8x512xf32, #tpu.memory_space<vmem>> -> memref<1x512xf32, #tpu.memory_space<vmem>>
      %dma_wait3A_80 = tpu.memref_squeeze %dma_wait3A_79 : memref<1x512xf32, #tpu.memory_space<vmem>> -> memref<512xf32, #tpu.memory_space<vmem>>
      %dma_wait3A_81 = tpu.memref_slice %arg6[%add3A_61] : memref<49152xf32, #tpu.memory_space<hbm>> -> memref<512xf32, #tpu.memory_space<hbm>>
      %dma_wait3A_82 = tpu.memref_slice %arg6[%add3A_61] : memref<49152xf32, #tpu.memory_space<hbm>> -> memref<512xf32, #tpu.memory_space<hbm>>
      %dma_wait3A_83 = arith.constant 0 : i32
      %dma_wait3A_84 = tpu.memref_slice %arg12[%run_scoped3A_62, %dma_wait3A_83] : memref<8x512xf32, #tpu.memory_space<vmem>> -> memref<1x512xf32, #tpu.memory_space<vmem>>
      %dma_wait3A_85 = tpu.memref_squeeze %dma_wait3A_84 : memref<1x512xf32, #tpu.memory_space<vmem>> -> memref<512xf32, #tpu.memory_space<vmem>>
      tpu.wait_dma2 semaphore(%run_scoped3A_69 : memref<!tpu.dma_semaphore, #tpu.memory_space<semaphore_mem>>) src(%dma_wait3A_85 : memref<512xf32, #tpu.memory_space<vmem>>) dst(%dma_wait3A_82 : memref<512xf32, #tpu.memory_space<hbm>>)
      tpu.yield
    }) : () -> ()
    %add3A_63 = arith.constant 0 : i32
    %add3A_64 = arith.addi %add3A_63, %mul3A_2 : i32
    %run_scoped3A_65 = arith.constant 6 : i32
    "tpu.region"() ({
      %run_scoped3A_69 = tpu.sem_alloc : memref<!tpu.dma_semaphore, #tpu.memory_space<semaphore_mem>>
      %dma_start3A_70 = arith.constant 0 : i32
      %dma_start3A_71 = tpu.memref_slice %arg12[%run_scoped3A_65, %dma_start3A_70] : memref<8x512xf32, #tpu.memory_space<vmem>> -> memref<1x512xf32, #tpu.memory_space<vmem>>
      %dma_start3A_72 = tpu.memref_squeeze %dma_start3A_71 : memref<1x512xf32, #tpu.memory_space<vmem>> -> memref<512xf32, #tpu.memory_space<vmem>>
      %dma_start3A_73 = tpu.memref_slice %arg8[%add3A_64] : memref<32768xf32, #tpu.memory_space<hbm>> -> memref<512xf32, #tpu.memory_space<hbm>>
      %dma_start3A_74 = tpu.memref_slice %arg8[%add3A_64] : memref<32768xf32, #tpu.memory_space<hbm>> -> memref<512xf32, #tpu.memory_space<hbm>>
      %dma_start3A_75 = arith.constant 0 : i32
      %dma_start3A_76 = tpu.memref_slice %arg12[%run_scoped3A_65, %dma_start3A_75] : memref<8x512xf32, #tpu.memory_space<vmem>> -> memref<1x512xf32, #tpu.memory_space<vmem>>
      %dma_start3A_77 = tpu.memref_squeeze %dma_start3A_76 : memref<1x512xf32, #tpu.memory_space<vmem>> -> memref<512xf32, #tpu.memory_space<vmem>>
      tpu.enqueue_dma source(%dma_start3A_77 : memref<512xf32, #tpu.memory_space<vmem>>) target(%dma_start3A_74 : memref<512xf32, #tpu.memory_space<hbm>>) target_semaphore(%run_scoped3A_69 : memref<!tpu.dma_semaphore, #tpu.memory_space<semaphore_mem>>)
      %dma_wait3A_78 = arith.constant 0 : i32
      %dma_wait3A_79 = tpu.memref_slice %arg12[%run_scoped3A_65, %dma_wait3A_78] : memref<8x512xf32, #tpu.memory_space<vmem>> -> memref<1x512xf32, #tpu.memory_space<vmem>>
      %dma_wait3A_80 = tpu.memref_squeeze %dma_wait3A_79 : memref<1x512xf32, #tpu.memory_space<vmem>> -> memref<512xf32, #tpu.memory_space<vmem>>
      %dma_wait3A_81 = tpu.memref_slice %arg8[%add3A_64] : memref<32768xf32, #tpu.memory_space<hbm>> -> memref<512xf32, #tpu.memory_space<hbm>>
      %dma_wait3A_82 = tpu.memref_slice %arg8[%add3A_64] : memref<32768xf32, #tpu.memory_space<hbm>> -> memref<512xf32, #tpu.memory_space<hbm>>
      %dma_wait3A_83 = arith.constant 0 : i32
      %dma_wait3A_84 = tpu.memref_slice %arg12[%run_scoped3A_65, %dma_wait3A_83] : memref<8x512xf32, #tpu.memory_space<vmem>> -> memref<1x512xf32, #tpu.memory_space<vmem>>
      %dma_wait3A_85 = tpu.memref_squeeze %dma_wait3A_84 : memref<1x512xf32, #tpu.memory_space<vmem>> -> memref<512xf32, #tpu.memory_space<vmem>>
      tpu.wait_dma2 semaphore(%run_scoped3A_69 : memref<!tpu.dma_semaphore, #tpu.memory_space<semaphore_mem>>) src(%dma_wait3A_85 : memref<512xf32, #tpu.memory_space<vmem>>) dst(%dma_wait3A_82 : memref<512xf32, #tpu.memory_space<hbm>>)
      tpu.yield
    }) : () -> ()
    %add3A_66 = arith.constant 16384 : i32
    %add3A_67 = arith.addi %add3A_66, %mul3A_2 : i32
    %run_scoped3A_68 = arith.constant 7 : i32
    "tpu.region"() ({
      %run_scoped3A_69 = tpu.sem_alloc : memref<!tpu.dma_semaphore, #tpu.memory_space<semaphore_mem>>
      %dma_start3A_70 = arith.constant 0 : i32
      %dma_start3A_71 = tpu.memref_slice %arg12[%run_scoped3A_68, %dma_start3A_70] : memref<8x512xf32, #tpu.memory_space<vmem>> -> memref<1x512xf32, #tpu.memory_space<vmem>>
      %dma_start3A_72 = tpu.memref_squeeze %dma_start3A_71 : memref<1x512xf32, #tpu.memory_space<vmem>> -> memref<512xf32, #tpu.memory_space<vmem>>
      %dma_start3A_73 = tpu.memref_slice %arg8[%add3A_67] : memref<32768xf32, #tpu.memory_space<hbm>> -> memref<512xf32, #tpu.memory_space<hbm>>
      %dma_start3A_74 = tpu.memref_slice %arg8[%add3A_67] : memref<32768xf32, #tpu.memory_space<hbm>> -> memref<512xf32, #tpu.memory_space<hbm>>
      %dma_start3A_75 = arith.constant 0 : i32
      %dma_start3A_76 = tpu.memref_slice %arg12[%run_scoped3A_68, %dma_start3A_75] : memref<8x512xf32, #tpu.memory_space<vmem>> -> memref<1x512xf32, #tpu.memory_space<vmem>>
      %dma_start3A_77 = tpu.memref_squeeze %dma_start3A_76 : memref<1x512xf32, #tpu.memory_space<vmem>> -> memref<512xf32, #tpu.memory_space<vmem>>
      tpu.enqueue_dma source(%dma_start3A_77 : memref<512xf32, #tpu.memory_space<vmem>>) target(%dma_start3A_74 : memref<512xf32, #tpu.memory_space<hbm>>) target_semaphore(%run_scoped3A_69 : memref<!tpu.dma_semaphore, #tpu.memory_space<semaphore_mem>>)
      %dma_wait3A_78 = arith.constant 0 : i32
      %dma_wait3A_79 = tpu.memref_slice %arg12[%run_scoped3A_68, %dma_wait3A_78] : memref<8x512xf32, #tpu.memory_space<vmem>> -> memref<1x512xf32, #tpu.memory_space<vmem>>
      %dma_wait3A_80 = tpu.memref_squeeze %dma_wait3A_79 : memref<1x512xf32, #tpu.memory_space<vmem>> -> memref<512xf32, #tpu.memory_space<vmem>>
      %dma_wait3A_81 = tpu.memref_slice %arg8[%add3A_67] : memref<32768xf32, #tpu.memory_space<hbm>> -> memref<512xf32, #tpu.memory_space<hbm>>
      %dma_wait3A_82 = tpu.memref_slice %arg8[%add3A_67] : memref<32768xf32, #tpu.memory_space<hbm>> -> memref<512xf32, #tpu.memory_space<hbm>>
      %dma_wait3A_83 = arith.constant 0 : i32
      %dma_wait3A_84 = tpu.memref_slice %arg12[%run_scoped3A_68, %dma_wait3A_83] : memref<8x512xf32, #tpu.memory_space<vmem>> -> memref<1x512xf32, #tpu.memory_space<vmem>>
      %dma_wait3A_85 = tpu.memref_squeeze %dma_wait3A_84 : memref<1x512xf32, #tpu.memory_space<vmem>> -> memref<512xf32, #tpu.memory_space<vmem>>
      tpu.wait_dma2 semaphore(%run_scoped3A_69 : memref<!tpu.dma_semaphore, #tpu.memory_space<semaphore_mem>>) src(%dma_wait3A_85 : memref<512xf32, #tpu.memory_space<vmem>>) dst(%dma_wait3A_82 : memref<512xf32, #tpu.memory_space<hbm>>)
      tpu.yield
    }) : () -> ()
    "tpu.region"() ({
      %run_scoped3A_69 = tpu.sem_alloc : memref<!tpu.dma_semaphore, #tpu.memory_space<semaphore_mem>>
      %dma_start3A_70 = tpu.memref_slice %arg7[%mul3A_2] : memref<16384xf32, #tpu.memory_space<hbm>> -> memref<512xf32, #tpu.memory_space<hbm>>
      %dma_start3A_71 = tpu.memref_slice %arg7[%mul3A_2] : memref<16384xf32, #tpu.memory_space<hbm>> -> memref<512xf32, #tpu.memory_space<hbm>>
      tpu.enqueue_dma source(%arg11 : memref<512xf32, #tpu.memory_space<vmem>>) target(%dma_start3A_71 : memref<512xf32, #tpu.memory_space<hbm>>) target_semaphore(%run_scoped3A_69 : memref<!tpu.dma_semaphore, #tpu.memory_space<semaphore_mem>>)
      %dma_wait3A_72 = tpu.memref_slice %arg7[%mul3A_2] : memref<16384xf32, #tpu.memory_space<hbm>> -> memref<512xf32, #tpu.memory_space<hbm>>
      %dma_wait3A_73 = tpu.memref_slice %arg7[%mul3A_2] : memref<16384xf32, #tpu.memory_space<hbm>> -> memref<512xf32, #tpu.memory_space<hbm>>
      tpu.wait_dma2 semaphore(%run_scoped3A_69 : memref<!tpu.dma_semaphore, #tpu.memory_space<semaphore_mem>>) src(%arg11 : memref<512xf32, #tpu.memory_space<vmem>>) dst(%dma_wait3A_73 : memref<512xf32, #tpu.memory_space<hbm>>)
      tpu.yield
    }) : () -> ()
    return
  }
}

</mosaic_0001>

<sc_bundles>
// kernel: kernel.4.cloned.1.call-start
scs
__scs_entry_jumppad:
0x0: {  	(pc) =	sbr.rel $0x88, $3  }
0x1: {  	(tag) =	ssettag $0x0;
	lr =	simm.s32 $0x1  }
0x2: {  	[smem:$0x3F9C] =	sst lr;
	_ =	strace $0xD0000000  }
0x3: {  	_ = 	snop  }
0x4: {  	_ = 	snop  }
0x5: {  	_ = 	snop  }
0x6: {  	_ = 	snop  }
0x7: {  	_ = 	snop  }
__scs_overlays_trampoline_lowered:
0x8: {  	[smem:$0x3FAB] =	sst s0  }
0x9: {  	[smem:$0x3FAC] =	sst s1  }
0xa: {  	[smem:$0x3FAD] =	sst s2  }
0xb: {  	[smem:$0x3FAE] =	sst s3  }
0xc: {  	[smem:$0x3FAF] =	sst s4  }
0xd: {  	[smem:$0x3FB0] =	sst s5  }
0xe: {  	[smem:$0x3FB1] =	sst s6  }
0xf: {  	[smem:$0x3FB2] =	sst s7  }
0x10: {  	[smem:$0x3FB3] =	sst s8  }
0x11: {  	[smem:$0x3FB4] =	sst s9;
	s0 =	simm.s32 @!p0 $0x0  }
0x12: {  	s1 =	sld [smem:$0x3F9A];
	s0 =	simm.s32 @p0 $0x1  }
0x13: {  	[smem:$0x3FB5] =	sst s0;
	s0 =	simm.s32 @!p1 $0x0  }
0x14: {  	s2 =	sld [smem:$0x3F99];
	s0 =	simm.s32 @p1 $0x1  }
0x15: {  	[smem:$0x3FB6] =	sst s0;
	s0 =	simm.s32 @!p2 $0x0  }
0x16: {  	s3 =	sld [smem:$0x3FDB];
	s0 =	simm.s32 @p2 $0x1  }
0x17: {  	s4 =	simm.s32 $0x1BF5;
	[smem:$0x3FB8] =	sst s0  }
0x18: {  	s0 =	sld [smem:$0x3F9B];
	_ =	swait.ge [sflag:s4], $0x0  }
0x19: {  	s7 =	sld [smem:$0x3F9C]  }
0x1a: {  	s8 =	sadd.s32 $0xFFFFE003, lr  }
0x1b: {  	s9 =	sadd.s32 $0xFFFFFEF7, lr;
	s5 =	simm.s32 $0xFFFFFFFF;
	p2 =	slt.u32 s8, $0xFFFFF086  }
0x1c: {  	p1 =	slt.u32 s9, $0xF7A;
	s5 =	simm.s32 @!p2 $0x0  }
0x1d: {  	s5 =	simm.s32 @p1 $0x1;
	p0 =	seq.s32 s7, s2  }
0x1e: {  	s7 =	smul.u32 @!p0 $0xF7A, s2;
	p2 =	seq.s32 @!p0 s5, $0x0  }
0x1f: {  	s9 =	smul.u32 $0xF7A, s1;
	s8 =	simm.s32 @!p0 $0x1BF5;
	p2 =	por !p2, p0  }
0x20: {  	[sflag:s8] =	ssyncset.s32 @!p0 $0xFFFFF086;
	s6 =	sadd.s32 @!p0 s3, s7;
	s7 =	simm.s32 @!p0 $0x108  }
0x21: {  	s3 =	sadd.s32 s3, s9;
	s6 =	sadd.s32 @!p0 $0x88, s6;
	s7 =	simm.s32 @p2 $0x1082  }
0x22: {  	[simem:s7], [sflag:s8] =	dma.local @!p0 [hbm:s6], $0xF7A  }
0x23: {  	s9 =	sor.u32 $0xD0000000, s2;
	s6 =	simm.s32 $0x108;
	_ =	swait.ge @!p0 [sflag:s8], $0x0  }
0x24: {  	s3 =	sadd.s32 $0x88, s3;
	s6 =	simm.s32 @!p1 $0x1082;
	[sflag:s4] =	ssyncset.s32 $0xFFFFF086  }
0x25: {  	[simem:s6], [sflag:s4] =	dma.local [hbm:s3], $0xF7A  }
0x26: {  	[smem:$0x3F9C] =	sst s1;
	(tag) =	ssettag s2;
	_ =	strace s9  }
0x27: {  	s1 =	sld [smem:$0x3FAC]  }
0x28: {  	s2 =	sld [smem:$0x3FAD]  }
0x29: {  	s4 =	sld [smem:$0x3FAF]  }
0x2a: {  	p0 =	seq.s32 s5, $0x0;
	s5 =	sld [smem:$0x3FB0]  }
0x2b: {  	s6 =	sld [smem:$0x3FB1]  }
0x2c: {  	s7 =	sld [smem:$0x3FB2]  }
0x2d: {  	s3 =	simm.s32 $0x108;
	s8 =	sld [smem:$0x3FB3]  }
0x2e: {  	s3 =	simm.s32 @!p0 $0x1082;
	s9 =	sld [smem:$0x3FB4]  }
0x2f: {  	lr =	sadd.s32 s0, s3;
	s0 =	sld [smem:$0x3FAB]  }
0x30: {  	s3 =	sld [smem:$0x3FAE]  }
0x31: {  	[smem:$0x3FB7] =	sst s10  }
0x32: {  	s10 =	sld [smem:$0x3FB5];
	_ =	sdelay $0x3  }
0x33: {  	p0 =	seq.s32 s10, $0x1;
	s10 =	sld [smem:$0x3FB7];
	_ =	sdelay $0x3  }
0x34: {  	[smem:$0x3FB7] =	sst s10  }
0x35: {  	s10 =	sld [smem:$0x3FB6];
	_ =	sdelay $0x3  }
0x36: {  	p1 =	seq.s32 s10, $0x1;
	s10 =	sld [smem:$0x3FB7];
	_ =	sdelay $0x3  }
0x37: {  	[smem:$0x3FB7] =	sst s10  }
0x38: {  	s10 =	sld [smem:$0x3FB8]  }
0x39: {  	_ = 	snop;
	(pc) =	sbr.ind lr, $3  }
0x3a: {  	_ = 	snop  }
0x3b: {  	_ = 	snop  }
0x3c: {  	p2 =	seq.s32 s10, $0x1;
	s10 =	sld [smem:$0x3FB7]  }
0x3d: {  	_ =	shalt  }
0x3e: {  	_ =	shalt  }
0x3f: {  	_ =	shalt  }
0x40: {  	_ =	shalt  }
0x41: {  	_ =	shalt  }
0x42: {  	_ =	shalt  }
0x43: {  	_ =	shalt  }
0x44: {  	_ =	shalt  }
0x45: {  	_ =	shalt  }
0x46: {  	_ =	shalt  }
0x47: {  	_ =	shalt  }
0x48: {  	_ =	shalt  }
0x49: {  	_ =	shalt  }
0x4a: {  	_ =	shalt  }
0x4b: {  	_ =	shalt  }
0x4c: {  	_ =	shalt  }
0x4d: {  	_ =	shalt  }
0x4e: {  	_ =	shalt  }
0x4f: {  	_ =	shalt  }
0x50: {  	_ =	shalt  }
0x51: {  	_ =	shalt  }
0x52: {  	_ =	shalt  }
0x53: {  	_ =	shalt  }
0x54: {  	_ =	shalt  }
0x55: {  	_ =	shalt  }
0x56: {  	_ =	shalt  }
0x57: {  	_ =	shalt  }
0x58: {  	_ =	shalt  }
0x59: {  	_ =	shalt  }
0x5a: {  	_ =	shalt  }
0x5b: {  	_ =	shalt  }
0x5c: {  	_ =	shalt  }
0x5d: {  	_ =	shalt  }
0x5e: {  	_ =	shalt  }
0x5f: {  	_ =	shalt  }
0x60: {  	_ =	shalt  }
0x61: {  	_ =	shalt  }
0x62: {  	_ =	shalt  }
0x63: {  	_ =	shalt  }
0x64: {  	_ =	shalt  }
0x65: {  	_ =	shalt  }
0x66: {  	_ =	shalt  }
0x67: {  	_ =	shalt  }
0x68: {  	_ =	shalt  }
0x69: {  	_ =	shalt  }
0x6a: {  	_ =	shalt  }
0x6b: {  	_ =	shalt  }
0x6c: {  	_ =	shalt  }
0x6d: {  	_ =	shalt  }
0x6e: {  	_ =	shalt  }
0x6f: {  	_ =	shalt  }
0x70: {  	_ =	shalt  }
0x71: {  	_ =	shalt  }
0x72: {  	_ =	shalt  }
0x73: {  	_ =	shalt  }
0x74: {  	_ =	shalt  }
0x75: {  	_ =	shalt  }
0x76: {  	_ =	shalt  }
0x77: {  	_ =	shalt  }
0x78: {  	_ =	shalt  }
0x79: {  	_ =	shalt  }
0x7a: {  	_ =	shalt  }
0x7b: {  	_ =	shalt  }
0x7c: {  	_ =	shalt  }
0x7d: {  	_ =	shalt  }
0x7e: {  	_ =	shalt  }
0x7f: {  	_ =	shalt  }
0x80: {  	_ =	shalt  }
0x81: {  	_ =	shalt  }
0x82: {  	_ =	shalt  }
0x83: {  	_ =	shalt  }
0x84: {  	_ =	shalt  }
0x85: {  	_ =	shalt  }
0x86: {  	_ =	shalt  }
0x87: {  	_ =	shalt  }
.Lfunc_end0:
.L_simem_size_0:
called_computation_lowered:
.L_overlay_start_0:
0x88: {  	s2 =	sld [smem:$0x3FD9]  }
0x89: {  	s3 =	sld [smem:$0x3FFE];
	_ =	sdelay $0x1  }
0x8a: {  	s1 =	srdreg.scid  }
0x8b: {  	s0 =	sand.u32 $0x1, s1  }
0x8c: {  	s16 =	sshll.u32 s0, $0xA;
	s2 =	sadd.s32 s3, s2  }
0x8d: {  	s2 =	sadd.s32 s2, s16  }
0x8e: {  	[smem:$0x3FC3] =	sst s2  }
0x8f: {  	_ = 	snop  }
0x90: {  	(tm) =	ssettm $0x1  }
0x91: {  	s17 =	sld [smem:$0x3FFB];
	_ =	sdelay $0x3  }
0x92: {  	_ =	strace s17  }
0x93: {  	s2 =	sld [smem:$0x3FFC];
	_ =	sdelay $0x3  }
0x94: {  	_ =	strace s2  }
0x95: {  	s2 =	sld [smem:$0x3FFD];
	_ =	sdelay $0x3  }
0x96: {  	_ =	strace s2  }
0x97: {  	_ =	strace $0x8FFFFFFF  }
0x98: {  	s18 =	sld [smem:$0x3FDB];
	_ =	sdelay $0x1  }
0x99: {  	s19 =	simm.s32 $_scs_section_size  }
0x9a: {  	s4 =	simm.s32 $_size__tile_overlayer_lowered;
	s5 =	simm.s32 $_tile_overlayer_lowered  }
0x9b: {  	s22 =	simm.s32 $0x1BFF;
	s21 =	sshll.u32 s5, $0x1;
	s2 =	sadd.s32 s19, s18  }
0x9c: {  	s6 =	simm.s32 $0x0;
	s20 =	sshll.u32 s4, $0x1;
	s4 =	sadd.s32 s21, s2  }
0x9d: {  	[timem:s6], [sflag:s22] =	dma.local [hbm:s4], s20  }
0x9e: {  	_ =	swait.ge [sflag:s22], s20  }
0x9f: {  	s3 =	ssub.s32 $0x0, s20;
	[sflag:s22] =	ssyncset.done $0x0  }
0xa0: {  	[sflag:s22] =	ssyncadd.s32 s3;
	_ =	sdelay $0x1  }
0xa1: {  	s23 =	simm.s32 $0x1B8B  }
0xa2: {  	_ =	swait.ge [sflag:s23], $0x1  }
0xa3: {  	[sflag:s23] =	ssyncset.done $0x0  }
0xa4: {  	s25 =	simm.s32 $0x1B8E;
	s24 =	sld [smem:$0x3FFE];
	[sflag:s23] =	ssyncadd.s32 $0xFFFFFFFF  }
0xa5: {  	s26 =	simm.s32 $execute0_lowered;
	[smem:$0x3FD2] =	sst s25  }
0xa6: {  	s4 =	sshll.u32 s26, $0x1;
	_ =	strace $0x80000046;
	[dreg:$0x1] =	wrdreg $0xFFFFFFFF  }
0xa7: {  	s28 =	simm.s32 $_size_execute0_lowered;
	s2 =	sadd.s32 s2, s4;
	[dreg:$0x0] =	wrdreg $0x0  }
0xa8: {  	s4 =	sshll.u32 s28, $0x1;
	[dreg:$0x2] =	wrdreg s2  }
0xa9: {  	[dreg:$0x3] =	wrdreg s4  }
0xaa: {  	[dreg:$0x4] =	wrdreg $0xC0  }
0xab: {  	_ =	task [dreg:s6], $0x5FFFF  }
0xac: {  	[dreg:$0x1] =	wrdreg $0xFFFFFFFF  }
0xad: {  	[dreg:$0x0] =	wrdreg $0x60  }
0xae: {  	[dreg:$0x2] =	wrdreg s24  }
0xaf: {  	[dreg:$0x3] =	wrdreg $0x9  }
0xb0: {  	_ =	task.clear_ibuf [dreg:s6], $0x4FFFF;
	_ =	strace $0x90000046  }
0xb1: {  	s29 =	simm.s32 $0x9;
	_ =	strace $0x80000048  }
0xb2: {  	_ =	swait.ge [sflag:s29], $0x1  }
0xb3: {  	[sflag:s29] =	ssyncadd.s32 $0xFFFFFFFF  }
0xb4: {  	_ =	strace $0x90000048  }
0xb5: {  	_ =	sfence  }
0xb6: {  	s30 =	sld [smem:$0x0];
	_ =	sdelay $0x2  }
0xb7: {  	s31 =	sshll.u32 s1, $0xD;
	s1 =	sshrl.u32 s1, $0x2  }
0xb8: {  	s3 =	sand.u32 $0x4000, s31;
	s1 =	sadd.s32 s1, s30  }
0xb9: {  	s0 =	sor.u32 s3, s0;
	s1 =	sshll.u32 s1, $0x11  }
0xba: {  	s0 =	sor.u32 s1, s0  }
0xbb: {  	s0 =	sadd.s32 $0x8F2B, s0  }
0xbc: {  	[sflag:s0] =	ssyncadd.remote.s32 $0x1  }
0xbd: {  	_ =	sfence.sel $0xFFFF  }
0xbe: {  	[dreg:$0x0] =	wrdreg $0xFFFFFFFF;
	(pc) =	sbr.abs _section_cstart, $3  }
0xbf: {  	[dreg:$0x1] =	wrdreg $0xFFFFFFFF  }
0xc0: {  	_ =	task.clear_ibuf [dreg:s6], $0x2FFFF;
	_ =	strace $0x9FFFFFFF  }
0xc1: {  	(tm) =	ssettm $0x7FFFFFFF  }
tec
execute0_lowered:
.L_overlay_start_1:
0x0: {  	(tag) =	ssettag $0x1  }
0x1: {  	s0 =	rddreg [dreg:$0x0];
	s26 =	simm.s32 $0x0;
	s1 =	srdreg.scid  }
0x2: {  	s2 =	stileid.u32;
	s28 =	simm.s32 $0x2580;
	s29 =	simm.s32 $0xC80  }
0x3: {  	s30 =	simm.s32 $0x1;
	s31 =	simm.s32 $0x6400;
	[smem:$0x7FF] =	sst s26  }
0x4: {  	s1 =	sand.u32 $0x1, s1;
	s3 =	sshll.u32 s2, $0x1;
	s7 =	sadd.s32 $0x7200, s0  }
0x5: {  	s8 =	sadd.s32 $0x10600, s0;
	s10 =	sadd.s32 $0x1000, s0;
	s14 =	sadd.s32 $0xD22D, s0  }
0x6: {  	s15 =	sadd.s32 $0x1662D, s0;
	s16 =	sadd.s32 $0x10301, s0;
	s17 =	sadd.s32 $0x19701, s0  }
0x7: {  	s18 =	sadd.s32 $0x3F59, s0;
	s19 =	sadd.s32 $0x702D, s0;
	s22 =	sor.u32 s1, s3  }
0x8: {  	s20 =	sadd.s32 $0x314C8, s0;
	s1 =	ssub.s32 $0x2, s1;
	s3 =	smul.u32 $0xC38, s22  }
0x9: {  	_ =	strace $0x80000047;
	s4 =	sshrl.u32 s1, $0x1;
	p0 =	seq.s32 s22, $0x1F  }
0xa: {  	s1 =	ssub.s32 s1, s4;
	s11 =	sadd.s32 s3, s0;
	s9 =	sshrl.u32 s3, $0x3  }
0xb: {  	s21 =	smax.u32 s1, $0x1;
	s1 =	simm.s32 $0x0;
	s25 =	sadd.s32 s7, s9  }
.Ltmp0:
0xc: {  	s4 =	sadd.s32 s8, s9;
	s12 =	sadd.s32 $0x30D4, s9;
	(pc) =	sbr.rel .LBB2_1-.Ltmp0, $4  }
0xd: {  	s13 =	sadd.s32 $0x61A8, s9;
	s9 =	sadd.s32 s10, s9;
	s11 =	sadd.s32 $0x19A00, s11  }
0xe: {  	[dreg:$0x2] =	wrdreg s25;
	s5 =	sadd.s32 s7, s12;
	s6 =	sadd.s32 s8, s12  }
0xf: {  	v0 =	vlaneseq.u32;
	s7 =	sadd.s32 s7, s13;
	s8 =	sadd.s32 s8, s13;
	s10 =	sadd.s32 s10, s12  }
0x10: {  	v44 =	vmul.u32 $0x8, v0;
	s12 =	sadd.s32 $0xA159, s0;
	s13 =	sadd.s32 $0x13559, s0;
	s0 =	simm.s32 $0x2  }
.LBB2_9:
0x11: {  	_ =	sdelay $0x3  }
0x12: {  	[tilespmem:v8+s31+$0x0] =	vst.idx.msk $0xffff, v6  }
0x13: {  	[tilespmem:v3+s31+$0x0] =	vst.idx.msk $0xffff, v1  }
0x14: {  	[tilespmem:v4+s31+$0x0] =	vst.idx.msk $0xffff, v7  }
0x15: {  	[tilespmem:v2+s31+$0x0] =	vst.idx.msk $0xffff, v5  }
0x16: {  	[hbm4b:s20+s26] =	stream.linear.scatter [tilespmem:s31], [sflag:$0x2], $0x5EC0, $0x38;
	[tilespmem:$0xC800] =	vst v63  }
0x17: {  	_ =	swait.ge [sflag:s0], $0x5EC0  }
0x18: {  	[sflag:s0] =	ssyncset.done $0x0  }
0x19: {  	[sflag:s0] =	ssyncadd.s32 $0xFFFFA140  }
.LBB2_10:
0x1a: {  	s1 =	sadd.s32 $0x1, s1  }
0x1b: {  	p1 =	sne.s32 s1, s21  }
.Ltmp1:
0x1c: {  	_ = 	snop;
	(pc) =	sbr.rel @!p1 .LBB2_11-.Ltmp1, $1  }
0x1d: {  	_ =	sdelay $0x3  }
.LBB2_1:
.Ltmp2:
0x1e: {  	(pc) =	sbr.rel @!p0 .LBB2_2-.Ltmp2, $1  }
0x1f: {  	_ =	sdelay $0x3  }
0x20: {  	s23 =	simm.s32 $0x0  }
0x21: {  	[tilespmem:s23], [sflag:$0x1] =	stream.linear.gather [hbm4b:s12+s23], $0xBD8, $0x38;
	[tilespmem:$0xC800] =	vst v63  }
0x22: {  	_ = 	snop  }
0x23: {  	[tilespmem:s28], [sflag:$0x1] =	stream.linear.gather [hbm4b:s13+s23], $0xBD8, $0x38;
	[tilespmem:$0xC800] =	vst v63  }
0x24: {  	_ = 	snop  }
0x25: {  	[tilespmem:s29], [sflag:$0x1] =	stream.linear.gather [hbm4b:s14+s23], $0xBD8, $0x38;
	[tilespmem:$0xC800] =	vst v63  }
0x26: {  	s2 =	simm.s32 $0x3200  }
0x27: {  	[tilespmem:s2], [sflag:$0x1] =	stream.linear.gather [hbm4b:s15+s23], $0xBD8, $0x38;
	[tilespmem:$0xC800] =	vst v63  }
0x28: {  	s25 =	simm.s32 $0x1900  }
0x29: {  	[tilespmem:s25], [sflag:$0x1] =	stream.linear.gather [hbm4b:s16+s23], $0xBD8, $0x38;
	[tilespmem:$0xC800] =	vst v63  }
0x2a: {  	s3 =	simm.s32 $0x3E80  }
0x2b: {  	[tilespmem:s3], [sflag:$0x1] =	stream.linear.gather [hbm4b:s17+s23], $0xBD8, $0x38;
	[tilespmem:$0xC800] =	vst v63  }
0x2c: {  	s22 =	simm.s32 $0x4B00  }
0x2d: {  	[tilespmem:s22], [sflag:$0x1] =	stream.linear.gather [hbm4b:s18+s23], $0xBD8, $0x38;
	[tilespmem:$0xC800] =	vst v63  }
0x2e: {  	s24 =	simm.s32 $0x5780  }
0x2f: {  	[tilespmem:s24], [sflag:$0x1] =	stream.linear.gather [hbm4b:s19+s23], $0xBD8, $0x38;
	[tilespmem:$0xC800] =	vst v63  }
0x30: {  	_ =	swait.ge [sflag:s30], $0xBD8  }
0x31: {  	[sflag:s30] =	ssyncset.done $0x0  }
0x32: {  	[sflag:s30] =	ssyncadd.s32 $0xFFFFF428  }
0x33: {  	_ =	swait.ge [sflag:s30], $0xBD8  }
0x34: {  	[sflag:s30] =	ssyncset.done $0x0  }
0x35: {  	[sflag:s30] =	ssyncadd.s32 $0xFFFFF428  }
0x36: {  	_ =	swait.ge [sflag:s30], $0xBD8  }
0x37: {  	[sflag:s30] =	ssyncset.done $0x0  }
0x38: {  	[sflag:s30] =	ssyncadd.s32 $0xFFFFF428  }
0x39: {  	_ =	swait.ge [sflag:s30], $0xBD8  }
0x3a: {  	[sflag:s30] =	ssyncset.done $0x0  }
0x3b: {  	[sflag:s30] =	ssyncadd.s32 $0xFFFFF428  }
0x3c: {  	_ =	swait.ge [sflag:s30], $0xBD8  }
0x3d: {  	[sflag:s30] =	ssyncset.done $0x0  }
0x3e: {  	[sflag:s30] =	ssyncadd.s32 $0xFFFFF428  }
0x3f: {  	_ =	swait.ge [sflag:s30], $0xBD8  }
0x40: {  	[sflag:s30] =	ssyncset.done $0x0  }
0x41: {  	[sflag:s30] =	ssyncadd.s32 $0xFFFFF428  }
0x42: {  	_ =	swait.ge [sflag:s30], $0xBD8  }
0x43: {  	[sflag:s30] =	ssyncset.done $0x0  }
0x44: {  	s25 =	simm.s32 $0x80;
	[sflag:s30] =	ssyncadd.s32 $0xFFFFF428  }
0x45: {  	v0 =	vmov s25;
	s3 =	simm.s32 $0x0;
	_ =	swait.ge [sflag:s30], $0xBD8  }
0x46: {  	v0 =	vshll.u32 v0, $0x3;
	v1 =	vmov s3;
	s3 =	simm.s32 $0x30;
	[sflag:s30] =	ssyncset.done $0x0  }
0x47: {  	v3 =	vor.u32 v44, v0;
	v1 =	vshll.u32 v1, $0x3;
	v0 =	vmov s3;
	s22 =	simm.s32 $0x40;
	[sflag:s30] =	ssyncadd.s32 $0xFFFFF428  }
0x48: {  	v1 =	vor.u32 v44, v1;
	v0 =	vshll.u32 v0, $0x3;
	v2 =	vmov s22;
	s24 =	simm.s32 $0x10;
	v4 =	vld [tilespmem:s23+$0x80]  }
0x49: {  	s25 =	simm.s32 $0x60;
	v8 =	vor.u32 v44, v0;
	v0 =	vshll.u32 v2, $0x3;
	v6 =	vmov s24;
	v5 =	vld [tilespmem:s23+$0x0]  }
0x4a: {  	s3 =	simm.s32 $0x70;
	v2 =	vshll.u32 v6, $0x3;
	v6 =	vor.u32 v44, v0;
	v0 =	vmov s25;
	v7 =	vld [tilespmem:s23+$0x30]  }
0x4b: {  	v11 =	vmov s3;
	v0 =	vshll.u32 v0, $0x3;
	v10 =	vld [tilespmem:s23+$0x40]  }
0x4c: {  	s24 =	simm.s32 $0x90;
	v9 =	vor.u32 v44, v0;
	v0 =	vshll.u32 v11, $0x3;
	v14 =	vld [tilespmem:s23+$0x60]  }
0x4d: {  	s22 =	simm.s32 $0x20;
	v2 =	vor.u32 v44, v2;
	v11 =	vor.u32 v44, v0;
	v0 =	vmov s24;
	v13 =	vld [tilespmem:s23+$0x10];
	[tilespmem:v3+s31+$0x0] =	vst.idx.msk $0xffff, v4  }
0x4e: {  	v12 =	vmov s22;
	v0 =	vshll.u32 v0, $0x3;
	v15 =	vld [tilespmem:s23+$0x70];
	[tilespmem:v1+s31+$0x0] =	vst.idx.msk $0xffff, v5  }
0x4f: {  	v17 =	vld [tilespmem:s23+$0x90];
	v4 =	vshll.u32 v12, $0x3;
	[tilespmem:v8+s31+$0x0] =	vst.idx.msk $0xffff, v7;
	v7 =	vor.u32 v44, v0  }
0x50: {  	s25 =	simm.s32 $0xF0;
	v16 =	vld [tilespmem:s23+$0x20];
	[tilespmem:v6+s31+$0x0] =	vst.idx.msk $0xffff, v10;
	v12 =	vor.u32 v44, v4  }
0x51: {  	v19 =	vor.u32 $0x1, v6;
	v5 =	vmov s25;
	[tilespmem:v9+s31+$0x0] =	vst.idx.msk $0xffff, v14;
	v18 =	vld [tilespmem:s23+$0xCC0]  }
0x52: {  	s24 =	simm.s32 $0xB0;
	v20 =	vor.u32 $0x1, v9;
	[tilespmem:v2+s31+$0x0] =	vst.idx.msk $0xffff, v13;
	v4 =	vshll.u32 v5, $0x3;
	v35 =	vld [tilespmem:s23+$0xCE0]  }
0x53: {  	v0 =	vld [tilespmem:s23+$0xF0];
	s25 =	simm.s32 $0xC0;
	v10 =	vmov s24;
	[tilespmem:v11+s31+$0x0] =	vst.idx.msk $0xffff, v15;
	v4 =	vor.u32 v44, v4  }
0x54: {  	s22 =	simm.s32 $0x50;
	v22 =	vor.u32 $0x1, v8;
	v31 =	vmov s25;
	v10 =	vshll.u32 v10, $0x3;
	v38 =	vld [tilespmem:s23+$0xCB0];
	[tilespmem:v7+s31+$0x0] =	vst.idx.msk $0xffff, v17  }
0x55: {  	v33 =	vld [tilespmem:s23+$0xB0];
	v5 =	vmov s22;
	v13 =	vshll.u32 v31, $0x3;
	v10 =	vor.u32 v44, v10;
	[tilespmem:v12+s31+$0x0] =	vst.idx.msk $0xffff, v16  }
0x56: {  	v34 =	vld [tilespmem:s23+$0xC0];
	v5 =	vshll.u32 v5, $0x3;
	v13 =	vor.u32 v44, v13;
	[tilespmem:v19+s31+$0x0] =	vst.idx.msk $0xffff, v18  }
0x57: {  	v32 =	vld [tilespmem:s23+$0x50];
	v5 =	vor.u32 v44, v5;
	[tilespmem:v20+s31+$0x0] =	vst.idx.msk $0xffff, v35  }
0x58: {  	v21 =	vor.u32 $0x1, v7;
	[tilespmem:v4+s31+$0x0] =	vst.idx.msk $0xffff, v0;
	v0 =	vld [tilespmem:s23+$0xD10]  }
0x59: {  	v37 =	vor.u32 $0x1, v12;
	[tilespmem:v22+s31+$0x0] =	vst.idx.msk $0xffff, v38;
	v36 =	vld [tilespmem:s23+$0xCA0]  }
0x5a: {  	v42 =	vor.u32 $0x2, v9;
	[tilespmem:v10+s31+$0x0] =	vst.idx.msk $0xffff, v33;
	v24 =	vld [tilespmem:s23+$0x1960]  }
0x5b: {  	v39 =	vor.u32 $0x1, v10;
	v23 =	vld [tilespmem:s23+$0xD30];
	[tilespmem:v13+s31+$0x0] =	vst.idx.msk $0xffff, v34  }
0x5c: {  	v40 =	vor.u32 $0x1, v13;
	[tilespmem:v5+s31+$0x0] =	vst.idx.msk $0xffff, v32;
	v41 =	vld [tilespmem:s23+$0xD40]  }
0x5d: {  	v46 =	vor.u32 $0x1, v5;
	v45 =	vld [tilespmem:s23+$0xCD0];
	[tilespmem:v21+s31+$0x0] =	vst.idx.msk $0xffff, v0  }
0x5e: {  	v43 =	vld [tilespmem:s23+$0x1940];
	v0 =	vor.u32 $0x2, v6;
	[tilespmem:v37+s31+$0x0] =	vst.idx.msk $0xffff, v36  }
0x5f: {  	v47 =	vor.u32 $0x2, v12;
	[tilespmem:v42+s31+$0x0] =	vst.idx.msk $0xffff, v24;
	v19 =	vld [tilespmem:s23+$0x1920]  }
0x60: {  	v50 =	vor.u32 $0x2, v7;
	s22 =	simm.s32 $0xA0;
	[tilespmem:v39+s31+$0x0] =	vst.idx.msk $0xffff, v23;
	v51 =	vld [tilespmem:s23+$0x1990]  }
0x61: {  	v48 =	vor.u32 $0x2, v10;
	v23 =	vld [tilespmem:s23+$0x19B0];
	[tilespmem:v40+s31+$0x0] =	vst.idx.msk $0xffff, v41;
	v40 =	vmov s22  }
0x62: {  	v49 =	vor.u32 $0x2, v13;
	[tilespmem:v46+s31+$0x0] =	vst.idx.msk $0xffff, v45;
	v17 =	vld [tilespmem:s23+$0x19C0];
	v15 =	vshll.u32 v40, $0x3  }
0x63: {  	v46 =	vld [tilespmem:s23+$0xA0];
	v15 =	vor.u32 v44, v15;
	[tilespmem:v0+s31+$0x0] =	vst.idx.msk $0xffff, v43  }
0x64: {  	v52 =	vld [tilespmem:s23+$0x25E0];
	v0 =	vor.u32 $0x3, v9;
	[tilespmem:v47+s31+$0x0] =	vst.idx.msk $0xffff, v19  }
0x65: {  	v45 =	vor.u32 $0x2, v5;
	v43 =	vld [tilespmem:s23+$0x1950];
	[tilespmem:v50+s31+$0x0] =	vst.idx.msk $0xffff, v51  }
0x66: {  	v53 =	vor.u32 $0x3, v6;
	v54 =	vld [tilespmem:s23+$0x25C0];
	[tilespmem:v48+s31+$0x0] =	vst.idx.msk $0xffff, v23  }
0x67: {  	v50 =	vld [tilespmem:s23+$0xCF0];
	v51 =	vor.u32 $0x1, v11;
	[tilespmem:v49+s31+$0x0] =	vst.idx.msk $0xffff, v17  }
0x68: {  	v55 =	vor.u32 $0x3, v12;
	v19 =	vld [tilespmem:s23+$0x25A0];
	[tilespmem:v15+s31+$0x0] =	vst.idx.msk $0xffff, v46  }
0x69: {  	v56 =	vor.u32 $0x3, v10;
	v23 =	vld [tilespmem:s23+$0x2630];
	[tilespmem:v0+s31+$0x0] =	vst.idx.msk $0xffff, v52  }
0x6a: {  	v57 =	vor.u32 $0x3, v13;
	v17 =	vld [tilespmem:s23+$0x2640];
	[tilespmem:v45+s31+$0x0] =	vst.idx.msk $0xffff, v43  }
0x6b: {  	v58 =	vor.u32 $0x3, v7;
	v0 =	vld [tilespmem:s23+$0x2610];
	[tilespmem:v53+s31+$0x0] =	vst.idx.msk $0xffff, v54  }
0x6c: {  	v59 =	vor.u32 $0x4, v9;
	v60 =	vld [tilespmem:s23+$0x3260];
	[tilespmem:v51+s31+$0x0] =	vst.idx.msk $0xffff, v50  }
0x6d: {  	v52 =	vld [tilespmem:s23+$0xC80];
	v53 =	vor.u32 $0x1, v1;
	[tilespmem:v55+s31+$0x0] =	vst.idx.msk $0xffff, v19  }
0x6e: {  	v61 =	vor.u32 $0x4, v6;
	v62 =	vld [tilespmem:s23+$0x3240];
	[tilespmem:v56+s31+$0x0] =	vst.idx.msk $0xffff, v23  }
0x6f: {  	v54 =	vld [tilespmem:s23+$0xD70];
	v55 =	vor.u32 $0x1, v4;
	[tilespmem:v57+s31+$0x0] =	vst.idx.msk $0xffff, v17  }
0x70: {  	v63 =	vor.u32 $0x4, v12;
	v22 =	vld [tilespmem:s23+$0x3220];
	[tilespmem:v58+s31+$0x0] =	vst.idx.msk $0xffff, v0  }
0x71: {  	v28 =	vor.u32 $0x4, v10;
	v23 =	vld [tilespmem:s23+$0x32B0];
	[tilespmem:v59+s31+$0x0] =	vst.idx.msk $0xffff, v60  }
0x72: {  	v29 =	vor.u32 $0x4, v13;
	v0 =	vld [tilespmem:s23+$0x32C0];
	[tilespmem:v53+s31+$0x0] =	vst.idx.msk $0xffff, v52  }
0x73: {  	v56 =	vld [tilespmem:s23+$0x25D0];
	v57 =	vor.u32 $0x3, v5;
	[tilespmem:v61+s31+$0x0] =	vst.idx.msk $0xffff, v62  }
0x74: {  	v30 =	vor.u32 $0x4, v7;
	v31 =	vld [tilespmem:s23+$0x3290];
	[tilespmem:v55+s31+$0x0] =	vst.idx.msk $0xffff, v54  }
0x75: {  	v58 =	vld [tilespmem:s23+$0xD20];
	v59 =	vor.u32 $0x1, v15;
	[tilespmem:v63+s31+$0x0] =	vst.idx.msk $0xffff, v22  }
0x76: {  	v32 =	vor.u32 $0x5, v9;
	v33 =	vld [tilespmem:s23+$0x3EE0];
	[tilespmem:v28+s31+$0x0] =	vst.idx.msk $0xffff, v23  }
0x77: {  	v34 =	vor.u32 $0x5, v6;
	v35 =	vld [tilespmem:s23+$0x3EC0];
	[tilespmem:v29+s31+$0x0] =	vst.idx.msk $0xffff, v0  }
0x78: {  	[tilespmem:v57+s31+$0x0] =	vst.idx.msk $0xffff, v56;
	v0 =	vor.u32 $0x5, v13;
	v38 =	vld [tilespmem:s23+$0x3F40]  }
0x79: {  	v62 =	vld [tilespmem:s23+$0x1970];
	v63 =	vor.u32 $0x2, v11;
	[tilespmem:v30+s31+$0x0] =	vst.idx.msk $0xffff, v31  }
0x7a: {  	v36 =	vor.u32 $0x5, v12;
	v22 =	vld [tilespmem:s23+$0x3EA0];
	[tilespmem:v59+s31+$0x0] =	vst.idx.msk $0xffff, v58  }
0x7b: {  	v37 =	vor.u32 $0x5, v10;
	v25 =	vld [tilespmem:s23+$0x3F30];
	[tilespmem:v32+s31+$0x0] =	vst.idx.msk $0xffff, v33  }
0x7c: {  	v29 =	vld [tilespmem:s23+$0xC90];
	v30 =	vor.u32 $0x1, v2;
	[tilespmem:v34+s31+$0x0] =	vst.idx.msk $0xffff, v35  }
0x7d: {  	v39 =	vor.u32 $0x5, v7;
	v17 =	vld [tilespmem:s23+$0x3F10];
	[tilespmem:v0+s31+$0x0] =	vst.idx.msk $0xffff, v38  }
0x7e: {  	[tilespmem:v63+s31+$0x0] =	vst.idx.msk $0xffff, v62;
	v0 =	vor.u32 $0x6, v13;
	v14 =	vld [tilespmem:s23+$0x4BC0]  }
0x7f: {  	v41 =	vor.u32 $0x6, v9;
	v42 =	vld [tilespmem:s23+$0x4B60];
	[tilespmem:v36+s31+$0x0] =	vst.idx.msk $0xffff, v22  }
0x80: {  	v34 =	vld [tilespmem:s23+$0x1930];
	v35 =	vor.u32 $0x2, v8;
	[tilespmem:v37+s31+$0x0] =	vst.idx.msk $0xffff, v25  }
0x81: {  	v20 =	vld [tilespmem:s23+$0x25F0];
	v36 =	vor.u32 $0x3, v11;
	[tilespmem:v30+s31+$0x0] =	vst.idx.msk $0xffff, v29  }
0x82: {  	s24 =	simm.s32 $0xE0;
	v47 =	vor.u32 $0x6, v10;
	v48 =	vld [tilespmem:s23+$0x4BB0];
	[tilespmem:v39+s31+$0x0] =	vst.idx.msk $0xffff, v17  }
0x83: {  	v49 =	vor.u32 $0x6, v7;
	v17 =	vld [tilespmem:s23+$0x4B90];
	[tilespmem:v0+s31+$0x0] =	vst.idx.msk $0xffff, v14;
	v0 =	vmov s24  }
0x84: {  	s25 =	simm.s32 $0xD0;
	v37 =	vld [tilespmem:s23+$0xD00];
	v38 =	vor.u32 $0x1, v3;
	[tilespmem:v41+s31+$0x0] =	vst.idx.msk $0xffff, v42;
	v0 =	vshll.u32 v0, $0x3  }
0x85: {  	v28 =	vmov s25;
	[tilespmem:v35+s31+$0x0] =	vst.idx.msk $0xffff, v34;
	v61 =	vld [tilespmem:s23+$0x5840];
	v14 =	vor.u32 v44, v0;
	v0 =	vor.u32 $0x7, v13  }
0x86: {  	v41 =	vor.u32 $0x3, v8;
	v19 =	vld [tilespmem:s23+$0x25B0];
	[tilespmem:v36+s31+$0x0] =	vst.idx.msk $0xffff, v20;
	v13 =	vshll.u32 v28, $0x3  }
0x87: {  	v31 =	vld [tilespmem:s23+$0xD0];
	[tilespmem:v47+s31+$0x0] =	vst.idx.msk $0xffff, v48;
	v13 =	vor.u32 v44, v13  }
0x88: {  	v32 =	vor.u32 $0x2, v15;
	[tilespmem:v49+s31+$0x0] =	vst.idx.msk $0xffff, v17;
	v17 =	vld [tilespmem:s23+$0x19A0]  }
0x89: {  	v42 =	vor.u32 $0x4, v11;
	v20 =	vld [tilespmem:s23+$0x3270];
	[tilespmem:v38+s31+$0x0] =	vst.idx.msk $0xffff, v37  }
0x8a: {  	v33 =	vld [tilespmem:s23+$0x19F0];
	[tilespmem:v0+s31+$0x0] =	vst.idx.msk $0xffff, v61;
	v0 =	vor.u32 $0x2, v4  }
0x8b: {  	v60 =	vld [tilespmem:s23+$0xE0];
	[tilespmem:v41+s31+$0x0] =	vst.idx.msk $0xffff, v19  }
0x8c: {  	v50 =	vor.u32 $0x4, v8;
	v19 =	vld [tilespmem:s23+$0x3230];
	[tilespmem:v13+s31+$0x0] =	vst.idx.msk $0xffff, v31  }
0x8d: {  	v39 =	vor.u32 $0x1, v13;
	[tilespmem:v32+s31+$0x0] =	vst.idx.msk $0xffff, v17;
	v16 =	vld [tilespmem:s23+$0xD50]  }
0x8e: {  	v26 =	vor.u32 $0x3, v15;
	[tilespmem:v42+s31+$0x0] =	vst.idx.msk $0xffff, v20;
	v24 =	vld [tilespmem:s23+$0x2620]  }
0x8f: {  	v40 =	vor.u32 $0x6, v12;
	[tilespmem:v0+s31+$0x0] =	vst.idx.msk $0xffff, v33;
	v0 =	vld [tilespmem:s23+$0x4B20]  }
0x90: {  	v51 =	vor.u32 $0x5, v11;
	v20 =	vld [tilespmem:s23+$0x3EF0];
	[tilespmem:v14+s31+$0x0] =	vst.idx.msk $0xffff, v60  }
0x91: {  	v45 =	vor.u32 $0x1, v14;
	v43 =	vld [tilespmem:s23+$0xD60];
	[tilespmem:v50+s31+$0x0] =	vst.idx.msk $0xffff, v19  }
0x92: {  	v58 =	vor.u32 $0x5, v8;
	v19 =	vld [tilespmem:s23+$0x3EB0];
	[tilespmem:v39+s31+$0x0] =	vst.idx.msk $0xffff, v16  }
0x93: {  	v47 =	vor.u32 $0x2, v13;
	[tilespmem:v26+s31+$0x0] =	vst.idx.msk $0xffff, v24;
	v46 =	vld [tilespmem:s23+$0x19D0]  }
0x94: {  	v48 =	vor.u32 $0x4, v15;
	[tilespmem:v40+s31+$0x0] =	vst.idx.msk $0xffff, v0;
	v0 =	vld [tilespmem:s23+$0x32A0]  }
0x95: {  	v29 =	vld [tilespmem:s23+$0x3250];
	v30 =	vor.u32 $0x4, v5;
	[tilespmem:v51+s31+$0x0] =	vst.idx.msk $0xffff, v20  }
0x96: {  	v59 =	vor.u32 $0x6, v11;
	v20 =	vld [tilespmem:s23+$0x4B70];
	[tilespmem:v45+s31+$0x0] =	vst.idx.msk $0xffff, v43  }
0x97: {  	v52 =	vor.u32 $0x2, v14;
	v16 =	vld [tilespmem:s23+$0x19E0];
	[tilespmem:v58+s31+$0x0] =	vst.idx.msk $0xffff, v19  }
0x98: {  	v32 =	vor.u32 $0x6, v8;
	v31 =	vld [tilespmem:s23+$0x4B30];
	[tilespmem:v47+s31+$0x0] =	vst.idx.msk $0xffff, v46  }
0x99: {  	v53 =	vor.u32 $0x3, v13;
	[tilespmem:v48+s31+$0x0] =	vst.idx.msk $0xffff, v0;
	v0 =	vld [tilespmem:s23+$0x2650]  }
0x9a: {  	v57 =	vor.u32 $0x2, v2;
	v56 =	vld [tilespmem:s23+$0x1910];
	[tilespmem:v30+s31+$0x0] =	vst.idx.msk $0xffff, v29  }
0x9b: {  	v35 =	vld [tilespmem:s23+$0x1900];
	v36 =	vor.u32 $0x2, v1;
	[tilespmem:v59+s31+$0x0] =	vst.idx.msk $0xffff, v20  }
0x9c: {  	v11 =	vor.u32 $0x7, v11;
	v20 =	vld [tilespmem:s23+$0x57F0];
	[tilespmem:v52+s31+$0x0] =	vst.idx.msk $0xffff, v16  }
0x9d: {  	v12 =	vor.u32 $0x7, v12;
	v49 =	vld [tilespmem:s23+$0x57A0];
	[tilespmem:v32+s31+$0x0] =	vst.idx.msk $0xffff, v31  }
0x9e: {  	v60 =	vor.u32 $0x3, v14;
	[tilespmem:v53+s31+$0x0] =	vst.idx.msk $0xffff, v0;
	v0 =	vld [tilespmem:s23+$0x2660]  }
0x9f: {  	[tilespmem:v57+s31+$0x0] =	vst.idx.msk $0xffff, v56;
	v8 =	vor.u32 $0x7, v8;
	v37 =	vld [tilespmem:s23+$0x57B0]  }
0xa0: {  	v55 =	vor.u32 $0x5, v15;
	[tilespmem:v36+s31+$0x0] =	vst.idx.msk $0xffff, v35;
	v54 =	vld [tilespmem:s23+$0x3F20]  }
0xa1: {  	v62 =	vor.u32 $0x4, v13;
	[tilespmem:v11+s31+$0x0] =	vst.idx.msk $0xffff, v20;
	v61 =	vld [tilespmem:s23+$0x32D0]  }
0xa2: {  	v38 =	vor.u32 $0x3, v2;
	v11 =	vld [tilespmem:s23+$0x2590];
	[tilespmem:v12+s31+$0x0] =	vst.idx.msk $0xffff, v49  }
0xa3: {  	v33 =	vor.u32 $0x2, v3;
	[tilespmem:v60+s31+$0x0] =	vst.idx.msk $0xffff, v0;
	v0 =	vld [tilespmem:s23+$0x1980]  }
0xa4: {  	v9 =	vor.u32 $0x7, v9;
	v42 =	vld [tilespmem:s23+$0x57E0];
	[tilespmem:v8+s31+$0x0] =	vst.idx.msk $0xffff, v37  }
0xa5: {  	v43 =	vld [tilespmem:s23+$0x2580];
	v45 =	vor.u32 $0x3, v1;
	[tilespmem:v55+s31+$0x0] =	vst.idx.msk $0xffff, v54  }
0xa6: {  	v28 =	vor.u32 $0x6, v15;
	v63 =	vld [tilespmem:s23+$0x4BA0];
	[tilespmem:v62+s31+$0x0] =	vst.idx.msk $0xffff, v61  }
0xa7: {  	v34 =	vor.u32 $0x5, v13;
	[tilespmem:v38+s31+$0x0] =	vst.idx.msk $0xffff, v11;
	v12 =	vld [tilespmem:s23+$0x3F50]  }
0xa8: {  	v8 =	vld [tilespmem:s23+$0x3ED0];
	v11 =	vor.u32 $0x5, v5;
	[tilespmem:v33+s31+$0x0] =	vst.idx.msk $0xffff, v0  }
0xa9: {  	[tilespmem:v9+s31+$0x0] =	vst.idx.msk $0xffff, v42;
	v39 =	vor.u32 $0x3, v3;
	v0 =	vld [tilespmem:s23+$0x2600]  }
0xaa: {  	v41 =	vor.u32 $0x4, v14;
	[tilespmem:v45+s31+$0x0] =	vst.idx.msk $0xffff, v43;
	v40 =	vld [tilespmem:s23+$0x32E0]  }
0xab: {  	v48 =	vld [tilespmem:s23+$0x2670];
	v49 =	vor.u32 $0x3, v4;
	[tilespmem:v28+s31+$0x0] =	vst.idx.msk $0xffff, v63  }
0xac: {  	v15 =	vor.u32 $0x7, v15;
	v18 =	vld [tilespmem:s23+$0x5820];
	[tilespmem:v34+s31+$0x0] =	vst.idx.msk $0xffff, v12  }
0xad: {  	[tilespmem:v11+s31+$0x0] =	vst.idx.msk $0xffff, v8;
	v11 =	vor.u32 $0x6, v13;
	v8 =	vld [tilespmem:s23+$0x4BD0]  }
0xae: {  	v10 =	vor.u32 $0x7, v10;
	[tilespmem:v39+s31+$0x0] =	vst.idx.msk $0xffff, v0;
	v0 =	vld [tilespmem:s23+$0x5830]  }
0xaf: {  	v46 =	vor.u32 $0x4, v3;
	[tilespmem:v41+s31+$0x0] =	vst.idx.msk $0xffff, v40;
	v16 =	vld [tilespmem:s23+$0x3280]  }
0xb0: {  	v47 =	vor.u32 $0x5, v14;
	[tilespmem:v49+s31+$0x0] =	vst.idx.msk $0xffff, v48;
	v9 =	vld [tilespmem:s23+$0x3F60]  }
0xb1: {  	v50 =	vor.u32 $0x4, v1;
	[tilespmem:v15+s31+$0x0] =	vst.idx.msk $0xffff, v18;
	v18 =	vld [tilespmem:s23+$0x3200]  }
0xb2: {  	[tilespmem:v11+s31+$0x0] =	vst.idx.msk $0xffff, v8;
	v8 =	vld [tilespmem:s23+$0x32F0];
	v11 =	vor.u32 $0x4, v4  }
0xb3: {  	v53 =	vld [tilespmem:s23+$0x3210];
	v54 =	vor.u32 $0x4, v2;
	[tilespmem:v10+s31+$0x0] =	vst.idx.msk $0xffff, v0  }
0xb4: {  	v0 =	vor.u32 $0x6, v6;
	v10 =	vld [tilespmem:s23+$0x4B40];
	[tilespmem:v46+s31+$0x0] =	vst.idx.msk $0xffff, v16  }
0xb5: {  	v51 =	vor.u32 $0x5, v3;
	[tilespmem:v47+s31+$0x0] =	vst.idx.msk $0xffff, v9;
	v16 =	vld [tilespmem:s23+$0x3F00]  }
0xb6: {  	v52 =	vor.u32 $0x6, v14;
	v9 =	vld [tilespmem:s23+$0x4BE0];
	[tilespmem:v50+s31+$0x0] =	vst.idx.msk $0xffff, v18  }
0xb7: {  	v55 =	vor.u32 $0x5, v1;
	v18 =	vld [tilespmem:s23+$0x3E80];
	[tilespmem:v11+s31+$0x0] =	vst.idx.msk $0xffff, v8  }
0xb8: {  	[tilespmem:v54+s31+$0x0] =	vst.idx.msk $0xffff, v53;
	v8 =	vor.u32 $0x5, v4;
	v11 =	vld [tilespmem:s23+$0x3F70]  }
0xb9: {  	v58 =	vor.u32 $0x5, v2;
	v15 =	vld [tilespmem:s23+$0x3E90];
	[tilespmem:v0+s31+$0x0] =	vst.idx.msk $0xffff, v10  }
0xba: {  	v0 =	vor.u32 $0x7, v6;
	v6 =	vld [tilespmem:s23+$0x57C0];
	[tilespmem:v51+s31+$0x0] =	vst.idx.msk $0xffff, v16  }
0xbb: {  	v56 =	vor.u32 $0x6, v3;
	[tilespmem:v52+s31+$0x0] =	vst.idx.msk $0xffff, v9;
	v10 =	vld [tilespmem:s23+$0x4B80]  }
0xbc: {  	v57 =	vor.u32 $0x7, v14;
	v9 =	vld [tilespmem:s23+$0x5860];
	[tilespmem:v55+s31+$0x0] =	vst.idx.msk $0xffff, v18  }
0xbd: {  	v60 =	vor.u32 $0x6, v1;
	v59 =	vld [tilespmem:s23+$0x4B00];
	[tilespmem:v8+s31+$0x0] =	vst.idx.msk $0xffff, v11  }
0xbe: {  	[tilespmem:v58+s31+$0x0] =	vst.idx.msk $0xffff, v15;
	v8 =	vor.u32 $0x6, v4;
	v11 =	vld [tilespmem:s23+$0x4BF0]  }
0xbf: {  	[tilespmem:v0+s31+$0x0] =	vst.idx.msk $0xffff, v6;
	v0 =	vld [tilespmem:s23+$0x4B50];
	v6 =	vor.u32 $0x6, v5  }
0xc0: {  	v61 =	vor.u32 $0x6, v2;
	v14 =	vld [tilespmem:s23+$0x4B10];
	[tilespmem:v56+s31+$0x0] =	vst.idx.msk $0xffff, v10  }
0xc1: {  	v3 =	vor.u32 $0x7, v3;
	[tilespmem:v57+s31+$0x0] =	vst.idx.msk $0xffff, v9;
	v10 =	vld [tilespmem:s23+$0x5800]  }
0xc2: {  	v7 =	vor.u32 $0x7, v7;
	v9 =	vld [tilespmem:s23+$0x5810];
	[tilespmem:v60+s31+$0x0] =	vst.idx.msk $0xffff, v59  }
0xc3: {  	v63 =	vor.u32 $0x7, v1;
	v62 =	vld [tilespmem:s23+$0x5780];
	[tilespmem:v8+s31+$0x0] =	vst.idx.msk $0xffff, v11  }
0xc4: {  	v8 =	vor.u32 $0x7, v13;
	[tilespmem:v6+s31+$0x0] =	vst.idx.msk $0xffff, v0;
	v6 =	vld [tilespmem:s23+$0x5850]  }
0xc5: {  	[tilespmem:v61+s31+$0x0] =	vst.idx.msk $0xffff, v14  }
0xc6: {  	v1 =	vld [tilespmem:s23+$0x57D0];
	[tilespmem:v3+s31+$0x0] =	vst.idx.msk $0xffff, v10;
	v3 =	vor.u32 $0x7, v5  }
0xc7: {  	v4 =	vor.u32 $0x7, v4;
	[tilespmem:v7+s31+$0x0] =	vst.idx.msk $0xffff, v9;
	v7 =	vld [tilespmem:s23+$0x5870]  }
0xc8: {  	s22 =	simm.s32 $0x0;
	s24 =	simm.s32 $0x100;
	v2 =	vor.u32 $0x7, v2;
	[tilespmem:v63+s31+$0x0] =	vst.idx.msk $0xffff, v62;
	v5 =	vld [tilespmem:s23+$0x5790];
	s23 =	simm.s32 $0x1F0  }
.LBB2_8:
0xc9: {  	s2 =	sadd.s32 $0xFFFFFF10, s23;
	s3 =	sadd.s32 $0xFFFFFF90, s23;
	s25 =	sadd.s32 $0xFFFFFFD0, s23;
	v0 =	vmov s23;
	v11 =	vld [tilespmem:s24+$0xF0];
	[tilespmem:v8+s31+$0x0] =	vst.idx.msk $0xffff, v6  }
0xca: {  	s22 =	sadd.s32 $0x10, s22;
	v6 =	vmov s2;
	s2 =	sadd.s32 $0xFFFFFF20, s23;
	v8 =	vmov s3;
	v9 =	vld [tilespmem:s24+$0x80];
	v10 =	vmov s25  }
0xcb: {  	s3 =	sadd.s32 $0xFFFFFF30, s23;
	p1 =	slt.u32 s22, $0xB0;
	v6 =	vshll.u32 v6, $0x3;
	v8 =	vshll.u32 v8, $0x3;
	v12 =	vld [tilespmem:s24+$0x90];
	v15 =	vshll.u32 v10, $0x3;
	[tilespmem:v3+s31+$0x0] =	vst.idx.msk $0xffff, v1  }
0xcc: {  	v13 =	vld [tilespmem:s24+$0x0];
	v1 =	vor.u32 v44, v6;
	v6 =	vmov s2;
	s2 =	sadd.s32 $0xFFFFFF40, s23;
	v3 =	vor.u32 v44, v8;
	[tilespmem:v4+s31+$0x0] =	vst.idx.msk $0xffff, v7  }
0xcd: {  	v4 =	vshll.u32 v6, $0x3;
	v16 =	vld [tilespmem:s24+$0x10];
	v6 =	vmov s3;
	v7 =	vmov s2;
	s2 =	sadd.s32 $0xFFFFFF50, s23;
	[tilespmem:v2+s31+$0x0] =	vst.idx.msk $0xffff, v5  }
0xce: {  	v5 =	vshll.u32 v6, $0x3;
	v18 =	vld [tilespmem:s24+$0x20];
	v6 =	vshll.u32 v7, $0x3;
	v7 =	vmov s2;
	s2 =	sadd.s32 $0xFFFFFF60, s23  }
0xcf: {  	s3 =	sadd.s32 $0xFFFFFF70, s23;
	v2 =	vor.u32 v44, v4;
	v14 =	vld [tilespmem:s24+$0x30];
	v6 =	vor.u32 v44, v6;
	v4 =	vshll.u32 v7, $0x3  }
0xd0: {  	v19 =	vmov s2;
	s2 =	sadd.s32 $0xFFFFFF80, s23;
	v17 =	vld [tilespmem:s24+$0x40];
	v10 =	vor.u32 v44, v4;
	v4 =	vmov s3  }
0xd1: {  	v0 =	vshll.u32 v0, $0x3;
	v8 =	vmov s2;
	v20 =	vld [tilespmem:s24+$0x50];
	v4 =	vshll.u32 v4, $0x3;
	[tilespmem:v3+s31+$0x0] =	vst.idx.msk $0xffff, v9  }
0xd2: {  	s2 =	sadd.s32 $0xFFFFFFA0, s23;
	v8 =	vshll.u32 v8, $0x3;
	v9 =	vld [tilespmem:s24+$0x60];
	v7 =	vor.u32 v44, v4;
	v4 =	vor.u32 v44, v0  }
0xd3: {  	v22 =	vmov s2;
	v8 =	vor.u32 v44, v8;
	[tilespmem:v1+s31+$0x0] =	vst.idx.msk $0xffff, v13;
	v0 =	vor.u32 $0x3, v7;
	v21 =	vld [tilespmem:s24+$0x70]  }
0xd4: {  	s2 =	sadd.s32 $0xFFFFFFB0, s23;
	v13 =	vor.u32 v44, v5;
	v5 =	vshll.u32 v19, $0x3;
	[tilespmem:v6+s31+$0x0] =	vst.idx.msk $0xffff, v14;
	v14 =	vshll.u32 v22, $0x3;
	v19 =	vld [tilespmem:s24+$0xB0]  }
0xd5: {  	v22 =	vld [tilespmem:s24+$0xCB0];
	[tilespmem:v10+s31+$0x0] =	vst.idx.msk $0xffff, v17;
	v14 =	vor.u32 v44, v14;
	v17 =	vmov s2;
	s2 =	sadd.s32 $0xFFFFFFC0, s23  }
0xd6: {  	v24 =	vor.u32 $0x1, v10;
	[tilespmem:v2+s31+$0x0] =	vst.idx.msk $0xffff, v16;
	v23 =	vld [tilespmem:s24+$0xCC0];
	v17 =	vshll.u32 v17, $0x3;
	v25 =	vmov s2  }
0xd7: {  	v5 =	vor.u32 v44, v5;
	v16 =	vld [tilespmem:s24+$0xC90];
	[tilespmem:v7+s31+$0x0] =	vst.idx.msk $0xffff, v9;
	v9 =	vor.u32 v44, v17;
	v17 =	vshll.u32 v25, $0x3  }
0xd8: {  	v25 =	vld [tilespmem:s24+$0xCE0];
	[tilespmem:v8+s31+$0x0] =	vst.idx.msk $0xffff, v21;
	v17 =	vor.u32 v44, v17  }
0xd9: {  	v15 =	vor.u32 v44, v15;
	[tilespmem:v13+s31+$0x0] =	vst.idx.msk $0xffff, v18;
	v18 =	vld [tilespmem:s24+$0xC0]  }
0xda: {  	v26 =	vor.u32 $0x1, v7;
	v21 =	vld [tilespmem:s24+$0xCA0];
	[tilespmem:v14+s31+$0x0] =	vst.idx.msk $0xffff, v12  }
0xdb: {  	v27 =	vor.u32 $0x1, v14;
	v12 =	vld [tilespmem:s24+$0xD10];
	[tilespmem:v4+s31+$0x0] =	vst.idx.msk $0xffff, v11  }
0xdc: {  	v11 =	vor.u32 $0x2, v10;
	[tilespmem:v24+s31+$0x0] =	vst.idx.msk $0xffff, v23  }
0xdd: {  	v23 =	vor.u32 $0x1, v13;
	v24 =	vld [tilespmem:s24+$0x1940];
	[tilespmem:v5+s31+$0x0] =	vst.idx.msk $0xffff, v20  }
0xde: {  	v20 =	vor.u32 $0x1, v6;
	[tilespmem:v17+s31+$0x0] =	vst.idx.msk $0xffff, v19;
	v19 =	vor.u32 $0x1, v17  }
0xdf: {  	v28 =	vld [tilespmem:s24+$0xD30];
	[tilespmem:v15+s31+$0x0] =	vst.idx.msk $0xffff, v18;
	v18 =	vor.u32 $0x1, v15  }
0xe0: {  	[tilespmem:v26+s31+$0x0] =	vst.idx.msk $0xffff, v25;
	v25 =	vor.u32 $0x2, v7;
	v26 =	vld [tilespmem:s24+$0xD40]  }
0xe1: {  	v29 =	vld [tilespmem:s24+$0x1960];
	[tilespmem:v27+s31+$0x0] =	vst.idx.msk $0xffff, v12;
	v12 =	vor.u32 $0x2, v14  }
0xe2: {  	[tilespmem:v23+s31+$0x0] =	vst.idx.msk $0xffff, v21;
	v21 =	vor.u32 $0x3, v10;
	v23 =	vld [tilespmem:s24+$0xCD0]  }
0xe3: {  	v27 =	vld [tilespmem:s24+$0x1920];
	[tilespmem:v20+s31+$0x0] =	vst.idx.msk $0xffff, v22;
	v20 =	vor.u32 $0x1, v5  }
0xe4: {  	v22 =	vor.u32 $0x2, v13;
	v30 =	vld [tilespmem:s24+$0x1990];
	[tilespmem:v19+s31+$0x0] =	vst.idx.msk $0xffff, v28;
	v19 =	vor.u32 $0x2, v17  }
0xe5: {  	v28 =	vld [tilespmem:s24+$0x19B0];
	[tilespmem:v18+s31+$0x0] =	vst.idx.msk $0xffff, v26;
	v18 =	vor.u32 $0x2, v15  }
0xe6: {  	[tilespmem:v25+s31+$0x0] =	vst.idx.msk $0xffff, v29;
	v25 =	vld [tilespmem:s24+$0x19C0]  }
0xe7: {  	[tilespmem:v11+s31+$0x0] =	vst.idx.msk $0xffff, v24;
	v11 =	vld [tilespmem:s24+$0x25E0];
	v24 =	vor.u32 $0x3, v14  }
0xe8: {  	v29 =	vor.u32 $0x4, v10;
	v26 =	vld [tilespmem:s24+$0x25C0];
	[tilespmem:v20+s31+$0x0] =	vst.idx.msk $0xffff, v23  }
0xe9: {  	[tilespmem:v22+s31+$0x0] =	vst.idx.msk $0xffff, v27  }
0xea: {  	v22 =	vor.u32 $0x3, v13;
	v20 =	vld [tilespmem:s24+$0x25A0];
	[tilespmem:v19+s31+$0x0] =	vst.idx.msk $0xffff, v28;
	v19 =	vor.u32 $0x3, v17  }
0xeb: {  	v23 =	vld [tilespmem:s24+$0x2630];
	[tilespmem:v18+s31+$0x0] =	vst.idx.msk $0xffff, v25;
	v18 =	vor.u32 $0x3, v15  }
0xec: {  	v25 =	vor.u32 $0x4, v7;
	[tilespmem:v12+s31+$0x0] =	vst.idx.msk $0xffff, v30;
	v12 =	vld [tilespmem:s24+$0x2640]  }
0xed: {  	v27 =	vor.u32 $0x4, v14;
	[tilespmem:v0+s31+$0x0] =	vst.idx.msk $0xffff, v11;
	v0 =	vld [tilespmem:s24+$0x2610]  }
0xee: {  	[tilespmem:v21+s31+$0x0] =	vst.idx.msk $0xffff, v26;
	v21 =	vor.u32 $0x5, v10;
	v11 =	vld [tilespmem:s24+$0x3260]  }
0xef: {  	[tilespmem:v22+s31+$0x0] =	vst.idx.msk $0xffff, v20;
	v20 =	vld [tilespmem:s24+$0x3240]  }
0xf0: {  	v26 =	vor.u32 $0x4, v13;
	v22 =	vld [tilespmem:s24+$0x3220];
	[tilespmem:v19+s31+$0x0] =	vst.idx.msk $0xffff, v23;
	v19 =	vor.u32 $0x4, v17  }
0xf1: {  	v23 =	vld [tilespmem:s24+$0x32B0];
	[tilespmem:v18+s31+$0x0] =	vst.idx.msk $0xffff, v12;
	v12 =	vor.u32 $0x4, v15  }
0xf2: {  	v18 =	vor.u32 $0x5, v7;
	[tilespmem:v24+s31+$0x0] =	vst.idx.msk $0xffff, v0;
	v0 =	vld [tilespmem:s24+$0x32C0]  }
0xf3: {  	[tilespmem:v25+s31+$0x0] =	vst.idx.msk $0xffff, v11;
	v24 =	vld [tilespmem:s24+$0x3290];
	v25 =	vor.u32 $0x5, v14  }
0xf4: {  	v11 =	vor.u32 $0x6, v10;
	[tilespmem:v29+s31+$0x0] =	vst.idx.msk $0xffff, v20;
	v20 =	vld [tilespmem:s24+$0x3EE0]  }
0xf5: {  	[tilespmem:v26+s31+$0x0] =	vst.idx.msk $0xffff, v22;
	v22 =	vld [tilespmem:s24+$0x3EC0]  }
0xf6: {  	v28 =	vor.u32 $0x5, v13;
	v26 =	vld [tilespmem:s24+$0x3EA0];
	[tilespmem:v19+s31+$0x0] =	vst.idx.msk $0xffff, v23;
	v19 =	vor.u32 $0x5, v17  }
0xf7: {  	v23 =	vld [tilespmem:s24+$0x3F30];
	[tilespmem:v12+s31+$0x0] =	vst.idx.msk $0xffff, v0;
	v0 =	vor.u32 $0x5, v15  }
0xf8: {  	v29 =	vor.u32 $0x6, v7;
	[tilespmem:v27+s31+$0x0] =	vst.idx.msk $0xffff, v24;
	v24 =	vld [tilespmem:s24+$0x3F40]  }
0xf9: {  	[tilespmem:v18+s31+$0x0] =	vst.idx.msk $0xffff, v20;
	v18 =	vld [tilespmem:s24+$0x3F10];
	v20 =	vor.u32 $0x6, v14  }
0xfa: {  	v12 =	vor.u32 $0x7, v10;
	[tilespmem:v21+s31+$0x0] =	vst.idx.msk $0xffff, v22;
	v10 =	vld [tilespmem:s24+$0x4B60]  }
0xfb: {  	v22 =	vor.u32 $0x2, v5;
	[tilespmem:v28+s31+$0x0] =	vst.idx.msk $0xffff, v26;
	v21 =	vld [tilespmem:s24+$0x1950]  }
0xfc: {  	v26 =	vld [tilespmem:s24+$0xA0];
	[tilespmem:v19+s31+$0x0] =	vst.idx.msk $0xffff, v23;
	v19 =	vor.u32 $0x6, v17  }
0xfd: {  	v23 =	vld [tilespmem:s24+$0x4BB0];
	[tilespmem:v0+s31+$0x0] =	vst.idx.msk $0xffff, v24;
	v0 =	vor.u32 $0x6, v15  }
0xfe: {  	[tilespmem:v25+s31+$0x0] =	vst.idx.msk $0xffff, v18;
	v18 =	vld [tilespmem:s24+$0x4BC0]  }
0xff: {  	[tilespmem:v29+s31+$0x0] =	vst.idx.msk $0xffff, v10;
	v24 =	vld [tilespmem:s24+$0x4B90];
	v10 =	vor.u32 $0x7, v14  }
0x100: {  	[tilespmem:v22+s31+$0x0] =	vst.idx.msk $0xffff, v21;
	v14 =	vld [tilespmem:s24+$0xCF0];
	v21 =	vor.u32 $0x1, v8  }
0x101: {  	v25 =	vor.u32 $0x1, v1;
	v22 =	vld [tilespmem:s24+$0xC80];
	[tilespmem:v9+s31+$0x0] =	vst.idx.msk $0xffff, v26  }
0x102: {  	s2 =	sadd.s32 $0xFFFFFFF0, s23;
	v17 =	vor.u32 $0x7, v17;
	[tilespmem:v19+s31+$0x0] =	vst.idx.msk $0xffff, v23;
	v19 =	vld [tilespmem:s24+$0xD70];
	v23 =	vor.u32 $0x1, v4  }
0x103: {  	v27 =	vor.u32 $0x3, v5;
	v26 =	vld [tilespmem:s24+$0x25D0];
	[tilespmem:v0+s31+$0x0] =	vst.idx.msk $0xffff, v18;
	v0 =	vor.u32 $0x7, v15;
	v15 =	vmov s2  }
0x104: {  	[tilespmem:v20+s31+$0x0] =	vst.idx.msk $0xffff, v24;
	v18 =	vld [tilespmem:s24+$0xD20];
	v20 =	vor.u32 $0x1, v9;
	v15 =	vshll.u32 v15, $0x3  }
0x105: {  	[tilespmem:v21+s31+$0x0] =	vst.idx.msk $0xffff, v14;
	v21 =	vld [tilespmem:s24+$0xE0];
	v15 =	vor.u32 v44, v15  }
0x106: {  	s2 =	sadd.s32 $0xFFFFFFE0, s23;
	[tilespmem:v25+s31+$0x0] =	vst.idx.msk $0xffff, v22;
	v22 =	vld [tilespmem:s24+$0x5840]  }
0x107: {  	v14 =	vmov s2;
	v25 =	vor.u32 $0x2, v8;
	v24 =	vld [tilespmem:s24+$0x1970];
	[tilespmem:v23+s31+$0x0] =	vst.idx.msk $0xffff, v19  }
0x108: {  	v14 =	vshll.u32 v14, $0x3;
	v19 =	vor.u32 $0x1, v2;
	[tilespmem:v27+s31+$0x0] =	vst.idx.msk $0xffff, v26;
	v23 =	vld [tilespmem:s24+$0x19F0]  }
0x109: {  	v14 =	vor.u32 v44, v14;
	[tilespmem:v20+s31+$0x0] =	vst.idx.msk $0xffff, v18;
	v20 =	vld [tilespmem:s24+$0xD0]  }
0x10a: {  	v27 =	vor.u32 $0x2, v9;
	v26 =	vld [tilespmem:s24+$0x19A0];
	[tilespmem:v15+s31+$0x0] =	vst.idx.msk $0xffff, v21  }
0x10b: {  	v18 =	vld [tilespmem:s24+$0x1900];
	[tilespmem:v0+s31+$0x0] =	vst.idx.msk $0xffff, v22;
	v0 =	vor.u32 $0x2, v4  }
0x10c: {  	v22 =	vor.u32 $0x2, v6;
	v21 =	vld [tilespmem:s24+$0x1930];
	[tilespmem:v25+s31+$0x0] =	vst.idx.msk $0xffff, v24  }
0x10d: {  	[tilespmem:v19+s31+$0x0] =	vst.idx.msk $0xffff, v16;
	v16 =	vld [tilespmem:s24+$0x25F0];
	v19 =	vor.u32 $0x3, v8  }
0x10e: {  	v25 =	vor.u32 $0x1, v3;
	v24 =	vld [tilespmem:s24+$0xD00];
	[tilespmem:v14+s31+$0x0] =	vst.idx.msk $0xffff, v20  }
0x10f: {  	[tilespmem:v27+s31+$0x0] =	vst.idx.msk $0xffff, v26;
	v20 =	vld [tilespmem:s24+$0xD50];
	v26 =	vor.u32 $0x1, v14  }
0x110: {  	v28 =	vor.u32 $0x3, v9;
	v27 =	vld [tilespmem:s24+$0x2620];
	[tilespmem:v0+s31+$0x0] =	vst.idx.msk $0xffff, v23  }
0x111: {  	v23 =	vor.u32 $0x6, v13;
	v0 =	vld [tilespmem:s24+$0x4B20];
	[tilespmem:v22+s31+$0x0] =	vst.idx.msk $0xffff, v21  }
0x112: {  	v22 =	vor.u32 $0x3, v6;
	v21 =	vld [tilespmem:s24+$0x25B0];
	[tilespmem:v19+s31+$0x0] =	vst.idx.msk $0xffff, v16  }
0x113: {  	v19 =	vor.u32 $0x4, v8;
	v16 =	vld [tilespmem:s24+$0x3270];
	[tilespmem:v25+s31+$0x0] =	vst.idx.msk $0xffff, v24  }
0x114: {  	v24 =	vor.u32 $0x1, v15;
	[tilespmem:v26+s31+$0x0] =	vst.idx.msk $0xffff, v20;
	v20 =	vld [tilespmem:s24+$0xD60]  }
0x115: {  	v26 =	vor.u32 $0x2, v14;
	[tilespmem:v28+s31+$0x0] =	vst.idx.msk $0xffff, v27;
	v25 =	vld [tilespmem:s24+$0x19D0]  }
0x116: {  	[tilespmem:v23+s31+$0x0] =	vst.idx.msk $0xffff, v0;
	v0 =	vld [tilespmem:s24+$0x32A0];
	v23 =	vor.u32 $0x4, v9  }
0x117: {  	v13 =	vor.u32 $0x7, v13;
	v27 =	vld [tilespmem:s24+$0x57A0];
	[tilespmem:v22+s31+$0x0] =	vst.idx.msk $0xffff, v21  }
0x118: {  	v22 =	vor.u32 $0x4, v6;
	v21 =	vld [tilespmem:s24+$0x3230];
	[tilespmem:v19+s31+$0x0] =	vst.idx.msk $0xffff, v16  }
0x119: {  	v19 =	vor.u32 $0x5, v8;
	v16 =	vld [tilespmem:s24+$0x3EF0];
	[tilespmem:v24+s31+$0x0] =	vst.idx.msk $0xffff, v20  }
0x11a: {  	v24 =	vor.u32 $0x2, v15;
	[tilespmem:v26+s31+$0x0] =	vst.idx.msk $0xffff, v25;
	v20 =	vld [tilespmem:s24+$0x19E0]  }
0x11b: {  	[tilespmem:v23+s31+$0x0] =	vst.idx.msk $0xffff, v0;
	v0 =	vld [tilespmem:s24+$0x2650];
	v23 =	vor.u32 $0x3, v14  }
0x11c: {  	v25 =	vor.u32 $0x5, v9;
	[tilespmem:v13+s31+$0x0] =	vst.idx.msk $0xffff, v27;
	v13 =	vld [tilespmem:s24+$0x3F20]  }
0x11d: {  	v27 =	vor.u32 $0x2, v2;
	v26 =	vld [tilespmem:s24+$0x1910];
	[tilespmem:v22+s31+$0x0] =	vst.idx.msk $0xffff, v21  }
0x11e: {  	v22 =	vor.u32 $0x5, v6;
	v21 =	vld [tilespmem:s24+$0x3EB0];
	[tilespmem:v19+s31+$0x0] =	vst.idx.msk $0xffff, v16  }
0x11f: {  	v19 =	vor.u32 $0x6, v8;
	v16 =	vld [tilespmem:s24+$0x4B70];
	[tilespmem:v24+s31+$0x0] =	vst.idx.msk $0xffff, v20  }
0x120: {  	v20 =	vor.u32 $0x3, v15;
	[tilespmem:v23+s31+$0x0] =	vst.idx.msk $0xffff, v0;
	v0 =	vld [tilespmem:s24+$0x2660]  }
0x121: {  	v23 =	vor.u32 $0x4, v14;
	[tilespmem:v25+s31+$0x0] =	vst.idx.msk $0xffff, v13;
	v13 =	vld [tilespmem:s24+$0x32D0]  }
0x122: {  	v25 =	vor.u32 $0x6, v9;
	[tilespmem:v27+s31+$0x0] =	vst.idx.msk $0xffff, v26;
	v24 =	vld [tilespmem:s24+$0x4BA0]  }
0x123: {  	[tilespmem:v22+s31+$0x0] =	vst.idx.msk $0xffff, v21;
	v21 =	vld [tilespmem:s24+$0x3250];
	v22 =	vor.u32 $0x4, v5  }
0x124: {  	v27 =	vor.u32 $0x6, v6;
	v26 =	vld [tilespmem:s24+$0x4B30];
	[tilespmem:v19+s31+$0x0] =	vst.idx.msk $0xffff, v16  }
0x125: {  	v8 =	vor.u32 $0x7, v8;
	v16 =	vld [tilespmem:s24+$0x57F0];
	[tilespmem:v20+s31+$0x0] =	vst.idx.msk $0xffff, v0  }
0x126: {  	v19 =	vor.u32 $0x2, v3;
	v0 =	vld [tilespmem:s24+$0x1980];
	[tilespmem:v23+s31+$0x0] =	vst.idx.msk $0xffff, v13  }
0x127: {  	v20 =	vor.u32 $0x5, v14;
	[tilespmem:v25+s31+$0x0] =	vst.idx.msk $0xffff, v24;
	v13 =	vld [tilespmem:s24+$0x3F50]  }
0x128: {  	v9 =	vor.u32 $0x7, v9;
	[tilespmem:v22+s31+$0x0] =	vst.idx.msk $0xffff, v21;
	v21 =	vld [tilespmem:s24+$0x5820]  }
0x129: {  	v22 =	vor.u32 $0x2, v1;
	[tilespmem:v27+s31+$0x0] =	vst.idx.msk $0xffff, v26;
	v23 =	vld [tilespmem:s24+$0x3ED0]  }
0x12a: {  	v6 =	vor.u32 $0x7, v6;
	v24 =	vld [tilespmem:s24+$0x57B0];
	[tilespmem:v8+s31+$0x0] =	vst.idx.msk $0xffff, v16  }
0x12b: {  	v16 =	vor.u32 $0x3, v2;
	v8 =	vld [tilespmem:s24+$0x2590];
	[tilespmem:v19+s31+$0x0] =	vst.idx.msk $0xffff, v0  }
0x12c: {  	v19 =	vor.u32 $0x3, v3;
	v0 =	vld [tilespmem:s24+$0x2600];
	[tilespmem:v20+s31+$0x0] =	vst.idx.msk $0xffff, v13  }
0x12d: {  	v13 =	vor.u32 $0x4, v15;
	[tilespmem:v9+s31+$0x0] =	vst.idx.msk $0xffff, v21;
	v9 =	vld [tilespmem:s24+$0x32E0]  }
0x12e: {  	v7 =	vor.u32 $0x7, v7;
	[tilespmem:v22+s31+$0x0] =	vst.idx.msk $0xffff, v18;
	v18 =	vld [tilespmem:s24+$0x57E0]  }
0x12f: {  	v21 =	vor.u32 $0x3, v1;
	v20 =	vld [tilespmem:s24+$0x2580];
	[tilespmem:v6+s31+$0x0] =	vst.idx.msk $0xffff, v24  }
0x130: {  	v6 =	vor.u32 $0x5, v5;
	[tilespmem:v16+s31+$0x0] =	vst.idx.msk $0xffff, v8;
	v8 =	vld [tilespmem:s24+$0x2670]  }
0x131: {  	[tilespmem:v19+s31+$0x0] =	vst.idx.msk $0xffff, v0;
	v0 =	vld [tilespmem:s24+$0x5830]  }
0x132: {  	v19 =	vor.u32 $0x4, v3;
	v16 =	vld [tilespmem:s24+$0x3280];
	[tilespmem:v13+s31+$0x0] =	vst.idx.msk $0xffff, v9  }
0x133: {  	v9 =	vor.u32 $0x5, v15;
	v13 =	vor.u32 $0x3, v4;
	[tilespmem:v7+s31+$0x0] =	vst.idx.msk $0xffff, v18;
	v7 =	vld [tilespmem:s24+$0x3F60]  }
0x134: {  	[tilespmem:v21+s31+$0x0] =	vst.idx.msk $0xffff, v20;
	v18 =	vld [tilespmem:s24+$0x3210]  }
0x135: {  	v20 =	vor.u32 $0x6, v14;
	[tilespmem:v6+s31+$0x0] =	vst.idx.msk $0xffff, v23;
	v6 =	vld [tilespmem:s24+$0x4BD0]  }
0x136: {  	v22 =	vor.u32 $0x4, v1;
	v21 =	vld [tilespmem:s24+$0x3200];
	[tilespmem:v17+s31+$0x0] =	vst.idx.msk $0xffff, v0  }
0x137: {  	v0 =	vld [tilespmem:s24+$0x4B40];
	[tilespmem:v19+s31+$0x0] =	vst.idx.msk $0xffff, v16  }
0x138: {  	v17 =	vor.u32 $0x5, v3;
	v16 =	vld [tilespmem:s24+$0x3F00];
	[tilespmem:v9+s31+$0x0] =	vst.idx.msk $0xffff, v7  }
0x139: {  	v9 =	vor.u32 $0x6, v15;
	v7 =	vld [tilespmem:s24+$0x4BE0];
	[tilespmem:v13+s31+$0x0] =	vst.idx.msk $0xffff, v8  }
0x13a: {  	v19 =	vor.u32 $0x4, v4;
	v8 =	vor.u32 $0x4, v2;
	[tilespmem:v20+s31+$0x0] =	vst.idx.msk $0xffff, v6;
	v13 =	vld [tilespmem:s24+$0x32F0]  }
0x13b: {  	[tilespmem:v22+s31+$0x0] =	vst.idx.msk $0xffff, v21;
	v6 =	vld [tilespmem:s24+$0x5850]  }
0x13c: {  	v21 =	vor.u32 $0x5, v1;
	v20 =	vld [tilespmem:s24+$0x3E80];
	[tilespmem:v11+s31+$0x0] =	vst.idx.msk $0xffff, v0  }
0x13d: {  	v11 =	vor.u32 $0x5, v4;
	v0 =	vld [tilespmem:s24+$0x57C0];
	[tilespmem:v17+s31+$0x0] =	vst.idx.msk $0xffff, v16  }
0x13e: {  	v17 =	vor.u32 $0x6, v3;
	v16 =	vld [tilespmem:s24+$0x4B80];
	[tilespmem:v9+s31+$0x0] =	vst.idx.msk $0xffff, v7  }
0x13f: {  	v9 =	vor.u32 $0x7, v15;
	v7 =	vld [tilespmem:s24+$0x5860];
	[tilespmem:v19+s31+$0x0] =	vst.idx.msk $0xffff, v13  }
0x140: {  	[tilespmem:v8+s31+$0x0] =	vst.idx.msk $0xffff, v18;
	v8 =	vor.u32 $0x5, v2;
	v13 =	vld [tilespmem:s24+$0x3F70]  }
0x141: {  	[tilespmem:v21+s31+$0x0] =	vst.idx.msk $0xffff, v20;
	v15 =	vld [tilespmem:s24+$0x3E90]  }
0x142: {  	v19 =	vor.u32 $0x6, v1;
	v18 =	vld [tilespmem:s24+$0x4B00];
	[tilespmem:v12+s31+$0x0] =	vst.idx.msk $0xffff, v0  }
0x143: {  	v12 =	vor.u32 $0x6, v5;
	v0 =	vld [tilespmem:s24+$0x4B50];
	[tilespmem:v17+s31+$0x0] =	vst.idx.msk $0xffff, v16;
	v16 =	vor.u32 $0x6, v4  }
0x144: {  	v3 =	vor.u32 $0x7, v3;
	v17 =	vld [tilespmem:s24+$0x5800];
	[tilespmem:v9+s31+$0x0] =	vst.idx.msk $0xffff, v7  }
0x145: {  	v7 =	vld [tilespmem:s24+$0x5810];
	[tilespmem:v11+s31+$0x0] =	vst.idx.msk $0xffff, v13  }
0x146: {  	v9 =	vor.u32 $0x6, v2;
	[tilespmem:v8+s31+$0x0] =	vst.idx.msk $0xffff, v15;
	v11 =	vld [tilespmem:s24+$0x4BF0]  }
0x147: {  	[tilespmem:v19+s31+$0x0] =	vst.idx.msk $0xffff, v18;
	v13 =	vld [tilespmem:s24+$0x4B10]  }
0x148: {  	v18 =	vor.u32 $0x7, v1;
	v15 =	vld [tilespmem:s24+$0x5780];
	[tilespmem:v12+s31+$0x0] =	vst.idx.msk $0xffff, v0  }
.Ltmp3:
0x149: {  	v4 =	vor.u32 $0x7, v4;
	v8 =	vor.u32 $0x7, v14;
	v1 =	vld [tilespmem:s24+$0x57D0];
	[tilespmem:v3+s31+$0x0] =	vst.idx.msk $0xffff, v17;
	(pc) =	sbr.rel @p1 .LBB2_8-.Ltmp3, $4  }
0x14a: {  	[tilespmem:v10+s31+$0x0] =	vst.idx.msk $0xffff, v7  }
0x14b: {  	v3 =	vor.u32 $0x7, v5;
	[tilespmem:v16+s31+$0x0] =	vst.idx.msk $0xffff, v11  }
0x14c: {  	v2 =	vor.u32 $0x7, v2;
	[tilespmem:v9+s31+$0x0] =	vst.idx.msk $0xffff, v13;
	v7 =	vld [tilespmem:s24+$0x5870]  }
0x14d: {  	s23 =	sadd.s32 $0x100, s23;
	[tilespmem:v18+s31+$0x0] =	vst.idx.msk $0xffff, v15;
	v5 =	vld [tilespmem:s24+$0x5790];
	s24 =	sadd.s32 $0x100, s24  }
.Ltmp4:
0x14e: {  	_ = 	snop;
	(pc) =	sbr.rel .LBB2_9-.Ltmp4, $1  }
0x14f: {  	_ =	sdelay $0x3  }
.LBB2_2:
0x150: {  	s22 =	simm.s32 $0x0;
	s2 =	rddreg [dreg:$0x2]  }
0x151: {  	[tilespmem:s22], [sflag:$0x1] =	stream.linear.gather [hbm4b:s2+s22], $0xC38, $0x38;
	[tilespmem:$0xC800] =	vst v63  }
0x152: {  	_ = 	snop  }
0x153: {  	[tilespmem:s28], [sflag:$0x1] =	stream.linear.gather [hbm4b:s4+s22], $0xC38, $0x38;
	[tilespmem:$0xC800] =	vst v63  }
0x154: {  	_ = 	snop  }
0x155: {  	[tilespmem:s29], [sflag:$0x1] =	stream.linear.gather [hbm4b:s5+s22], $0xC38, $0x38;
	[tilespmem:$0xC800] =	vst v63  }
0x156: {  	s23 =	simm.s32 $0x3200  }
0x157: {  	[tilespmem:s23], [sflag:$0x1] =	stream.linear.gather [hbm4b:s6+s22], $0xC38, $0x38;
	[tilespmem:$0xC800] =	vst v63  }
0x158: {  	s24 =	simm.s32 $0x1900  }
0x159: {  	[tilespmem:s24], [sflag:$0x1] =	stream.linear.gather [hbm4b:s7+s22], $0xC38, $0x38;
	[tilespmem:$0xC800] =	vst v63  }
0x15a: {  	s25 =	simm.s32 $0x3E80  }
0x15b: {  	[tilespmem:s25], [sflag:$0x1] =	stream.linear.gather [hbm4b:s8+s22], $0xC38, $0x38;
	[tilespmem:$0xC800] =	vst v63  }
0x15c: {  	s26 =	simm.s32 $0x4B00  }
0x15d: {  	[tilespmem:s26], [sflag:$0x1] =	stream.linear.gather [hbm4b:s9+s22], $0xC38, $0x38;
	[tilespmem:$0xC800] =	vst v63  }
0x15e: {  	s28 =	simm.s32 $0x5780  }
0x15f: {  	[tilespmem:s28], [sflag:$0x1] =	stream.linear.gather [hbm4b:s10+s22], $0xC38, $0x38;
	[tilespmem:$0xC800] =	vst v63  }
0x160: {  	_ =	swait.ge [sflag:s30], $0xC38  }
0x161: {  	[sflag:s30] =	ssyncset.done $0x0  }
0x162: {  	[sflag:s30] =	ssyncadd.s32 $0xFFFFF3C8  }
0x163: {  	_ =	swait.ge [sflag:s30], $0xC38  }
0x164: {  	[sflag:s30] =	ssyncset.done $0x0  }
0x165: {  	[sflag:s30] =	ssyncadd.s32 $0xFFFFF3C8  }
0x166: {  	_ =	swait.ge [sflag:s30], $0xC38  }
0x167: {  	[sflag:s30] =	ssyncset.done $0x0  }
0x168: {  	[sflag:s30] =	ssyncadd.s32 $0xFFFFF3C8  }
0x169: {  	_ =	swait.ge [sflag:s30], $0xC38  }
0x16a: {  	[sflag:s30] =	ssyncset.done $0x0  }
0x16b: {  	[sflag:s30] =	ssyncadd.s32 $0xFFFFF3C8  }
0x16c: {  	_ =	swait.ge [sflag:s30], $0xC38  }
0x16d: {  	[sflag:s30] =	ssyncset.done $0x0  }
0x16e: {  	[sflag:s30] =	ssyncadd.s32 $0xFFFFF3C8  }
0x16f: {  	_ =	swait.ge [sflag:s30], $0xC38  }
0x170: {  	[sflag:s30] =	ssyncset.done $0x0  }
0x171: {  	[sflag:s30] =	ssyncadd.s32 $0xFFFFF3C8  }
0x172: {  	_ =	swait.ge [sflag:s30], $0xC38  }
0x173: {  	[sflag:s30] =	ssyncset.done $0x0  }
0x174: {  	[sflag:s30] =	ssyncadd.s32 $0xFFFFF3C8  }
0x175: {  	s23 =	simm.s32 $0xE0;
	_ =	swait.ge [sflag:s30], $0xC38  }
0x176: {  	v1 =	vmov s23;
	[sflag:s30] =	ssyncset.done $0x0  }
0x177: {  	v1 =	vshll.u32 v1, $0x3;
	[sflag:s30] =	ssyncadd.s32 $0xFFFFF3C8  }
0x178: {  	v9 =	vor.u32 v44, v1;
	v2 =	vld [tilespmem:s22+$0xE0];
	_ =	sdelay $0x4  }
0x179: {  	v6 =	vld [tilespmem:s22+$0x0];
	[tilespmem:v9+s31+$0x0] =	vst.idx.msk $0xffff, v2  }
0x17a: {  	v4 =	vor.u32 $0x1, v9;
	v3 =	vld [tilespmem:s22+$0xD60]  }
0x17b: {  	s24 =	simm.s32 $0x10;
	v8 =	vld [tilespmem:s22+$0x10]  }
0x17c: {  	s29 =	simm.s32 $0x0;
	v10 =	vld [tilespmem:s22+$0x20];
	v2 =	vmov s24  }
0x17d: {  	v1 =	vmov s29;
	v11 =	vld [tilespmem:s22+$0x30];
	v2 =	vshll.u32 v2, $0x3  }
0x17e: {  	s2 =	simm.s32 $0x20;
	v1 =	vshll.u32 v1, $0x3;
	v12 =	vld [tilespmem:s22+$0x40];
	v2 =	vor.u32 v44, v2  }
0x17f: {  	s3 =	simm.s32 $0x30;
	v5 =	vmov s2;
	v15 =	vor.u32 $0x2, v9;
	s25 =	simm.s32 $0x50;
	v1 =	vor.u32 v44, v1;
	v13 =	vld [tilespmem:s22+$0x50];
	[tilespmem:v4+s31+$0x0] =	vst.idx.msk $0xffff, v3  }
0x180: {  	v16 =	vmov s25;
	s24 =	simm.s32 $0x40;
	v3 =	vmov s3;
	v4 =	vshll.u32 v5, $0x3;
	v14 =	vld [tilespmem:s22+$0x19E0]  }
0x181: {  	v17 =	vld [tilespmem:s22+$0x60];
	v5 =	vmov s24;
	v7 =	vshll.u32 v3, $0x3;
	v3 =	vor.u32 v44, v4  }
0x182: {  	s26 =	simm.s32 $0x60;
	v16 =	vshll.u32 v16, $0x3;
	s28 =	simm.s32 $0x70;
	v18 =	vld [tilespmem:s22+$0x70];
	v5 =	vshll.u32 v5, $0x3;
	v4 =	vor.u32 v44, v7  }
0x183: {  	v19 =	vld [tilespmem:s22+$0x80];
	[tilespmem:v2+s31+$0x0] =	vst.idx.msk $0xffff, v8;
	v8 =	vmov s28;
	v7 =	vmov s26;
	v5 =	vor.u32 v44, v5  }
0x184: {  	v20 =	vld [tilespmem:s22+$0x90];
	[tilespmem:v1+s31+$0x0] =	vst.idx.msk $0xffff, v6;
	v8 =	vshll.u32 v8, $0x3;
	v6 =	vshll.u32 v7, $0x3;
	v7 =	vor.u32 v44, v16  }
0x185: {  	s29 =	simm.s32 $0x80;
	v21 =	vld [tilespmem:s22+$0xA0];
	v8 =	vor.u32 v44, v8;
	[tilespmem:v15+s31+$0x0] =	vst.idx.msk $0xffff, v14  }
0x186: {  	s2 =	simm.s32 $0x90;
	v23 =	vld [tilespmem:s22+$0xB0];
	v6 =	vor.u32 v44, v6;
	v14 =	vmov s29;
	[tilespmem:v3+s31+$0x0] =	vst.idx.msk $0xffff, v10  }
0x187: {  	v22 =	vor.u32 $0x3, v9;
	s3 =	simm.s32 $0xA0;
	v10 =	vmov s2;
	v15 =	vld [tilespmem:s22+$0x2660];
	v14 =	vshll.u32 v14, $0x3;
	[tilespmem:v4+s31+$0x0] =	vst.idx.msk $0xffff, v11  }
0x188: {  	s25 =	simm.s32 $0xB0;
	v24 =	vld [tilespmem:s22+$0xC0];
	v11 =	vmov s3;
	v10 =	vshll.u32 v10, $0x3;
	[tilespmem:v5+s31+$0x0] =	vst.idx.msk $0xffff, v12;
	v16 =	vor.u32 v44, v14  }
0x189: {  	v25 =	vld [tilespmem:s22+$0xD0];
	v12 =	vmov s25;
	v11 =	vshll.u32 v11, $0x3;
	v10 =	vor.u32 v44, v10;
	[tilespmem:v7+s31+$0x0] =	vst.idx.msk $0xffff, v13  }
0x18a: {  	v26 =	vld [tilespmem:s22+$0xF0];
	v12 =	vshll.u32 v12, $0x3;
	[tilespmem:v8+s31+$0x0] =	vst.idx.msk $0xffff, v18;
	v11 =	vor.u32 v44, v11  }
0x18b: {  	v27 =	vld [tilespmem:s22+$0xC90];
	[tilespmem:v6+s31+$0x0] =	vst.idx.msk $0xffff, v17;
	v12 =	vor.u32 v44, v12  }
0x18c: {  	v34 =	vor.u32 $0x1, v8;
	v61 =	vld [tilespmem:s22+$0xCF0];
	[tilespmem:v22+s31+$0x0] =	vst.idx.msk $0xffff, v15  }
0x18d: {  	s26 =	simm.s32 $0xC0;
	v17 =	vld [tilespmem:s22+$0xC80];
	v22 =	vor.u32 $0x1, v1;
	[tilespmem:v16+s31+$0x0] =	vst.idx.msk $0xffff, v19  }
0x18e: {  	v18 =	vor.u32 $0x4, v9;
	v13 =	vmov s26;
	v15 =	vld [tilespmem:s22+$0x32E0];
	[tilespmem:v10+s31+$0x0] =	vst.idx.msk $0xffff, v20  }
0x18f: {  	s28 =	simm.s32 $0xD0;
	v28 =	vld [tilespmem:s22+$0xCA0];
	v13 =	vshll.u32 v13, $0x3;
	v20 =	vor.u32 $0x1, v3;
	[tilespmem:v11+s31+$0x0] =	vst.idx.msk $0xffff, v21  }
0x190: {  	v14 =	vmov s28;
	v29 =	vld [tilespmem:s22+$0xCB0];
	v13 =	vor.u32 v44, v13;
	[tilespmem:v12+s31+$0x0] =	vst.idx.msk $0xffff, v23  }
0x191: {  	v14 =	vshll.u32 v14, $0x3;
	v19 =	vor.u32 $0x1, v2;
	v21 =	vld [tilespmem:s22+$0xCC0];
	[tilespmem:v34+s31+$0x0] =	vst.idx.msk $0xffff, v61  }
0x192: {  	v14 =	vor.u32 v44, v14;
	v23 =	vld [tilespmem:s22+$0xCD0];
	[tilespmem:v22+s31+$0x0] =	vst.idx.msk $0xffff, v17  }
0x193: {  	v33 =	vor.u32 $0x1, v6;
	v22 =	vld [tilespmem:s22+$0xCE0];
	[tilespmem:v18+s31+$0x0] =	vst.idx.msk $0xffff, v15  }
0x194: {  	v62 =	vld [tilespmem:s22+$0xD00];
	[tilespmem:v20+s31+$0x0] =	vst.idx.msk $0xffff, v28;
	v20 =	vor.u32 $0x1, v7  }
0x195: {  	v30 =	vor.u32 $0x5, v9;
	s29 =	simm.s32 $0xF0;
	[tilespmem:v13+s31+$0x0] =	vst.idx.msk $0xffff, v24;
	v18 =	vld [tilespmem:s22+$0x3F60]  }
0x196: {  	v63 =	vld [tilespmem:s22+$0xD10];
	[tilespmem:v19+s31+$0x0] =	vst.idx.msk $0xffff, v27;
	v15 =	vmov s29;
	v19 =	vor.u32 $0x1, v5  }
0x197: {  	[tilespmem:v14+s31+$0x0] =	vst.idx.msk $0xffff, v25;
	v43 =	vld [tilespmem:s22+$0x1970];
	v17 =	vor.u32 $0x1, v4;
	v15 =	vshll.u32 v15, $0x3  }
0x198: {  	v36 =	vld [tilespmem:s22+$0xD50];
	v15 =	vor.u32 v44, v15;
	[tilespmem:v33+s31+$0x0] =	vst.idx.msk $0xffff, v22  }
0x199: {  	v39 =	vld [tilespmem:s22+$0x1900];
	[tilespmem:v20+s31+$0x0] =	vst.idx.msk $0xffff, v23;
	v23 =	vor.u32 $0x1, v10  }
0x19a: {  	v22 =	vor.u32 $0x1, v11;
	[tilespmem:v30+s31+$0x0] =	vst.idx.msk $0xffff, v18;
	v18 =	vld [tilespmem:s22+$0xD20]  }
0x19b: {  	[tilespmem:v19+s31+$0x0] =	vst.idx.msk $0xffff, v21;
	v19 =	vor.u32 $0x6, v9;
	v35 =	vld [tilespmem:s22+$0x4BE0]  }
0x19c: {  	v38 =	vor.u32 $0x1, v12;
	[tilespmem:v17+s31+$0x0] =	vst.idx.msk $0xffff, v29;
	v17 =	vld [tilespmem:s22+$0xD30]  }
0x19d: {  	v40 =	vld [tilespmem:s22+$0x1910];
	v21 =	vor.u32 $0x1, v16;
	[tilespmem:v15+s31+$0x0] =	vst.idx.msk $0xffff, v26  }
0x19e: {  	v41 =	vld [tilespmem:s22+$0x1920];
	[tilespmem:v23+s31+$0x0] =	vst.idx.msk $0xffff, v63;
	v23 =	vor.u32 $0x1, v14  }
0x19f: {  	v37 =	vld [tilespmem:s22+$0xD70];
	[tilespmem:v22+s31+$0x0] =	vst.idx.msk $0xffff, v18;
	v18 =	vor.u32 $0x1, v15  }
0x1a0: {  	v20 =	vld [tilespmem:s22+$0xD40];
	[tilespmem:v19+s31+$0x0] =	vst.idx.msk $0xffff, v35;
	v19 =	vor.u32 $0x1, v13  }
0x1a1: {  	v42 =	vld [tilespmem:s22+$0x1940];
	[tilespmem:v38+s31+$0x0] =	vst.idx.msk $0xffff, v17;
	v17 =	vor.u32 $0x2, v1  }
0x1a2: {  	v9 =	vor.u32 $0x7, v9;
	[tilespmem:v21+s31+$0x0] =	vst.idx.msk $0xffff, v62;
	v21 =	vld [tilespmem:s22+$0x5860]  }
0x1a3: {  	v22 =	vld [tilespmem:s22+$0x1930];
	[tilespmem:v23+s31+$0x0] =	vst.idx.msk $0xffff, v36;
	v23 =	vor.u32 $0x2, v4  }
0x1a4: {  	v48 =	vld [tilespmem:s22+$0x19B0];
	[tilespmem:v18+s31+$0x0] =	vst.idx.msk $0xffff, v37;
	v18 =	vor.u32 $0x2, v5  }
0x1a5: {  	v45 =	vld [tilespmem:s22+$0x1980];
	[tilespmem:v19+s31+$0x0] =	vst.idx.msk $0xffff, v20;
	v19 =	vor.u32 $0x2, v2  }
0x1a6: {  	[tilespmem:v17+s31+$0x0] =	vst.idx.msk $0xffff, v39;
	v17 =	vor.u32 $0x2, v7;
	v20 =	vld [tilespmem:s22+$0x1950]  }
0x1a7: {  	v46 =	vld [tilespmem:s22+$0x1990];
	[tilespmem:v9+s31+$0x0] =	vst.idx.msk $0xffff, v21;
	v9 =	vor.u32 $0x2, v3  }
0x1a8: {  	v47 =	vld [tilespmem:s22+$0x19A0];
	[tilespmem:v23+s31+$0x0] =	vst.idx.msk $0xffff, v22;
	v22 =	vor.u32 $0x2, v16  }
0x1a9: {  	v49 =	vld [tilespmem:s22+$0x19D0];
	[tilespmem:v18+s31+$0x0] =	vst.idx.msk $0xffff, v42;
	v18 =	vor.u32 $0x2, v10  }
0x1aa: {  	v21 =	vld [tilespmem:s22+$0x1960];
	[tilespmem:v19+s31+$0x0] =	vst.idx.msk $0xffff, v40;
	v19 =	vor.u32 $0x2, v6  }
0x1ab: {  	v23 =	vld [tilespmem:s22+$0x19C0];
	[tilespmem:v17+s31+$0x0] =	vst.idx.msk $0xffff, v20;
	v17 =	vor.u32 $0x2, v11  }
0x1ac: {  	v52 =	vld [tilespmem:s22+$0x25B0];
	[tilespmem:v9+s31+$0x0] =	vst.idx.msk $0xffff, v41;
	v9 =	vor.u32 $0x2, v8  }
0x1ad: {  	v20 =	vld [tilespmem:s22+$0x19F0];
	[tilespmem:v22+s31+$0x0] =	vst.idx.msk $0xffff, v45;
	v22 =	vor.u32 $0x2, v14  }
0x1ae: {  	v53 =	vld [tilespmem:s22+$0x25C0];
	[tilespmem:v18+s31+$0x0] =	vst.idx.msk $0xffff, v46;
	v18 =	vor.u32 $0x2, v15  }
0x1af: {  	v50 =	vld [tilespmem:s22+$0x2590];
	[tilespmem:v19+s31+$0x0] =	vst.idx.msk $0xffff, v21;
	v19 =	vor.u32 $0x2, v12  }
0x1b0: {  	v21 =	vld [tilespmem:s22+$0x2580];
	[tilespmem:v17+s31+$0x0] =	vst.idx.msk $0xffff, v47;
	v17 =	vor.u32 $0x3, v1  }
0x1b1: {  	v54 =	vld [tilespmem:s22+$0x25D0];
	[tilespmem:v9+s31+$0x0] =	vst.idx.msk $0xffff, v43;
	v9 =	vor.u32 $0x2, v13  }
0x1b2: {  	v51 =	vld [tilespmem:s22+$0x25A0];
	[tilespmem:v22+s31+$0x0] =	vst.idx.msk $0xffff, v49;
	v22 =	vor.u32 $0x3, v4  }
0x1b3: {  	v56 =	vld [tilespmem:s22+$0x2620];
	[tilespmem:v18+s31+$0x0] =	vst.idx.msk $0xffff, v20;
	v18 =	vor.u32 $0x3, v5  }
0x1b4: {  	v55 =	vld [tilespmem:s22+$0x25F0];
	[tilespmem:v19+s31+$0x0] =	vst.idx.msk $0xffff, v48;
	v19 =	vor.u32 $0x3, v2  }
0x1b5: {  	v20 =	vld [tilespmem:s22+$0x2600];
	[tilespmem:v17+s31+$0x0] =	vst.idx.msk $0xffff, v21;
	v17 =	vor.u32 $0x3, v7  }
0x1b6: {  	v59 =	vld [tilespmem:s22+$0x2650];
	[tilespmem:v9+s31+$0x0] =	vst.idx.msk $0xffff, v23;
	v9 =	vor.u32 $0x3, v3  }
0x1b7: {  	v21 =	vld [tilespmem:s22+$0x2610];
	[tilespmem:v22+s31+$0x0] =	vst.idx.msk $0xffff, v52;
	v22 =	vor.u32 $0x3, v16  }
0x1b8: {  	v60 =	vld [tilespmem:s22+$0x2670];
	[tilespmem:v18+s31+$0x0] =	vst.idx.msk $0xffff, v53;
	v18 =	vor.u32 $0x3, v10  }
0x1b9: {  	v23 =	vld [tilespmem:s22+$0x25E0];
	[tilespmem:v19+s31+$0x0] =	vst.idx.msk $0xffff, v50;
	v19 =	vor.u32 $0x3, v6  }
0x1ba: {  	v57 =	vld [tilespmem:s22+$0x2630];
	[tilespmem:v17+s31+$0x0] =	vst.idx.msk $0xffff, v54;
	v17 =	vor.u32 $0x3, v11  }
0x1bb: {  	v58 =	vld [tilespmem:s22+$0x2640];
	[tilespmem:v9+s31+$0x0] =	vst.idx.msk $0xffff, v51;
	v9 =	vor.u32 $0x3, v8  }
0x1bc: {  	v62 =	vld [tilespmem:s22+$0x3240];
	[tilespmem:v22+s31+$0x0] =	vst.idx.msk $0xffff, v20;
	v20 =	vor.u32 $0x3, v14  }
0x1bd: {  	v61 =	vld [tilespmem:s22+$0x3210];
	[tilespmem:v18+s31+$0x0] =	vst.idx.msk $0xffff, v21;
	v18 =	vor.u32 $0x3, v15  }
0x1be: {  	v63 =	vld [tilespmem:s22+$0x3250];
	[tilespmem:v19+s31+$0x0] =	vst.idx.msk $0xffff, v23;
	v19 =	vor.u32 $0x3, v12  }
0x1bf: {  	v23 =	vld [tilespmem:s22+$0x3200];
	[tilespmem:v17+s31+$0x0] =	vst.idx.msk $0xffff, v56;
	v17 =	vor.u32 $0x4, v1  }
0x1c0: {  	v22 =	vld [tilespmem:s22+$0x3220];
	[tilespmem:v9+s31+$0x0] =	vst.idx.msk $0xffff, v55;
	v9 =	vor.u32 $0x3, v13  }
0x1c1: {  	v21 =	vld [tilespmem:s22+$0x3230];
	[tilespmem:v20+s31+$0x0] =	vst.idx.msk $0xffff, v59;
	v20 =	vor.u32 $0x4, v4  }
0x1c2: {  	v34 =	vld [tilespmem:s22+$0x3280];
	[tilespmem:v18+s31+$0x0] =	vst.idx.msk $0xffff, v60;
	v18 =	vor.u32 $0x4, v5  }
0x1c3: {  	v32 =	vld [tilespmem:s22+$0x3260];
	[tilespmem:v19+s31+$0x0] =	vst.idx.msk $0xffff, v57;
	v19 =	vor.u32 $0x4, v2  }
0x1c4: {  	v35 =	vld [tilespmem:s22+$0x32A0];
	[tilespmem:v17+s31+$0x0] =	vst.idx.msk $0xffff, v23;
	v17 =	vor.u32 $0x4, v7  }
0x1c5: {  	v33 =	vld [tilespmem:s22+$0x3270];
	[tilespmem:v9+s31+$0x0] =	vst.idx.msk $0xffff, v58;
	v9 =	vor.u32 $0x4, v3  }
0x1c6: {  	v36 =	vld [tilespmem:s22+$0x32D0];
	[tilespmem:v20+s31+$0x0] =	vst.idx.msk $0xffff, v21;
	v20 =	vor.u32 $0x4, v16  }
0x1c7: {  	v23 =	vld [tilespmem:s22+$0x3290];
	[tilespmem:v18+s31+$0x0] =	vst.idx.msk $0xffff, v62;
	v18 =	vor.u32 $0x4, v10  }
0x1c8: {  	v37 =	vld [tilespmem:s22+$0x32F0];
	[tilespmem:v19+s31+$0x0] =	vst.idx.msk $0xffff, v61;
	v19 =	vor.u32 $0x4, v6  }
0x1c9: {  	v38 =	vld [tilespmem:s22+$0x3E80];
	[tilespmem:v17+s31+$0x0] =	vst.idx.msk $0xffff, v63;
	v17 =	vor.u32 $0x4, v11  }
0x1ca: {  	v21 =	vld [tilespmem:s22+$0x32C0];
	[tilespmem:v9+s31+$0x0] =	vst.idx.msk $0xffff, v22;
	v9 =	vor.u32 $0x4, v8  }
0x1cb: {  	v41 =	vld [tilespmem:s22+$0x3EC0];
	[tilespmem:v20+s31+$0x0] =	vst.idx.msk $0xffff, v34;
	v20 =	vor.u32 $0x4, v14  }
0x1cc: {  	v22 =	vld [tilespmem:s22+$0x32B0];
	[tilespmem:v18+s31+$0x0] =	vst.idx.msk $0xffff, v23;
	v18 =	vor.u32 $0x4, v15  }
0x1cd: {  	v39 =	vld [tilespmem:s22+$0x3E90];
	[tilespmem:v19+s31+$0x0] =	vst.idx.msk $0xffff, v32;
	v19 =	vor.u32 $0x4, v12  }
0x1ce: {  	v40 =	vld [tilespmem:s22+$0x3EA0];
	[tilespmem:v17+s31+$0x0] =	vst.idx.msk $0xffff, v35;
	v17 =	vor.u32 $0x5, v1  }
0x1cf: {  	v23 =	vld [tilespmem:s22+$0x3EB0];
	[tilespmem:v9+s31+$0x0] =	vst.idx.msk $0xffff, v33;
	v9 =	vor.u32 $0x4, v13  }
0x1d0: {  	v43 =	vld [tilespmem:s22+$0x3F00];
	[tilespmem:v20+s31+$0x0] =	vst.idx.msk $0xffff, v36;
	v20 =	vor.u32 $0x5, v4  }
0x1d1: {  	v45 =	vld [tilespmem:s22+$0x3F10];
	[tilespmem:v18+s31+$0x0] =	vst.idx.msk $0xffff, v37;
	v18 =	vor.u32 $0x5, v5  }
0x1d2: {  	v46 =	vld [tilespmem:s22+$0x3F20];
	[tilespmem:v19+s31+$0x0] =	vst.idx.msk $0xffff, v22;
	v19 =	vor.u32 $0x5, v2  }
0x1d3: {  	v22 =	vld [tilespmem:s22+$0x3ED0];
	[tilespmem:v17+s31+$0x0] =	vst.idx.msk $0xffff, v38;
	v17 =	vor.u32 $0x5, v7  }
0x1d4: {  	v42 =	vld [tilespmem:s22+$0x3EF0];
	[tilespmem:v9+s31+$0x0] =	vst.idx.msk $0xffff, v21;
	v9 =	vor.u32 $0x5, v3  }
0x1d5: {  	v48 =	vld [tilespmem:s22+$0x3F50];
	[tilespmem:v20+s31+$0x0] =	vst.idx.msk $0xffff, v23;
	v20 =	vor.u32 $0x5, v16  }
0x1d6: {  	v21 =	vld [tilespmem:s22+$0x3EE0];
	[tilespmem:v18+s31+$0x0] =	vst.idx.msk $0xffff, v41;
	v18 =	vor.u32 $0x5, v10  }
0x1d7: {  	v47 =	vld [tilespmem:s22+$0x3F30];
	[tilespmem:v19+s31+$0x0] =	vst.idx.msk $0xffff, v39;
	v19 =	vor.u32 $0x5, v6  }
0x1d8: {  	v23 =	vld [tilespmem:s22+$0x3F40];
	[tilespmem:v17+s31+$0x0] =	vst.idx.msk $0xffff, v22;
	v17 =	vor.u32 $0x5, v11  }
0x1d9: {  	v51 =	vld [tilespmem:s22+$0x4B30];
	[tilespmem:v9+s31+$0x0] =	vst.idx.msk $0xffff, v40;
	v9 =	vor.u32 $0x5, v8  }
0x1da: {  	v22 =	vld [tilespmem:s22+$0x3F70];
	[tilespmem:v20+s31+$0x0] =	vst.idx.msk $0xffff, v43;
	v20 =	vor.u32 $0x5, v14  }
0x1db: {  	v52 =	vld [tilespmem:s22+$0x4B40];
	[tilespmem:v18+s31+$0x0] =	vst.idx.msk $0xffff, v45;
	v18 =	vor.u32 $0x5, v15  }
0x1dc: {  	v49 =	vld [tilespmem:s22+$0x4B10];
	[tilespmem:v19+s31+$0x0] =	vst.idx.msk $0xffff, v21;
	v19 =	vor.u32 $0x5, v12  }
0x1dd: {  	v21 =	vld [tilespmem:s22+$0x4B00];
	[tilespmem:v17+s31+$0x0] =	vst.idx.msk $0xffff, v46;
	v17 =	vor.u32 $0x6, v1  }
0x1de: {  	v53 =	vld [tilespmem:s22+$0x4B50];
	[tilespmem:v9+s31+$0x0] =	vst.idx.msk $0xffff, v42;
	v9 =	vor.u32 $0x5, v13  }
0x1df: {  	v50 =	vld [tilespmem:s22+$0x4B20];
	[tilespmem:v20+s31+$0x0] =	vst.idx.msk $0xffff, v48;
	v20 =	vor.u32 $0x6, v4  }
0x1e0: {  	v55 =	vld [tilespmem:s22+$0x4BA0];
	[tilespmem:v18+s31+$0x0] =	vst.idx.msk $0xffff, v22;
	v18 =	vor.u32 $0x6, v5  }
0x1e1: {  	v54 =	vld [tilespmem:s22+$0x4B70];
	[tilespmem:v19+s31+$0x0] =	vst.idx.msk $0xffff, v47;
	v19 =	vor.u32 $0x6, v2  }
0x1e2: {  	v22 =	vld [tilespmem:s22+$0x4B80];
	[tilespmem:v17+s31+$0x0] =	vst.idx.msk $0xffff, v21;
	v17 =	vor.u32 $0x6, v7  }
0x1e3: {  	v58 =	vld [tilespmem:s22+$0x4BD0];
	[tilespmem:v9+s31+$0x0] =	vst.idx.msk $0xffff, v23;
	v9 =	vor.u32 $0x6, v3  }
0x1e4: {  	v21 =	vld [tilespmem:s22+$0x4B90];
	[tilespmem:v20+s31+$0x0] =	vst.idx.msk $0xffff, v51;
	v20 =	vor.u32 $0x6, v16  }
0x1e5: {  	v59 =	vld [tilespmem:s22+$0x4BF0];
	[tilespmem:v18+s31+$0x0] =	vst.idx.msk $0xffff, v52;
	v18 =	vor.u32 $0x6, v10  }
0x1e6: {  	v4 =	vor.u32 $0x7, v4;
	v31 =	vld [tilespmem:s22+$0x57B0];
	[tilespmem:v19+s31+$0x0] =	vst.idx.msk $0xffff, v49  }
0x1e7: {  	v23 =	vld [tilespmem:s22+$0x4B60];
	v19 =	vor.u32 $0x6, v6;
	[tilespmem:v17+s31+$0x0] =	vst.idx.msk $0xffff, v53  }
0x1e8: {  	v56 =	vld [tilespmem:s22+$0x4BB0];
	v17 =	vor.u32 $0x6, v11;
	[tilespmem:v9+s31+$0x0] =	vst.idx.msk $0xffff, v50  }
0x1e9: {  	v5 =	vor.u32 $0x7, v5;
	v62 =	vld [tilespmem:s22+$0x57C0];
	[tilespmem:v20+s31+$0x0] =	vst.idx.msk $0xffff, v22  }
0x1ea: {  	v57 =	vld [tilespmem:s22+$0x4BC0];
	v9 =	vor.u32 $0x6, v8;
	[tilespmem:v18+s31+$0x0] =	vst.idx.msk $0xffff, v21  }
0x1eb: {  	v60 =	vld [tilespmem:s22+$0x5790];
	v20 =	vor.u32 $0x6, v14;
	[tilespmem:v4+s31+$0x0] =	vst.idx.msk $0xffff, v31  }
0x1ec: {  	v63 =	vld [tilespmem:s22+$0x57D0];
	v18 =	vor.u32 $0x6, v15;
	[tilespmem:v19+s31+$0x0] =	vst.idx.msk $0xffff, v23  }
0x1ed: {  	v1 =	vor.u32 $0x7, v1;
	v23 =	vld [tilespmem:s22+$0x5780];
	[tilespmem:v17+s31+$0x0] =	vst.idx.msk $0xffff, v55  }
0x1ee: {  	v3 =	vor.u32 $0x7, v3;
	v61 =	vld [tilespmem:s22+$0x57A0];
	[tilespmem:v5+s31+$0x0] =	vst.idx.msk $0xffff, v62  }
0x1ef: {  	v19 =	vor.u32 $0x6, v12;
	[tilespmem:v9+s31+$0x0] =	vst.idx.msk $0xffff, v54;
	v22 =	vld [tilespmem:s22+$0x57E0]  }
0x1f0: {  	v2 =	vor.u32 $0x7, v2;
	v21 =	vld [tilespmem:s22+$0x57F0];
	[tilespmem:v20+s31+$0x0] =	vst.idx.msk $0xffff, v58  }
0x1f1: {  	v9 =	vor.u32 $0x6, v13;
	v20 =	vld [tilespmem:s22+$0x5800];
	[tilespmem:v18+s31+$0x0] =	vst.idx.msk $0xffff, v59  }
0x1f2: {  	v18 =	vld [tilespmem:s22+$0x5820];
	[tilespmem:v1+s31+$0x0] =	vst.idx.msk $0xffff, v23;
	v1 =	vor.u32 $0x7, v7  }
0x1f3: {  	[tilespmem:v3+s31+$0x0] =	vst.idx.msk $0xffff, v61;
	v3 =	vor.u32 $0x7, v12;
	v12 =	vld [tilespmem:s22+$0x5850]  }
0x1f4: {  	[tilespmem:v19+s31+$0x0] =	vst.idx.msk $0xffff, v56;
	v19 =	vld [tilespmem:s22+$0x5810]  }
0x1f5: {  	v8 =	vor.u32 $0x7, v8;
	v5 =	vor.u32 $0x7, v11;
	[tilespmem:v2+s31+$0x0] =	vst.idx.msk $0xffff, v60;
	v11 =	vld [tilespmem:s22+$0x5870]  }
0x1f6: {  	s23 =	simm.s32 $0xC00;
	v4 =	vor.u32 $0x7, v13;
	v2 =	vor.u32 $0x7, v14;
	[tilespmem:v9+s31+$0x0] =	vst.idx.msk $0xffff, v57;
	v17 =	vld [tilespmem:s22+$0x5830];
	v9 =	vor.u32 $0x7, v6  }
0x1f7: {  	s24 =	simm.s32 $0x0;
	s25 =	simm.s32 $0x1F0;
	s26 =	simm.s32 $0x0;
	v7 =	vor.u32 $0x7, v16;
	v6 =	vor.u32 $0x7, v10;
	v16 =	vld [tilespmem:s22+$0x5840];
	[tilespmem:v1+s31+$0x0] =	vst.idx.msk $0xffff, v63;
	v1 =	vor.u32 $0x7, v15  }
.LBB2_3:
0x1f8: {  	_ =	sdelay $0x2  }
0x1f9: {  	[tilespmem:v9+s31+$0x0] =	vst.idx.msk $0xffff, v22  }
0x1fa: {  	s29 =	sadd.s32 $0xFFFFFFF0, s25;
	v10 =	vmov s25;
	[tilespmem:v8+s31+$0x0] =	vst.idx.msk $0xffff, v21  }
0x1fb: {  	s2 =	sadd.s32 $0xFFFFFF40, s25;
	v13 =	vmov s29;
	v14 =	vshll.u32 v10, $0x3;
	[tilespmem:v7+s31+$0x0] =	vst.idx.msk $0xffff, v20  }
0x1fc: {  	s28 =	sadd.s32 $0xFFFFFF20, s25;
	s26 =	sadd.s32 $0x100, s26;
	v10 =	vmov s2;
	v13 =	vshll.u32 v13, $0x3;
	v62 =	vor.u32 v44, v14;
	[tilespmem:v6+s31+$0x0] =	vst.idx.msk $0xffff, v19  }
0x1fd: {  	s3 =	sadd.s32 $0xFFFFFF30, s25;
	s29 =	sadd.s32 $0xFFFFFF60, s25;
	v9 =	vmov s28;
	v21 =	vld [tilespmem:s26+$0xE0];
	v7 =	vor.u32 v44, v13;
	[tilespmem:v5+s31+$0x0] =	vst.idx.msk $0xffff, v18;
	v5 =	vshll.u32 v10, $0x3  }
0x1fe: {  	s2 =	sadd.s32 $0xFFFFFF70, s25;
	v32 =	vld [tilespmem:s26+$0x30];
	v8 =	vmov s3;
	v20 =	vmov s29;
	s28 =	sadd.s32 $0xFFFFFF80, s25;
	s29 =	sadd.s32 $0xFFFFFFC0, s25;
	[tilespmem:v2+s31+$0x0] =	vst.idx.msk $0xffff, v12;
	v2 =	vor.u32 v44, v5  }
0x1ff: {  	v6 =	vmov s2;
	[tilespmem:v3+s31+$0x0] =	vst.idx.msk $0xffff, v17;
	v19 =	vmov s28;
	s28 =	sadd.s32 $0xFFFFFFB0, s25;
	v26 =	vmov s29  }
0x200: {  	[tilespmem:v1+s31+$0x0] =	vst.idx.msk $0xffff, v11;
	s29 =	sadd.s32 $0xFFFFFFE0, s25;
	v9 =	vshll.u32 v9, $0x3;
	v31 =	vshll.u32 v8, $0x3;
	v25 =	vmov s28  }
0x201: {  	[tilespmem:v4+s31+$0x0] =	vst.idx.msk $0xffff, v16;
	v18 =	vshll.u32 v20, $0x3;
	v0 =	vld [tilespmem:s26+$0xF0];
	v30 =	vmov s29;
	v46 =	vshll.u32 v25, $0x3  }
0x202: {  	v23 =	vld [tilespmem:s26+$0x10];
	v9 =	vor.u32 v44, v9;
	v49 =	vshll.u32 v30, $0x3;
	v16 =	vor.u32 v44, v46;
	[tilespmem:v7+s31+$0x0] =	vst.idx.msk $0xffff, v21  }
0x203: {  	v28 =	vld [tilespmem:s26+$0x20];
	v10 =	vor.u32 v44, v31;
	v61 =	vor.u32 v44, v49;
	v14 =	vor.u32 $0x3, v16;
	[tilespmem:v2+s31+$0x0] =	vst.idx.msk $0xffff, v32  }
0x204: {  	v34 =	vld [tilespmem:s26+$0x50];
	v6 =	vshll.u32 v6, $0x3;
	v4 =	vor.u32 v44, v18;
	v46 =	vor.u32 $0x3, v61;
	[tilespmem:$0x1FD40] =	vst v14  }
0x205: {  	v35 =	vld [tilespmem:s26+$0x60];
	v5 =	vor.u32 v44, v6;
	[tilespmem:$0x1FD60] =	vst v46  }
0x206: {  	s3 =	sadd.s32 $0xFFFFFF50, s25;
	[tilespmem:v62+s31+$0x0] =	vst.idx.msk $0xffff, v0  }
0x207: {  	v15 =	vmov s3;
	[tilespmem:v9+s31+$0x0] =	vst.idx.msk $0xffff, v23  }
0x208: {  	v15 =	vshll.u32 v15, $0x3;
	v47 =	vshll.u32 v26, $0x3;
	[tilespmem:v10+s31+$0x0] =	vst.idx.msk $0xffff, v28  }
0x209: {  	v33 =	vld [tilespmem:s26+$0x40];
	v19 =	vshll.u32 v19, $0x3;
	v3 =	vor.u32 v44, v15;
	v60 =	vor.u32 v44, v47;
	[tilespmem:v4+s31+$0x0] =	vst.idx.msk $0xffff, v34  }
0x20a: {  	v50 =	vld [tilespmem:s26+$0x70];
	v6 =	vor.u32 v44, v19;
	v14 =	vor.u32 $0x3, v60;
	[tilespmem:v5+s31+$0x0] =	vst.idx.msk $0xffff, v35  }
0x20b: {  	v47 =	vld [tilespmem:s26+$0xB0];
	v46 =	vor.u32 $0x4, v2;
	[tilespmem:$0x1FD50] =	vst v14  }
0x20c: {  	s3 =	sadd.s32 $0xFFFFFF90, s25;
	v21 =	vor.u32 $0x1, v7;
	v20 =	vld [tilespmem:s26+$0xD60];
	v0 =	vor.u32 $0x4, v5;
	[tilespmem:$0x1FDA0] =	vst v46  }
0x20d: {  	s2 =	sadd.s32 $0xFFFFFFA0, s25;
	v22 =	vmov s3;
	[tilespmem:$0x1FDC0] =	vst v0  }
0x20e: {  	v24 =	vmov s2;
	v17 =	vshll.u32 v22, $0x3;
	[tilespmem:v3+s31+$0x0] =	vst.idx.msk $0xffff, v33  }
0x20f: {  	v36 =	vld [tilespmem:s26+$0x80];
	v22 =	vshll.u32 v24, $0x3;
	v57 =	vor.u32 v44, v17;
	[tilespmem:v6+s31+$0x0] =	vst.idx.msk $0xffff, v50  }
0x210: {  	s2 =	sadd.s32 $0xFFFFFFD0, s25;
	v41 =	vld [tilespmem:s26+$0x90];
	v53 =	vor.u32 v44, v22;
	[tilespmem:v60+s31+$0x0] =	vst.idx.msk $0xffff, v47  }
0x211: {  	v43 =	vld [tilespmem:s26+$0xA0];
	v29 =	vmov s2;
	v46 =	vor.u32 $0x4, v3;
	[tilespmem:v21+s31+$0x0] =	vst.idx.msk $0xffff, v20  }
0x212: {  	s3 =	sadd.s32 $0xFFFFFF10, s25;
	v48 =	vshll.u32 v29, $0x3;
	v0 =	vor.u32 $0x4, v6;
	[tilespmem:$0x1FDB0] =	vst v46;
	v20 =	vor.u32 $0x2, v7;
	v19 =	vld [tilespmem:s26+$0x19E0]  }
0x213: {  	v52 =	vld [tilespmem:s26+$0xC0];
	v27 =	vmov s3;
	v1 =	vor.u32 v44, v48;
	[tilespmem:$0x1FDD0] =	vst v0  }
0x214: {  	v58 =	vld [tilespmem:s26+$0xD0];
	v27 =	vshll.u32 v27, $0x3;
	[tilespmem:v57+s31+$0x0] =	vst.idx.msk $0xffff, v36  }
0x215: {  	v13 =	vld [tilespmem:s26+$0x0];
	v8 =	vor.u32 v44, v27;
	[tilespmem:v53+s31+$0x0] =	vst.idx.msk $0xffff, v41  }
0x216: {  	[tilespmem:v16+s31+$0x0] =	vst.idx.msk $0xffff, v43  }
0x217: {  	[tilespmem:v20+s31+$0x0] =	vst.idx.msk $0xffff, v19  }
0x218: {  	v40 =	vor.u32 $0x3, v7;
	[tilespmem:v1+s31+$0x0] =	vst.idx.msk $0xffff, v52;
	v39 =	vld [tilespmem:s26+$0x2660]  }
0x219: {  	v18 =	vor.u32 $0x1, v2;
	v11 =	vld [tilespmem:s26+$0xCB0];
	[tilespmem:v61+s31+$0x0] =	vst.idx.msk $0xffff, v58  }
0x21a: {  	[tilespmem:v8+s31+$0x0] =	vst.idx.msk $0xffff, v13;
	v13 =	vor.u32 $0x2, v16  }
0x21b: {  	v15 =	vor.u32 $0x1, v9;
	v63 =	vld [tilespmem:s26+$0xC90];
	[tilespmem:$0x1FCB0] =	vst v13;
	v13 =	vor.u32 $0x2, v60  }
0x21c: {  	v17 =	vor.u32 $0x1, v10;
	v55 =	vld [tilespmem:s26+$0xCA0];
	[tilespmem:$0x1FCC0] =	vst v13  }
0x21d: {  	[tilespmem:v40+s31+$0x0] =	vst.idx.msk $0xffff, v39  }
0x21e: {  	v50 =	vor.u32 $0x4, v7;
	v13 =	vor.u32 $0x2, v1;
	[tilespmem:v18+s31+$0x0] =	vst.idx.msk $0xffff, v11;
	v54 =	vld [tilespmem:s26+$0x32E0]  }
0x21f: {  	[tilespmem:$0x1FCD0] =	vst v13  }
0x220: {  	[tilespmem:v15+s31+$0x0] =	vst.idx.msk $0xffff, v63  }
0x221: {  	v11 =	vor.u32 $0x5, v2;
	[tilespmem:v17+s31+$0x0] =	vst.idx.msk $0xffff, v55  }
0x222: {  	v22 =	vor.u32 $0x1, v4;
	v51 =	vld [tilespmem:s26+$0xCD0];
	[tilespmem:$0x1FE80] =	vst v11  }
0x223: {  	v23 =	vor.u32 $0x1, v5;
	v49 =	vld [tilespmem:s26+$0xCE0];
	[tilespmem:v50+s31+$0x0] =	vst.idx.msk $0xffff, v54;
	v54 =	vor.u32 $0x3, v62  }
0x224: {  	v50 =	vor.u32 $0x4, v8;
	[tilespmem:$0x1FD70] =	vst v54  }
0x225: {  	[tilespmem:$0x1FD80] =	vst v50;
	v54 =	vor.u32 $0x4, v9  }
0x226: {  	v50 =	vld [tilespmem:s26+$0x3F60];
	[tilespmem:$0x1FD90] =	vst v54;
	v54 =	vor.u32 $0x5, v7  }
0x227: {  	[tilespmem:v22+s31+$0x0] =	vst.idx.msk $0xffff, v51  }
0x228: {  	v13 =	vor.u32 $0x3, v9;
	[tilespmem:v23+s31+$0x0] =	vst.idx.msk $0xffff, v49  }
0x229: {  	v12 =	vld [tilespmem:s26+$0xCC0];
	v21 =	vor.u32 $0x1, v3;
	v15 =	vor.u32 $0x4, v57;
	[tilespmem:$0x1FCE0] =	vst v13  }
0x22a: {  	[tilespmem:$0x1FDE0] =	vst v15  }
0x22b: {  	v23 =	vor.u32 $0x5, v61;
	[tilespmem:v54+s31+$0x0] =	vst.idx.msk $0xffff, v50  }
0x22c: {  	v18 =	vor.u32 $0x6, v7;
	[tilespmem:$0x1FF20] =	vst v23;
	v23 =	vor.u32 $0x5, v62;
	v11 =	vld [tilespmem:s26+$0x4BE0]  }
0x22d: {  	[tilespmem:$0x1FF30] =	vst v23  }
0x22e: {  	v23 =	vor.u32 $0x6, v9;
	[tilespmem:v21+s31+$0x0] =	vst.idx.msk $0xffff, v12  }
0x22f: {  	[tilespmem:$0x1FF50] =	vst v23;
	v23 =	vor.u32 $0x6, v10  }
0x230: {  	v34 =	vor.u32 $0x2, v3;
	[tilespmem:$0x1FF60] =	vst v23;
	v23 =	vld [tilespmem:s26+$0x1940]  }
0x231: {  	[tilespmem:v18+s31+$0x0] =	vst.idx.msk $0xffff, v11;
	v11 =	vor.u32 $0x6, v3  }
0x232: {  	v27 =	vor.u32 $0x1, v16;
	v46 =	vld [tilespmem:s26+$0xD20];
	[tilespmem:$0x1FF70] =	vst v11;
	v11 =	vor.u32 $0x6, v4  }
0x233: {  	v63 =	vor.u32 $0x4, v61;
	v7 =	vor.u32 $0x7, v7;
	[tilespmem:$0x1FF80] =	vst v11;
	v11 =	vld [tilespmem:s26+$0x5860]  }
0x234: {  	[tilespmem:$0x1FE30] =	vst v63  }
0x235: {  	v15 =	vor.u32 $0x4, v53;
	[tilespmem:v34+s31+$0x0] =	vst.idx.msk $0xffff, v23;
	v23 =	vld [tilespmem:$0x1FCB0]  }
0x236: {  	v0 =	vld [tilespmem:s26+$0xD30];
	[tilespmem:$0x1FDF0] =	vst v15;
	v19 =	vor.u32 $0x1, v60  }
0x237: {  	[tilespmem:v27+s31+$0x0] =	vst.idx.msk $0xffff, v46  }
0x238: {  	v12 =	vor.u32 $0x5, v3;
	[tilespmem:v7+s31+$0x0] =	vst.idx.msk $0xffff, v11;
	v11 =	vld [tilespmem:s26+$0x19A0]  }
0x239: {  	[tilespmem:$0x1FE90] =	vst v12;
	v12 =	vor.u32 $0x5, v4  }
0x23a: {  	[tilespmem:$0x1FEA0] =	vst v12  }
0x23b: {  	[tilespmem:v19+s31+$0x0] =	vst.idx.msk $0xffff, v0;
	v18 =	vor.u32 $0x6, v5  }
0x23c: {  	v32 =	vor.u32 $0x2, v9;
	v35 =	vor.u32 $0x2, v5;
	v43 =	vor.u32 $0x3, v5;
	[tilespmem:$0x1FF90] =	vst v18  }
0x23d: {  	v17 =	vor.u32 $0x4, v60;
	v22 =	vor.u32 $0x5, v16;
	v18 =	vor.u32 $0x6, v6;
	[tilespmem:v23+s31+$0x0] =	vst.idx.msk $0xffff, v11;
	v23 =	vld [tilespmem:$0x1FCC0]  }
0x23e: {  	v51 =	vor.u32 $0x7, v9;
	v63 =	vor.u32 $0x5, v9;
	[tilespmem:$0x1FFA0] =	vst v18;
	v18 =	vor.u32 $0x6, v57  }
0x23f: {  	v15 =	vor.u32 $0x4, v16;
	v12 =	vor.u32 $0x5, v5;
	[tilespmem:$0x1FFB0] =	vst v18;
	v18 =	vor.u32 $0x6, v53  }
0x240: {  	v9 =	vor.u32 $0x7, v5;
	v5 =	vor.u32 $0x7, v16;
	[tilespmem:$0x1FFC0] =	vst v18;
	v18 =	vor.u32 $0x6, v16;
	v16 =	vld [tilespmem:s26+$0x19B0]  }
0x241: {  	v26 =	vor.u32 $0x1, v53;
	v14 =	vld [tilespmem:s26+$0xD10];
	[tilespmem:$0x1FE10] =	vst v17  }
0x242: {  	v17 =	vor.u32 $0x4, v1;
	[tilespmem:$0x1FE00] =	vst v15;
	v15 =	vld [tilespmem:s26+$0xD40];
	v20 =	vor.u32 $0x1, v1  }
0x243: {  	v28 =	vor.u32 $0x1, v61;
	v13 =	vor.u32 $0x3, v10;
	[tilespmem:$0x1FE20] =	vst v17;
	v17 =	vld [tilespmem:s26+$0xD50]  }
0x244: {  	[tilespmem:$0x1FCF0] =	vst v13  }
0x245: {  	[tilespmem:v23+s31+$0x0] =	vst.idx.msk $0xffff, v16;
	v23 =	vld [tilespmem:$0x1FCD0]  }
0x246: {  	[tilespmem:v26+s31+$0x0] =	vst.idx.msk $0xffff, v14  }
0x247: {  	[tilespmem:v20+s31+$0x0] =	vst.idx.msk $0xffff, v15  }
0x248: {  	v13 =	vor.u32 $0x3, v3;
	[tilespmem:v28+s31+$0x0] =	vst.idx.msk $0xffff, v17;
	v17 =	vld [tilespmem:s26+$0x19C0]  }
0x249: {  	[tilespmem:$0x1FD00] =	vst v13;
	v13 =	vor.u32 $0x3, v4  }
0x24a: {  	v24 =	vor.u32 $0x1, v6;
	v48 =	vld [tilespmem:s26+$0xCF0];
	[tilespmem:$0x1FD10] =	vst v13;
	v13 =	vor.u32 $0x3, v6  }
0x24b: {  	v14 =	vld [tilespmem:s26+$0x1960];
	[tilespmem:$0x1FD20] =	vst v13;
	v13 =	vor.u32 $0x3, v57  }
0x24c: {  	v25 =	vor.u32 $0x1, v57;
	[tilespmem:$0x1FD30] =	vst v13;
	v13 =	vld [tilespmem:s26+$0xD00]  }
0x24d: {  	[tilespmem:v23+s31+$0x0] =	vst.idx.msk $0xffff, v17;
	v23 =	vld [tilespmem:$0x1FD00];
	_ =	sdelay $0x1  }
0x24e: {  	[tilespmem:v24+s31+$0x0] =	vst.idx.msk $0xffff, v48  }
0x24f: {  	[tilespmem:v35+s31+$0x0] =	vst.idx.msk $0xffff, v14;
	v14 =	vld [tilespmem:s26+$0x25C0]  }
0x250: {  	[tilespmem:v25+s31+$0x0] =	vst.idx.msk $0xffff, v13  }
0x251: {  	v38 =	vor.u32 $0x2, v4;
	v13 =	vld [tilespmem:s26+$0x1950];
	[tilespmem:$0x1FFD0] =	vst v18;
	v18 =	vor.u32 $0x6, v60  }
0x252: {  	v31 =	vor.u32 $0x2, v6;
	[tilespmem:$0x1FFE0] =	vst v18;
	v18 =	vld [tilespmem:s26+$0x1970];
	_ =	sdelay $0x1  }
0x253: {  	[tilespmem:v23+s31+$0x0] =	vst.idx.msk $0xffff, v14;
	v23 =	vld [tilespmem:$0x1FD10];
	_ =	sdelay $0x1  }
0x254: {  	[tilespmem:v38+s31+$0x0] =	vst.idx.msk $0xffff, v13  }
0x255: {  	[tilespmem:v31+s31+$0x0] =	vst.idx.msk $0xffff, v18;
	v18 =	vld [tilespmem:s26+$0x25D0];
	_ =	sdelay $0x2  }
0x256: {  	v45 =	vor.u32 $0x2, v53;
	v15 =	vld [tilespmem:s26+$0x1990];
	_ =	sdelay $0x1  }
0x257: {  	[tilespmem:v23+s31+$0x0] =	vst.idx.msk $0xffff, v18;
	v23 =	vld [tilespmem:$0x1FD20];
	_ =	sdelay $0x2  }
0x258: {  	[tilespmem:v45+s31+$0x0] =	vst.idx.msk $0xffff, v15;
	v15 =	vld [tilespmem:s26+$0x25F0]  }
0x259: {  	v0 =	vor.u32 $0x6, v1  }
0x25a: {  	v42 =	vor.u32 $0x2, v57;
	[tilespmem:$0x1FFF0] =	vst v0;
	v0 =	vld [tilespmem:s26+$0x1980];
	_ =	sdelay $0x2  }
0x25b: {  	[tilespmem:v23+s31+$0x0] =	vst.idx.msk $0xffff, v15;
	v23 =	vld [tilespmem:$0x1FD30]  }
0x25c: {  	v56 =	vor.u32 $0x1, v8;
	v59 =	vld [tilespmem:s26+$0xC80]  }
0x25d: {  	[tilespmem:v42+s31+$0x0] =	vst.idx.msk $0xffff, v0  }
0x25e: {  	v11 =	vld [tilespmem:s26+$0x2600];
	_ =	sdelay $0x2  }
0x25f: {  	[tilespmem:v56+s31+$0x0] =	vst.idx.msk $0xffff, v59  }
0x260: {  	v30 =	vor.u32 $0x2, v8;
	v54 =	vld [tilespmem:s26+$0x1900]  }
0x261: {  	[tilespmem:v23+s31+$0x0] =	vst.idx.msk $0xffff, v11;
	v23 =	vld [tilespmem:$0x1FD40]  }
0x262: {  	[tilespmem:$0x1FEB0] =	vst v12;
	v12 =	vld [tilespmem:s26+$0x1910]  }
0x263: {  	v21 =	vor.u32 $0x5, v6  }
0x264: {  	[tilespmem:$0x1FEC0] =	vst v21;
	v17 =	vld [tilespmem:s26+$0x2620]  }
0x265: {  	v21 =	vor.u32 $0x5, v57;
	[tilespmem:v30+s31+$0x0] =	vst.idx.msk $0xffff, v54  }
0x266: {  	v36 =	vor.u32 $0x3, v8;
	[tilespmem:$0x1FED0] =	vst v21;
	v20 =	vld [tilespmem:s26+$0x2580]  }
0x267: {  	v21 =	vor.u32 $0x5, v53;
	v39 =	vor.u32 $0x2, v61;
	[tilespmem:v32+s31+$0x0] =	vst.idx.msk $0xffff, v12;
	v12 =	vld [tilespmem:s26+$0x19D0]  }
0x268: {  	[tilespmem:$0x1FEE0] =	vst v21;
	v21 =	vld [tilespmem:s26+$0x1920]  }
0x269: {  	v33 =	vor.u32 $0x2, v10;
	[tilespmem:v23+s31+$0x0] =	vst.idx.msk $0xffff, v17;
	v23 =	vld [tilespmem:$0x1FD50];
	_ =	sdelay $0x1  }
0x26a: {  	[tilespmem:v36+s31+$0x0] =	vst.idx.msk $0xffff, v20;
	v20 =	vld [tilespmem:$0x1FCE0]  }
0x26b: {  	[tilespmem:v39+s31+$0x0] =	vst.idx.msk $0xffff, v12;
	v12 =	vld [tilespmem:s26+$0x2630]  }
0x26c: {  	[tilespmem:$0x1FEF0] =	vst v22  }
0x26d: {  	v22 =	vor.u32 $0x5, v60;
	[tilespmem:v33+s31+$0x0] =	vst.idx.msk $0xffff, v21;
	v21 =	vld [tilespmem:s26+$0x2590]  }
0x26e: {  	[tilespmem:$0x1FF00] =	vst v22;
	v22 =	vor.u32 $0x5, v1  }
0x26f: {  	v29 =	vor.u32 $0x1, v62;
	[tilespmem:$0x1FF10] =	vst v22;
	v50 =	vld [tilespmem:s26+$0xD70]  }
0x270: {  	v22 =	vor.u32 $0x6, v8;
	[tilespmem:v23+s31+$0x0] =	vst.idx.msk $0xffff, v12;
	v23 =	vld [tilespmem:$0x1FD60]  }
0x271: {  	v37 =	vor.u32 $0x2, v2;
	[tilespmem:$0x1FF40] =	vst v22;
	v22 =	vld [tilespmem:s26+$0x1930]  }
0x272: {  	[tilespmem:v20+s31+$0x0] =	vst.idx.msk $0xffff, v21;
	v20 =	vld [tilespmem:s26+$0x2650]  }
0x273: {  	v21 =	vld [tilespmem:$0x1FCF0]  }
0x274: {  	[tilespmem:v29+s31+$0x0] =	vst.idx.msk $0xffff, v50  }
0x275: {  	v40 =	vor.u32 $0x2, v62;
	v19 =	vld [tilespmem:s26+$0x19F0]  }
0x276: {  	[tilespmem:v37+s31+$0x0] =	vst.idx.msk $0xffff, v22;
	v22 =	vld [tilespmem:s26+$0x25A0];
	_ =	sdelay $0x1  }
0x277: {  	[tilespmem:v23+s31+$0x0] =	vst.idx.msk $0xffff, v20;
	v23 =	vld [tilespmem:$0x1FD70];
	_ =	sdelay $0x1  }
0x278: {  	[tilespmem:v40+s31+$0x0] =	vst.idx.msk $0xffff, v19  }
0x279: {  	[tilespmem:v21+s31+$0x0] =	vst.idx.msk $0xffff, v22;
	v21 =	vld [tilespmem:s26+$0x2670];
	_ =	sdelay $0x1  }
0x27a: {  	v41 =	vor.u32 $0x3, v2;
	v13 =	vld [tilespmem:s26+$0x25B0];
	_ =	sdelay $0x2  }
0x27b: {  	[tilespmem:v23+s31+$0x0] =	vst.idx.msk $0xffff, v21;
	v23 =	vld [tilespmem:$0x1FDA0];
	_ =	sdelay $0x1  }
0x27c: {  	[tilespmem:v41+s31+$0x0] =	vst.idx.msk $0xffff, v13  }
0x27d: {  	v18 =	vld [tilespmem:s26+$0x3230];
	_ =	sdelay $0x2  }
0x27e: {  	v0 =	vld [tilespmem:s26+$0x25E0];
	_ =	sdelay $0x1  }
0x27f: {  	[tilespmem:v23+s31+$0x0] =	vst.idx.msk $0xffff, v18;
	v23 =	vld [tilespmem:$0x1FDB0];
	_ =	sdelay $0x2  }
0x280: {  	[tilespmem:v43+s31+$0x0] =	vst.idx.msk $0xffff, v0;
	v0 =	vld [tilespmem:s26+$0x3240];
	_ =	sdelay $0x4  }
0x281: {  	[tilespmem:v23+s31+$0x0] =	vst.idx.msk $0xffff, v0;
	v23 =	vld [tilespmem:$0x1FDC0];
	_ =	sdelay $0x2  }
0x282: {  	v11 =	vld [tilespmem:s26+$0x3260];
	_ =	sdelay $0x2  }
0x283: {  	v47 =	vor.u32 $0x3, v53;
	v16 =	vld [tilespmem:s26+$0x2610];
	_ =	sdelay $0x1  }
0x284: {  	[tilespmem:v23+s31+$0x0] =	vst.idx.msk $0xffff, v11;
	v23 =	vld [tilespmem:$0x1FDD0];
	_ =	sdelay $0x2  }
0x285: {  	[tilespmem:v47+s31+$0x0] =	vst.idx.msk $0xffff, v16;
	v16 =	vld [tilespmem:s26+$0x3270];
	_ =	sdelay $0x4  }
0x286: {  	[tilespmem:v23+s31+$0x0] =	vst.idx.msk $0xffff, v16;
	v23 =	vld [tilespmem:$0x1FDE0];
	_ =	sdelay $0x2  }
0x287: {  	v17 =	vld [tilespmem:s26+$0x3280];
	_ =	sdelay $0x4  }
0x288: {  	[tilespmem:v23+s31+$0x0] =	vst.idx.msk $0xffff, v17;
	v23 =	vld [tilespmem:$0x1FDF0];
	_ =	sdelay $0x2  }
0x289: {  	v12 =	vld [tilespmem:s26+$0x3290];
	_ =	sdelay $0x2  }
0x28a: {  	v52 =	vor.u32 $0x3, v1;
	v19 =	vld [tilespmem:s26+$0x2640];
	_ =	sdelay $0x1  }
0x28b: {  	[tilespmem:v23+s31+$0x0] =	vst.idx.msk $0xffff, v12;
	v23 =	vld [tilespmem:$0x1FE00];
	_ =	sdelay $0x2  }
0x28c: {  	[tilespmem:v52+s31+$0x0] =	vst.idx.msk $0xffff, v19;
	v19 =	vld [tilespmem:s26+$0x32A0];
	_ =	sdelay $0x4  }
0x28d: {  	[tilespmem:v23+s31+$0x0] =	vst.idx.msk $0xffff, v19;
	v23 =	vld [tilespmem:$0x1FE10];
	_ =	sdelay $0x1  }
0x28e: {  	v21 =	vld [tilespmem:$0x1FD80]  }
0x28f: {  	v20 =	vld [tilespmem:s26+$0x32B0];
	_ =	sdelay $0x1  }
0x290: {  	v22 =	vld [tilespmem:s26+$0x3200];
	_ =	sdelay $0x2  }
0x291: {  	[tilespmem:v23+s31+$0x0] =	vst.idx.msk $0xffff, v20;
	v23 =	vld [tilespmem:$0x1FE20];
	_ =	sdelay $0x1  }
0x292: {  	[tilespmem:v21+s31+$0x0] =	vst.idx.msk $0xffff, v22;
	v21 =	vld [tilespmem:s26+$0x32C0]  }
0x293: {  	v22 =	vld [tilespmem:$0x1FD90];
	_ =	sdelay $0x2  }
0x294: {  	v13 =	vld [tilespmem:s26+$0x3210];
	_ =	sdelay $0x1  }
0x295: {  	[tilespmem:v23+s31+$0x0] =	vst.idx.msk $0xffff, v21;
	v23 =	vld [tilespmem:$0x1FE30];
	_ =	sdelay $0x2  }
0x296: {  	[tilespmem:v22+s31+$0x0] =	vst.idx.msk $0xffff, v13;
	v13 =	vld [tilespmem:s26+$0x32D0];
	_ =	sdelay $0x1  }
0x297: {  	v59 =	vor.u32 $0x5, v8  }
0x298: {  	v58 =	vor.u32 $0x4, v10;
	[tilespmem:$0x1FE50] =	vst v59;
	v59 =	vor.u32 $0x4, v62;
	v14 =	vld [tilespmem:s26+$0x3220]  }
0x299: {  	[tilespmem:$0x1FE40] =	vst v59  }
0x29a: {  	[tilespmem:v23+s31+$0x0] =	vst.idx.msk $0xffff, v13;
	v23 =	vld [tilespmem:$0x1FE40];
	_ =	sdelay $0x2  }
0x29b: {  	[tilespmem:v58+s31+$0x0] =	vst.idx.msk $0xffff, v14;
	v14 =	vld [tilespmem:s26+$0x32F0];
	_ =	sdelay $0x2  }
0x29c: {  	v56 =	vor.u32 $0x4, v4;
	v15 =	vld [tilespmem:s26+$0x3250];
	_ =	sdelay $0x1  }
0x29d: {  	[tilespmem:v23+s31+$0x0] =	vst.idx.msk $0xffff, v14;
	v23 =	vld [tilespmem:$0x1FE80];
	_ =	sdelay $0x2  }
0x29e: {  	[tilespmem:v56+s31+$0x0] =	vst.idx.msk $0xffff, v15;
	v15 =	vld [tilespmem:s26+$0x3EB0];
	_ =	sdelay $0x4  }
0x29f: {  	[tilespmem:v23+s31+$0x0] =	vst.idx.msk $0xffff, v15;
	v23 =	vld [tilespmem:$0x1FE90];
	_ =	sdelay $0x2  }
0x2a0: {  	v11 =	vld [tilespmem:s26+$0x3EC0];
	_ =	sdelay $0x4  }
0x2a1: {  	[tilespmem:v23+s31+$0x0] =	vst.idx.msk $0xffff, v11;
	v23 =	vld [tilespmem:$0x1FEA0];
	_ =	sdelay $0x2  }
0x2a2: {  	v16 =	vld [tilespmem:s26+$0x3ED0];
	_ =	sdelay $0x4  }
0x2a3: {  	[tilespmem:v23+s31+$0x0] =	vst.idx.msk $0xffff, v16;
	v23 =	vld [tilespmem:$0x1FEB0];
	_ =	sdelay $0x2  }
0x2a4: {  	v17 =	vld [tilespmem:s26+$0x3EE0];
	_ =	sdelay $0x4  }
0x2a5: {  	[tilespmem:v23+s31+$0x0] =	vst.idx.msk $0xffff, v17;
	v23 =	vld [tilespmem:$0x1FEC0];
	_ =	sdelay $0x2  }
0x2a6: {  	v12 =	vld [tilespmem:s26+$0x3EF0];
	_ =	sdelay $0x4  }
0x2a7: {  	[tilespmem:v23+s31+$0x0] =	vst.idx.msk $0xffff, v12;
	v23 =	vld [tilespmem:$0x1FED0];
	_ =	sdelay $0x2  }
0x2a8: {  	v19 =	vld [tilespmem:s26+$0x3F00]  }
0x2a9: {  	v24 =	vor.u32 $0x6, v2;
	v16 =	vld [tilespmem:s26+$0x4B30];
	_ =	sdelay $0x3  }
0x2aa: {  	[tilespmem:v23+s31+$0x0] =	vst.idx.msk $0xffff, v19;
	v23 =	vld [tilespmem:$0x1FEE0]  }
0x2ab: {  	[tilespmem:v24+s31+$0x0] =	vst.idx.msk $0xffff, v16;
	v16 =	vld [tilespmem:$0x1FF70];
	_ =	sdelay $0x1  }
0x2ac: {  	v20 =	vld [tilespmem:s26+$0x3F10]  }
0x2ad: {  	v17 =	vld [tilespmem:s26+$0x4B40];
	_ =	sdelay $0x3  }
0x2ae: {  	[tilespmem:v23+s31+$0x0] =	vst.idx.msk $0xffff, v20;
	v23 =	vld [tilespmem:$0x1FEF0]  }
0x2af: {  	[tilespmem:v16+s31+$0x0] =	vst.idx.msk $0xffff, v17;
	v16 =	vld [tilespmem:$0x1FF80];
	_ =	sdelay $0x1  }
0x2b0: {  	v21 =	vld [tilespmem:s26+$0x3F20]  }
0x2b1: {  	v12 =	vld [tilespmem:s26+$0x4B50];
	_ =	sdelay $0x3  }
0x2b2: {  	[tilespmem:v23+s31+$0x0] =	vst.idx.msk $0xffff, v21;
	v23 =	vld [tilespmem:$0x1FF00]  }
0x2b3: {  	[tilespmem:v16+s31+$0x0] =	vst.idx.msk $0xffff, v12;
	v12 =	vld [tilespmem:$0x1FF90]  }
0x2b4: {  	v14 =	vld [tilespmem:$0x1FE50]  }
0x2b5: {  	v13 =	vld [tilespmem:s26+$0x3F30]  }
0x2b6: {  	v19 =	vld [tilespmem:s26+$0x4B60]  }
0x2b7: {  	v22 =	vld [tilespmem:s26+$0x3E80];
	_ =	sdelay $0x1  }
0x2b8: {  	[tilespmem:$0x1FE60] =	vst v63  }
0x2b9: {  	[tilespmem:v23+s31+$0x0] =	vst.idx.msk $0xffff, v13;
	v23 =	vld [tilespmem:$0x1FF10]  }
0x2ba: {  	[tilespmem:v12+s31+$0x0] =	vst.idx.msk $0xffff, v19;
	v12 =	vld [tilespmem:$0x1FFA0]  }
0x2bb: {  	[tilespmem:v14+s31+$0x0] =	vst.idx.msk $0xffff, v22;
	v22 =	vld [tilespmem:$0x1FE60]  }
0x2bc: {  	v14 =	vld [tilespmem:s26+$0x3F40]  }
0x2bd: {  	v20 =	vld [tilespmem:s26+$0x4B70]  }
0x2be: {  	v18 =	vld [tilespmem:s26+$0x3E90]  }
0x2bf: {  	v63 =	vor.u32 $0x5, v10  }
0x2c0: {  	[tilespmem:$0x1FE70] =	vst v63  }
0x2c1: {  	[tilespmem:v23+s31+$0x0] =	vst.idx.msk $0xffff, v14;
	v23 =	vld [tilespmem:$0x1FF20]  }
0x2c2: {  	[tilespmem:v12+s31+$0x0] =	vst.idx.msk $0xffff, v20;
	v12 =	vld [tilespmem:$0x1FFB0]  }
0x2c3: {  	[tilespmem:v22+s31+$0x0] =	vst.idx.msk $0xffff, v18;
	v18 =	vld [tilespmem:s26+$0x3F50]  }
0x2c4: {  	v22 =	vld [tilespmem:$0x1FE70]  }
0x2c5: {  	v21 =	vld [tilespmem:s26+$0x4B80];
	_ =	sdelay $0x1  }
0x2c6: {  	v0 =	vld [tilespmem:s26+$0x3EA0];
	_ =	sdelay $0x1  }
0x2c7: {  	[tilespmem:v23+s31+$0x0] =	vst.idx.msk $0xffff, v18;
	v23 =	vld [tilespmem:$0x1FF30]  }
0x2c8: {  	[tilespmem:v12+s31+$0x0] =	vst.idx.msk $0xffff, v21;
	v12 =	vld [tilespmem:$0x1FFC0];
	_ =	sdelay $0x1  }
0x2c9: {  	[tilespmem:v22+s31+$0x0] =	vst.idx.msk $0xffff, v0;
	v0 =	vld [tilespmem:s26+$0x3F70]  }
0x2ca: {  	v13 =	vld [tilespmem:s26+$0x4B90];
	_ =	sdelay $0x3  }
0x2cb: {  	[tilespmem:v23+s31+$0x0] =	vst.idx.msk $0xffff, v0;
	v0 =	vld [tilespmem:$0x1FF40]  }
0x2cc: {  	[tilespmem:v12+s31+$0x0] =	vst.idx.msk $0xffff, v13;
	v12 =	vld [tilespmem:$0x1FFD0];
	_ =	sdelay $0x1  }
0x2cd: {  	v22 =	vld [tilespmem:s26+$0x4B00]  }
0x2ce: {  	v14 =	vld [tilespmem:s26+$0x4BA0];
	_ =	sdelay $0x1  }
0x2cf: {  	v15 =	vld [tilespmem:s26+$0x4B10]  }
0x2d0: {  	v11 =	vld [tilespmem:s26+$0x4B20]  }
0x2d1: {  	[tilespmem:v0+s31+$0x0] =	vst.idx.msk $0xffff, v22;
	v22 =	vld [tilespmem:$0x1FF50]  }
0x2d2: {  	[tilespmem:v12+s31+$0x0] =	vst.idx.msk $0xffff, v14;
	v12 =	vld [tilespmem:$0x1FFE0]  }
0x2d3: {  	v49 =	vor.u32 $0x7, v3;
	v48 =	vor.u32 $0x7, v10;
	v3 =	vor.u32 $0x7, v60;
	v60 =	vld [tilespmem:s26+$0x57B0]  }
0x2d4: {  	v63 =	vor.u32 $0x6, v61;
	v10 =	vor.u32 $0x7, v2;
	v2 =	vor.u32 $0x7, v61;
	v61 =	vld [tilespmem:s26+$0x57C0]  }
0x2d5: {  	v46 =	vor.u32 $0x7, v4;
	v18 =	vld [tilespmem:s26+$0x4BB0]  }
0x2d6: {  	v59 =	vor.u32 $0x6, v62;
	v4 =	vor.u32 $0x7, v1;
	v1 =	vor.u32 $0x7, v62;
	v62 =	vld [tilespmem:s26+$0x57D0]  }
0x2d7: {  	v21 =	vld [tilespmem:s26+$0x57F0]  }
0x2d8: {  	v20 =	vld [tilespmem:s26+$0x5800]  }
0x2d9: {  	[tilespmem:v22+s31+$0x0] =	vst.idx.msk $0xffff, v15;
	v22 =	vld [tilespmem:$0x1FF60]  }
0x2da: {  	[tilespmem:v12+s31+$0x0] =	vst.idx.msk $0xffff, v18;
	v12 =	vld [tilespmem:$0x1FFF0]  }
0x2db: {  	v19 =	vld [tilespmem:s26+$0x5810]  }
0x2dc: {  	v18 =	vld [tilespmem:s26+$0x5820]  }
0x2dd: {  	v0 =	vld [tilespmem:s26+$0x4BC0]  }
0x2de: {  	v55 =	vor.u32 $0x7, v8;
	[tilespmem:v10+s31+$0x0] =	vst.idx.msk $0xffff, v60;
	v23 =	vld [tilespmem:s26+$0x5780]  }
0x2df: {  	[tilespmem:v49+s31+$0x0] =	vst.idx.msk $0xffff, v61;
	v15 =	vld [tilespmem:s26+$0x4BD0]  }
0x2e0: {  	v7 =	vor.u32 $0x7, v57;
	[tilespmem:v46+s31+$0x0] =	vst.idx.msk $0xffff, v62;
	v57 =	vld [tilespmem:s26+$0x5790]  }
0x2e1: {  	s24 =	sadd.s32 $0x10, s24;
	[tilespmem:v22+s31+$0x0] =	vst.idx.msk $0xffff, v11;
	v11 =	vld [tilespmem:s26+$0x4BF0]  }
0x2e2: {  	p1 =	slt.u32 s24, $0xB0;
	[tilespmem:v12+s31+$0x0] =	vst.idx.msk $0xffff, v0;
	v58 =	vld [tilespmem:s26+$0x57A0]  }
.Ltmp5:
0x2e3: {  	v17 =	vld [tilespmem:s26+$0x5830];
	[tilespmem:v55+s31+$0x0] =	vst.idx.msk $0xffff, v23;
	(pc) =	sbr.rel @p1 .LBB2_3-.Ltmp5, $4  }
0x2e4: {  	v16 =	vld [tilespmem:s26+$0x5840];
	[tilespmem:v63+s31+$0x0] =	vst.idx.msk $0xffff, v15  }
0x2e5: {  	[tilespmem:v51+s31+$0x0] =	vst.idx.msk $0xffff, v57;
	v12 =	vld [tilespmem:s26+$0x5850]  }
0x2e6: {  	v22 =	vld [tilespmem:s26+$0x57E0];
	[tilespmem:v59+s31+$0x0] =	vst.idx.msk $0xffff, v11  }
0x2e7: {  	s25 =	sadd.s32 $0x100, s25;
	v8 =	vor.u32 $0x7, v6;
	v6 =	vor.u32 $0x7, v53;
	[tilespmem:v48+s31+$0x0] =	vst.idx.msk $0xffff, v58;
	v11 =	vld [tilespmem:s26+$0x5870]  }
0x2e8: {  	_ =	sdelay $0x3  }
0x2e9: {  	[tilespmem:v8+s31+$0x0] =	vst.idx.msk $0xffff, v21  }
0x2ea: {  	[tilespmem:v7+s31+$0x0] =	vst.idx.msk $0xffff, v20  }
0x2eb: {  	[tilespmem:v6+s31+$0x0] =	vst.idx.msk $0xffff, v19  }
0x2ec: {  	[tilespmem:v5+s31+$0x0] =	vst.idx.msk $0xffff, v18  }
0x2ed: {  	[tilespmem:v3+s31+$0x0] =	vst.idx.msk $0xffff, v17  }
0x2ee: {  	[tilespmem:v4+s31+$0x0] =	vst.idx.msk $0xffff, v16  }
0x2ef: {  	[tilespmem:v2+s31+$0x0] =	vst.idx.msk $0xffff, v12  }
0x2f0: {  	[tilespmem:v9+s31+$0x0] =	vst.idx.msk $0xffff, v22  }
0x2f1: {  	[tilespmem:v1+s31+$0x0] =	vst.idx.msk $0xffff, v11  }
.LBB2_5:
0x2f2: {  	v0 =	vmov s23  }
0x2f3: {  	s2 =	sshra.s32 s22, $0x2;
	v0 =	vshll.u32 v0, $0x3  }
0x2f4: {  	v1 =	vld [tilespmem:s2+$0xC00];
	v0 =	vor.u32 v44, v0;
	_ =	sdelay $0x4  }
0x2f5: {  	[tilespmem:v0+s31+$0x0] =	vst.idx.msk $0xffff, v1  }
0x2f6: {  	v2 =	vor.u32 $0x1, v0;
	v1 =	vld [tilespmem:s2+$0x1880];
	_ =	sdelay $0x4  }
0x2f7: {  	[tilespmem:v2+s31+$0x0] =	vst.idx.msk $0xffff, v1  }
0x2f8: {  	v59 =	vor.u32 $0x2, v0;
	v1 =	vld [tilespmem:s2+$0x2500];
	_ =	sdelay $0x4  }
0x2f9: {  	[tilespmem:v59+s31+$0x0] =	vst.idx.msk $0xffff, v1  }
0x2fa: {  	v60 =	vor.u32 $0x3, v0;
	v1 =	vld [tilespmem:s2+$0x3180];
	_ =	sdelay $0x4  }
0x2fb: {  	[tilespmem:v60+s31+$0x0] =	vst.idx.msk $0xffff, v1  }
0x2fc: {  	v61 =	vor.u32 $0x4, v0;
	v1 =	vld [tilespmem:s2+$0x3E00];
	_ =	sdelay $0x4  }
0x2fd: {  	[tilespmem:v61+s31+$0x0] =	vst.idx.msk $0xffff, v1  }
0x2fe: {  	v62 =	vor.u32 $0x5, v0;
	v1 =	vld [tilespmem:s2+$0x4A80];
	_ =	sdelay $0x4  }
0x2ff: {  	[tilespmem:v62+s31+$0x0] =	vst.idx.msk $0xffff, v1  }
0x300: {  	v63 =	vor.u32 $0x6, v0;
	v1 =	vld [tilespmem:s2+$0x5700];
	_ =	sdelay $0x4  }
0x301: {  	[tilespmem:v63+s31+$0x0] =	vst.idx.msk $0xffff, v1  }
0x302: {  	p1 =	sne.s32 s22, $0x1C0;
	v0 =	vor.u32 $0x7, v0;
	v1 =	vld [tilespmem:s2+$0x6380]  }
.Ltmp6:
0x303: {  	_ = 	snop;
	(pc) =	sbr.rel @p1 .LBB2_5-.Ltmp6, $2  }
0x304: {  	_ =	sdelay $0x2  }
0x305: {  	s23 =	sadd.s32 $0x10, s23;
	s22 =	sadd.s32 $0x40, s22;
	[tilespmem:v0+s31+$0x0] =	vst.idx.msk $0xffff, v1  }
.Ltmp7:
0x306: {  	s26 =	simm.s32 $0x0;
	(pc) =	sbr.rel .LBB2_10-.Ltmp7, $4  }
0x307: {  	[hbm4b:s11+s26] =	stream.linear.scatter [tilespmem:s31], [sflag:$0x2], $0x61C0, $0x38;
	[tilespmem:$0xC800] =	vst v63  }
0x308: {  	_ =	swait.ge [sflag:s0], $0x61C0  }
0x309: {  	[sflag:s0] =	ssyncset.done $0x0  }
0x30a: {  	s28 =	simm.s32 $0x2580;
	s29 =	simm.s32 $0xC80;
	[sflag:s0] =	ssyncadd.s32 $0xFFFF9E40  }
.LBB2_11:
0x30b: {  	_ =	sfence.sel $0x180000  }
0x30c: {  	[bflag:$0x0] =	sbarrier.arrive $0xFFFF  }
0x30d: {  	_ =	strace $0x90000047  }
0x30e: {  	s0 =	stileid.u32;
	[bflag:$0x2] =	sbarrier.arrive $0xFFFF  }
0x30f: {  	p0 =	sne.s32 s0, $0x0;
	s0 =	rddreg [dreg:$0x1]  }
0x310: {  	s0 =	sadd.s32 @!p0 $0x100000, s0  }
0x311: {  	[sflag:s0] =	ssyncadd.tile.s32 @!p0 $0x1;
	_ =	shalt  }
.Lfunc_end2:
_tile_overlayer_lowered:
.L_overlay_start_2:
0x312: {  	(tag) =	ssettag $0x2  }
0x313: {  	s0 =	rddreg [dreg:$0x0];
	s2 =	stileid.u32  }
0x314: {  	s1 =	rddreg [dreg:$0x1];
	p0 =	sne.s32 s2, $0x0  }
0x315: {  	s3 =	rddreg [dreg:$0x2];
	[bflag:$0x3] =	sbarrier.arrive $0xFFFF;
	s2 =	simm.s32 @!p0 $0x1C02  }
0x316: {  	[timem:s3], [sflag:s2] =	dma.local @!p0 [hbm:s0], s1  }
0x317: {  	s0 =	simm.s32 @!p0 $0x2  }
0x318: {  	_ =	swait.ge @!p0 [sflag:s0], s1  }
0x319: {  	s1 =	ssub.s32 @!p0 $0x0, s1;
	[sflag:s0] =	ssyncset.done @!p0 $0x0  }
0x31a: {  	[sflag:s0] =	ssyncadd.s32 @!p0 s1  }
0x31b: {  	[bflag:$0x3] =	sbarrier.arrive $0xFFFF  }
0x31c: {  	_ =	shalt  }

// kernel: kernel.7.cloned.1.call-start
scs
__scs_entry_jumppad:
0x0: {  	(pc) =	sbr.rel $0x88, $3  }
0x1: {  	(tag) =	ssettag $0x0;
	lr =	simm.s32 $0x1  }
0x2: {  	[smem:$0x3F9C] =	sst lr;
	_ =	strace $0xD0000000  }
0x3: {  	_ = 	snop  }
0x4: {  	_ = 	snop  }
0x5: {  	_ = 	snop  }
0x6: {  	_ = 	snop  }
0x7: {  	_ = 	snop  }
__scs_overlays_trampoline_lowered:
0x8: {  	[smem:$0x3FAB] =	sst s0  }
0x9: {  	[smem:$0x3FAC] =	sst s1  }
0xa: {  	[smem:$0x3FAD] =	sst s2  }
0xb: {  	[smem:$0x3FAE] =	sst s3  }
0xc: {  	[smem:$0x3FAF] =	sst s4  }
0xd: {  	[smem:$0x3FB0] =	sst s5  }
0xe: {  	[smem:$0x3FB1] =	sst s6  }
0xf: {  	[smem:$0x3FB2] =	sst s7  }
0x10: {  	[smem:$0x3FB3] =	sst s8  }
0x11: {  	[smem:$0x3FB4] =	sst s9;
	s0 =	simm.s32 @!p0 $0x0  }
0x12: {  	s1 =	sld [smem:$0x3F9A];
	s0 =	simm.s32 @p0 $0x1  }
0x13: {  	[smem:$0x3FB5] =	sst s0;
	s0 =	simm.s32 @!p1 $0x0  }
0x14: {  	s2 =	sld [smem:$0x3F99];
	s0 =	simm.s32 @p1 $0x1  }
0x15: {  	[smem:$0x3FB6] =	sst s0;
	s0 =	simm.s32 @!p2 $0x0  }
0x16: {  	s3 =	sld [smem:$0x3FDB];
	s0 =	simm.s32 @p2 $0x1  }
0x17: {  	s4 =	simm.s32 $0x1BF5;
	[smem:$0x3FB8] =	sst s0  }
0x18: {  	s0 =	sld [smem:$0x3F9B];
	_ =	swait.ge [sflag:s4], $0x0  }
0x19: {  	s7 =	sld [smem:$0x3F9C]  }
0x1a: {  	s8 =	sadd.s32 $0xFFFFE003, lr  }
0x1b: {  	s9 =	sadd.s32 $0xFFFFFEF7, lr;
	s5 =	simm.s32 $0xFFFFFFFF;
	p2 =	slt.u32 s8, $0xFFFFF086  }
0x1c: {  	p1 =	slt.u32 s9, $0xF7A;
	s5 =	simm.s32 @!p2 $0x0  }
0x1d: {  	s5 =	simm.s32 @p1 $0x1;
	p0 =	seq.s32 s7, s2  }
0x1e: {  	s7 =	smul.u32 @!p0 $0xF7A, s2;
	p2 =	seq.s32 @!p0 s5, $0x0  }
0x1f: {  	s9 =	smul.u32 $0xF7A, s1;
	s8 =	simm.s32 @!p0 $0x1BF5;
	p2 =	por !p2, p0  }
0x20: {  	[sflag:s8] =	ssyncset.s32 @!p0 $0xFFFFF086;
	s6 =	sadd.s32 @!p0 s3, s7;
	s7 =	simm.s32 @!p0 $0x108  }
0x21: {  	s3 =	sadd.s32 s3, s9;
	s6 =	sadd.s32 @!p0 $0x88, s6;
	s7 =	simm.s32 @p2 $0x1082  }
0x22: {  	[simem:s7], [sflag:s8] =	dma.local @!p0 [hbm:s6], $0xF7A  }
0x23: {  	s9 =	sor.u32 $0xD0000000, s2;
	s6 =	simm.s32 $0x108;
	_ =	swait.ge @!p0 [sflag:s8], $0x0  }
0x24: {  	s3 =	sadd.s32 $0x88, s3;
	s6 =	simm.s32 @!p1 $0x1082;
	[sflag:s4] =	ssyncset.s32 $0xFFFFF086  }
0x25: {  	[simem:s6], [sflag:s4] =	dma.local [hbm:s3], $0xF7A  }
0x26: {  	[smem:$0x3F9C] =	sst s1;
	(tag) =	ssettag s2;
	_ =	strace s9  }
0x27: {  	s1 =	sld [smem:$0x3FAC]  }
0x28: {  	s2 =	sld [smem:$0x3FAD]  }
0x29: {  	s4 =	sld [smem:$0x3FAF]  }
0x2a: {  	p0 =	seq.s32 s5, $0x0;
	s5 =	sld [smem:$0x3FB0]  }
0x2b: {  	s6 =	sld [smem:$0x3FB1]  }
0x2c: {  	s7 =	sld [smem:$0x3FB2]  }
0x2d: {  	s3 =	simm.s32 $0x108;
	s8 =	sld [smem:$0x3FB3]  }
0x2e: {  	s3 =	simm.s32 @!p0 $0x1082;
	s9 =	sld [smem:$0x3FB4]  }
0x2f: {  	lr =	sadd.s32 s0, s3;
	s0 =	sld [smem:$0x3FAB]  }
0x30: {  	s3 =	sld [smem:$0x3FAE]  }
0x31: {  	[smem:$0x3FB7] =	sst s10  }
0x32: {  	s10 =	sld [smem:$0x3FB5];
	_ =	sdelay $0x3  }
0x33: {  	p0 =	seq.s32 s10, $0x1;
	s10 =	sld [smem:$0x3FB7];
	_ =	sdelay $0x3  }
0x34: {  	[smem:$0x3FB7] =	sst s10  }
0x35: {  	s10 =	sld [smem:$0x3FB6];
	_ =	sdelay $0x3  }
0x36: {  	p1 =	seq.s32 s10, $0x1;
	s10 =	sld [smem:$0x3FB7];
	_ =	sdelay $0x3  }
0x37: {  	[smem:$0x3FB7] =	sst s10  }
0x38: {  	s10 =	sld [smem:$0x3FB8]  }
0x39: {  	_ = 	snop;
	(pc) =	sbr.ind lr, $3  }
0x3a: {  	_ = 	snop  }
0x3b: {  	_ = 	snop  }
0x3c: {  	p2 =	seq.s32 s10, $0x1;
	s10 =	sld [smem:$0x3FB7]  }
0x3d: {  	_ =	shalt  }
0x3e: {  	_ =	shalt  }
0x3f: {  	_ =	shalt  }
0x40: {  	_ =	shalt  }
0x41: {  	_ =	shalt  }
0x42: {  	_ =	shalt  }
0x43: {  	_ =	shalt  }
0x44: {  	_ =	shalt  }
0x45: {  	_ =	shalt  }
0x46: {  	_ =	shalt  }
0x47: {  	_ =	shalt  }
0x48: {  	_ =	shalt  }
0x49: {  	_ =	shalt  }
0x4a: {  	_ =	shalt  }
0x4b: {  	_ =	shalt  }
0x4c: {  	_ =	shalt  }
0x4d: {  	_ =	shalt  }
0x4e: {  	_ =	shalt  }
0x4f: {  	_ =	shalt  }
0x50: {  	_ =	shalt  }
0x51: {  	_ =	shalt  }
0x52: {  	_ =	shalt  }
0x53: {  	_ =	shalt  }
0x54: {  	_ =	shalt  }
0x55: {  	_ =	shalt  }
0x56: {  	_ =	shalt  }
0x57: {  	_ =	shalt  }
0x58: {  	_ =	shalt  }
0x59: {  	_ =	shalt  }
0x5a: {  	_ =	shalt  }
0x5b: {  	_ =	shalt  }
0x5c: {  	_ =	shalt  }
0x5d: {  	_ =	shalt  }
0x5e: {  	_ =	shalt  }
0x5f: {  	_ =	shalt  }
0x60: {  	_ =	shalt  }
0x61: {  	_ =	shalt  }
0x62: {  	_ =	shalt  }
0x63: {  	_ =	shalt  }
0x64: {  	_ =	shalt  }
0x65: {  	_ =	shalt  }
0x66: {  	_ =	shalt  }
0x67: {  	_ =	shalt  }
0x68: {  	_ =	shalt  }
0x69: {  	_ =	shalt  }
0x6a: {  	_ =	shalt  }
0x6b: {  	_ =	shalt  }
0x6c: {  	_ =	shalt  }
0x6d: {  	_ =	shalt  }
0x6e: {  	_ =	shalt  }
0x6f: {  	_ =	shalt  }
0x70: {  	_ =	shalt  }
0x71: {  	_ =	shalt  }
0x72: {  	_ =	shalt  }
0x73: {  	_ =	shalt  }
0x74: {  	_ =	shalt  }
0x75: {  	_ =	shalt  }
0x76: {  	_ =	shalt  }
0x77: {  	_ =	shalt  }
0x78: {  	_ =	shalt  }
0x79: {  	_ =	shalt  }
0x7a: {  	_ =	shalt  }
0x7b: {  	_ =	shalt  }
0x7c: {  	_ =	shalt  }
0x7d: {  	_ =	shalt  }
0x7e: {  	_ =	shalt  }
0x7f: {  	_ =	shalt  }
0x80: {  	_ =	shalt  }
0x81: {  	_ =	shalt  }
0x82: {  	_ =	shalt  }
0x83: {  	_ =	shalt  }
0x84: {  	_ =	shalt  }
0x85: {  	_ =	shalt  }
0x86: {  	_ =	shalt  }
0x87: {  	_ =	shalt  }
.Lfunc_end0:
.L_simem_size_0:
called_computation.1_lowered:
.L_overlay_start_0:
0x88: {  	s2 =	sld [smem:$0x3FD9]  }
0x89: {  	s3 =	sld [smem:$0x3FFE];
	_ =	sdelay $0x1  }
0x8a: {  	s1 =	srdreg.scid  }
0x8b: {  	s0 =	sand.u32 $0x1, s1  }
0x8c: {  	s14 =	sshll.u32 s0, $0xA;
	s2 =	sadd.s32 s3, s2  }
0x8d: {  	s2 =	sadd.s32 s2, s14  }
0x8e: {  	[smem:$0x3FC3] =	sst s2  }
0x8f: {  	_ = 	snop  }
0x90: {  	s2 =	sld [smem:$0x3FD0];
	_ =	sdelay $0x1  }
0x91: {  	s15 =	sld [smem:$0x3FC7]  }
0x92: {  	s5 =	simm.s32 $0xA;
	s6 =	simm.s32 $0x10;
	s4 =	sld [smem:$0x3FC5]  }
0x93: {  	[smem:s6], [sflag:s5] =	dma.local [hbm:s2], $0x1  }
0x94: {  	_ =	swait.eq [sflag:s5], $0x1  }
0x95: {  	[sflag:s5] =	ssyncset.done $0x0  }
0x96: {  	s16 =	sld [smem:$0x10];
	[sflag:s5] =	ssyncadd.s32 $0xFFFFFFFF  }
0x97: {  	s17 =	sld [smem:$0x12];
	(tm) =	ssettm $0x1  }
0x98: {  	s18 =	sld [smem:$0x3FFB];
	_ =	sdelay $0x3  }
0x99: {  	_ =	strace s18  }
0x9a: {  	s6 =	sld [smem:$0x3FFC];
	_ =	sdelay $0x3  }
0x9b: {  	_ =	strace s6  }
0x9c: {  	s6 =	sld [smem:$0x3FFD];
	_ =	sdelay $0x3  }
0x9d: {  	_ =	strace s6  }
0x9e: {  	_ =	strace $0x8FFFFFFF  }
0x9f: {  	s19 =	sld [smem:$0x3FDB];
	_ =	sdelay $0x1  }
0xa0: {  	s7 =	simm.s32 $_scs_section_size  }
0xa1: {  	s8 =	simm.s32 $_size__tile_overlayer_lowered;
	s9 =	simm.s32 $_tile_overlayer_lowered  }
0xa2: {  	s22 =	simm.s32 $0x1BFF;
	s21 =	sshll.u32 s9, $0x1;
	s6 =	sadd.s32 s7, s19  }
0xa3: {  	s10 =	simm.s32 $0x0;
	s20 =	sshll.u32 s8, $0x1;
	s8 =	sadd.s32 s21, s6  }
0xa4: {  	[timem:s10], [sflag:s22] =	dma.local [hbm:s8], s20  }
0xa5: {  	_ =	swait.ge [sflag:s22], s20  }
0xa6: {  	s7 =	ssub.s32 $0x0, s20;
	[sflag:s22] =	ssyncset.done $0x0  }
0xa7: {  	[sflag:s22] =	ssyncadd.s32 s7;
	_ =	sdelay $0x1  }
0xa8: {  	s23 =	simm.s32 $0x1B8B  }
0xa9: {  	_ =	swait.ge [sflag:s23], $0x1  }
0xaa: {  	[sflag:s23] =	ssyncset.done $0x0  }
0xab: {  	s25 =	simm.s32 $0x1B8E;
	s24 =	sld [smem:$0x3FFE];
	[sflag:s23] =	ssyncadd.s32 $0xFFFFFFFF  }
0xac: {  	s26 =	simm.s32 $execute0_lowered;
	[smem:$0x3FD2] =	sst s25  }
0xad: {  	s8 =	sshll.u32 s26, $0x1;
	_ =	strace $0x80000049;
	[dreg:$0x1] =	wrdreg $0xFFFFFFFF  }
0xae: {  	s28 =	simm.s32 $_size_execute0_lowered;
	s6 =	sadd.s32 s6, s8;
	[dreg:$0x0] =	wrdreg $0x0  }
0xaf: {  	s8 =	sshll.u32 s28, $0x1;
	[dreg:$0x2] =	wrdreg s6  }
0xb0: {  	[dreg:$0x3] =	wrdreg s8  }
0xb1: {  	[dreg:$0x4] =	wrdreg $0xC0  }
0xb2: {  	_ =	task [dreg:s10], $0x5FFFF  }
0xb3: {  	[dreg:$0x1] =	wrdreg $0xFFFFFFFF  }
0xb4: {  	[dreg:$0x0] =	wrdreg $0x60  }
0xb5: {  	[dreg:$0x2] =	wrdreg s24  }
0xb6: {  	[dreg:$0x3] =	wrdreg s15  }
0xb7: {  	[dreg:$0x4] =	wrdreg s4  }
0xb8: {  	[dreg:$0x5] =	wrdreg s16  }
0xb9: {  	[dreg:$0x6] =	wrdreg s17  }
0xba: {  	[dreg:$0x7] =	wrdreg $0x9  }
0xbb: {  	_ =	task.clear_ibuf [dreg:s10], $0x8FFFF;
	_ =	strace $0x90000049  }
0xbc: {  	s29 =	simm.s32 $0x9;
	_ =	strace $0x8000004B  }
0xbd: {  	_ =	swait.ge [sflag:s29], $0x1  }
0xbe: {  	[sflag:s29] =	ssyncadd.s32 $0xFFFFFFFF  }
0xbf: {  	_ =	strace $0x9000004B  }
0xc0: {  	_ =	sfence  }
0xc1: {  	s30 =	sld [smem:$0x0];
	_ =	sdelay $0x2  }
0xc2: {  	s31 =	sshll.u32 s1, $0xD;
	s1 =	sshrl.u32 s1, $0x2  }
0xc3: {  	s3 =	sand.u32 $0x4000, s31;
	s1 =	sadd.s32 s1, s30  }
0xc4: {  	s0 =	sor.u32 s3, s0;
	s1 =	sshll.u32 s1, $0x11  }
0xc5: {  	s0 =	sor.u32 s1, s0  }
0xc6: {  	s0 =	sadd.s32 $0x8F2B, s0  }
0xc7: {  	[sflag:s0] =	ssyncadd.remote.s32 $0x1  }
0xc8: {  	_ =	sfence.sel $0xFFFF  }
0xc9: {  	[dreg:$0x0] =	wrdreg $0xFFFFFFFF;
	(pc) =	sbr.abs _section_cstart, $3  }
0xca: {  	[dreg:$0x1] =	wrdreg $0xFFFFFFFF  }
0xcb: {  	_ =	task.clear_ibuf [dreg:s10], $0x2FFFF;
	_ =	strace $0x9FFFFFFF  }
0xcc: {  	(tm) =	ssettm $0x7FFFFFFF  }
0xcd: {  	_ =	shalt  }
tec
execute0_lowered:
.L_overlay_start_1:
0x0: {  	(tag) =	ssettag $0x1  }
0x1: {  	s5 =	rddreg [dreg:$0x0]  }
0x2: {  	s1 =	rddreg [dreg:$0x1]  }
0x3: {  	s6 =	rddreg [dreg:$0x2]  }
0x4: {  	s11 =	rddreg [dreg:$0x3]  }
0x5: {  	s14 =	rddreg [dreg:$0x4]  }
0x6: {  	s2 =	simm.s32 $0x0;
	s3 =	srdreg.scid;
	s18 =	simm.s32 $0x1200  }
0x7: {  	s19 =	simm.s32 $0x1;
	s20 =	simm.s32 $0x2;
	s21 =	simm.s32 $0x1400  }
0x8: {  	s22 =	simm.s32 $0x1A00;
	s23 =	simm.s32 $0x1600;
	s24 =	simm.s32 $0x1C00  }
0x9: {  	s25 =	simm.s32 $0x1800;
	s26 =	simm.s32 $0x1E00;
	s28 =	simm.s32 $0x2000  }
0xa: {  	s29 =	simm.s32 $0x2200;
	s30 =	simm.s32 $0x0;
	[smem:$0x7FF] =	sst s2  }
0xb: {  	s4 =	sadd.s32 $0x19A00, s5;
	s7 =	sand.u32 $0x1, s3;
	s10 =	sadd.s32 $0x1000, s5  }
0xc: {  	s3 =	stileid.u32;
	s13 =	sadd.s32 $0x2800, s5;
	s8 =	ssub.s32 $0x2, s7  }
0xd: {  	s12 =	sshll.u32 s3, $0x7;
	s7 =	sshll.u32 s7, $0x6;
	s9 =	sshrl.u32 s8, $0x1  }
0xe: {  	_ =	strace $0x8000004A;
	s16 =	sor.u32 s7, s12;
	s15 =	ssub.s32 s8, s9  }
0xf: {  	s5 =	sadd.s32 s6, s16;
	s6 =	sadd.s32 s10, s16;
	s17 =	sor.u32 $0x800, s16  }
0x10: {  	s7 =	sadd.s32 s11, s16;
	s12 =	sor.u32 $0x1000, s16;
	s14 =	sadd.s32 s14, s16  }
0x11: {  	s8 =	sadd.s32 s10, s17;
	s9 =	sadd.s32 s11, s17;
	s10 =	sadd.s32 s10, s12  }
0x12: {  	v0 =	vlaneseq.u32;
	s11 =	sadd.s32 s11, s12;
	s12 =	sadd.s32 s13, s16;
	s13 =	sadd.s32 s13, s17  }
0x13: {  	v0 =	vmul.u32 $0x8, v0;
	s15 =	smax.u32 s15, $0x1;
	s16 =	simm.s32 $0x3;
	s17 =	simm.s32 $0x200  }
.LBB2_1:
0x14: {  	[tilespmem:s2], [sflag:$0x3] =	stream.linear.gather [hbm4b:s5+s2], $0x200, $0x38;
	[tilespmem:$0x2400] =	vst v63  }
0x15: {  	_ =	swait.ge [sflag:s16], $0x200  }
0x16: {  	[sflag:s16] =	ssyncset.done $0x0  }
0x17: {  	[sflag:s16] =	ssyncadd.s32 $0xFFFFFE00  }
0x18: {  	[tilespmem:s17], [sflag:$0x1] =	stream.indirect.gather [hbm4b:s4+s17], $0x8, s2, s17, $0xb8;
	[tilespmem:$0x2400] =	vst v63  }
0x19: {  	_ = 	snop  }
0x1a: {  	[tilespmem:s18], [sflag:$0x2] =	stream.indirect.gather [hbm4b:s1+s17], $0x1, s2, s17, $0xb8;
	[tilespmem:$0x2400] =	vst v63  }
0x1b: {  	_ =	swait.ge [sflag:s19], $0x1000  }
0x1c: {  	[sflag:s19] =	ssyncset.done $0x0  }
0x1d: {  	[sflag:s19] =	ssyncadd.s32 $0xFFFFF000  }
0x1e: {  	_ =	swait.ge [sflag:s20], $0x200  }
0x1f: {  	[sflag:s20] =	ssyncset.done $0x0  }
0x20: {  	p0 =	por $0x1, $0x1;
	s31 =	simm.s32 $0x0;
	[sflag:s20] =	ssyncadd.s32 $0xFFFFFE00  }
.LBB2_2:
0x21: {  	v1 =	vmov s31  }
0x22: {  	s0 =	sor.u32 $0x10, s31;
	v1 =	vshll.u32 v1, $0x3  }
0x23: {  	v2 =	vmov s0;
	s0 =	sor.u32 $0x20, s31;
	v1 =	vor.u32 v0, v1  }
0x24: {  	v2 =	vshll.u32 v2, $0x3;
	v3 =	vmov s0;
	s0 =	sor.u32 $0x30, s31  }
0x25: {  	v2 =	vor.u32 v0, v2;
	v3 =	vshll.u32 v3, $0x3;
	v4 =	vmov s0  }
0x26: {  	v3 =	vor.u32 v0, v3;
	v4 =	vshll.u32 v4, $0x3  }
0x27: {  	v4 =	vor.u32 v0, v4  }
0x28: {  	v5 =	vld.idx.msk [tilespmem:v1+s17+$0x0], $0xffff  }
0x29: {  	v6 =	vor.u32 $0x1, v1  }
0x2a: {  	v7 =	vld.idx.msk [tilespmem:v2+s17+$0x0], $0xffff  }
0x2b: {  	v8 =	vor.u32 $0x1, v2;
	v9 =	vld.idx.msk [tilespmem:v3+s17+$0x0], $0xffff  }
0x2c: {  	v10 =	vor.u32 $0x1, v3;
	v11 =	vld.idx.msk [tilespmem:v4+s17+$0x0], $0xffff  }
0x2d: {  	v12 =	vor.u32 $0x1, v4;
	[tilespmem:s31+$0x1400] =	vst v5  }
0x2e: {  	v5 =	vld.idx.msk [tilespmem:v6+s17+$0x0], $0xffff  }
0x2f: {  	v35 =	vor.u32 $0x2, v1;
	[tilespmem:s31+$0x1410] =	vst v7  }
0x30: {  	v7 =	vld.idx.msk [tilespmem:v8+s17+$0x0], $0xffff;
	[tilespmem:s31+$0x1420] =	vst v9  }
0x31: {  	v36 =	vor.u32 $0x2, v2;
	v9 =	vld.idx.msk [tilespmem:v10+s17+$0x0], $0xffff;
	[tilespmem:s31+$0x1430] =	vst v11  }
0x32: {  	v37 =	vor.u32 $0x2, v3;
	v11 =	vld.idx.msk [tilespmem:v12+s17+$0x0], $0xffff  }
0x33: {  	v38 =	vor.u32 $0x2, v4;
	[tilespmem:s31+$0x1600] =	vst v5  }
0x34: {  	v5 =	vld.idx.msk [tilespmem:v35+s17+$0x0], $0xffff  }
0x35: {  	v39 =	vor.u32 $0x3, v1;
	[tilespmem:s31+$0x1610] =	vst v7  }
0x36: {  	v7 =	vld.idx.msk [tilespmem:v36+s17+$0x0], $0xffff;
	[tilespmem:s31+$0x1620] =	vst v9  }
0x37: {  	v40 =	vor.u32 $0x3, v2;
	v9 =	vld.idx.msk [tilespmem:v37+s17+$0x0], $0xffff;
	[tilespmem:s31+$0x1630] =	vst v11  }
0x38: {  	v41 =	vor.u32 $0x3, v3;
	v11 =	vld.idx.msk [tilespmem:v38+s17+$0x0], $0xffff  }
0x39: {  	v42 =	vor.u32 $0x3, v4;
	[tilespmem:s31+$0x1800] =	vst v5  }
0x3a: {  	v5 =	vld.idx.msk [tilespmem:v39+s17+$0x0], $0xffff  }
0x3b: {  	v43 =	vor.u32 $0x4, v1;
	[tilespmem:s31+$0x1810] =	vst v7  }
0x3c: {  	v7 =	vld.idx.msk [tilespmem:v40+s17+$0x0], $0xffff;
	[tilespmem:s31+$0x1820] =	vst v9  }
0x3d: {  	v44 =	vor.u32 $0x4, v2;
	v9 =	vld.idx.msk [tilespmem:v41+s17+$0x0], $0xffff;
	[tilespmem:s31+$0x1830] =	vst v11  }
0x3e: {  	v45 =	vor.u32 $0x4, v3;
	v11 =	vld.idx.msk [tilespmem:v42+s17+$0x0], $0xffff  }
0x3f: {  	v46 =	vor.u32 $0x4, v4;
	[tilespmem:s31+$0x1A00] =	vst v5  }
0x40: {  	v5 =	vld.idx.msk [tilespmem:v43+s17+$0x0], $0xffff  }
0x41: {  	v47 =	vor.u32 $0x5, v1;
	[tilespmem:s31+$0x1A10] =	vst v7  }
0x42: {  	v7 =	vld.idx.msk [tilespmem:v44+s17+$0x0], $0xffff;
	[tilespmem:s31+$0x1A20] =	vst v9  }
0x43: {  	v48 =	vor.u32 $0x5, v2;
	v9 =	vld.idx.msk [tilespmem:v45+s17+$0x0], $0xffff;
	[tilespmem:s31+$0x1A30] =	vst v11  }
0x44: {  	v49 =	vor.u32 $0x5, v3;
	v11 =	vld.idx.msk [tilespmem:v46+s17+$0x0], $0xffff  }
0x45: {  	v50 =	vor.u32 $0x5, v4;
	[tilespmem:s31+$0x1C00] =	vst v5  }
0x46: {  	v5 =	vld.idx.msk [tilespmem:v47+s17+$0x0], $0xffff  }
0x47: {  	v51 =	vor.u32 $0x6, v1;
	[tilespmem:s31+$0x1C10] =	vst v7  }
0x48: {  	v7 =	vld.idx.msk [tilespmem:v48+s17+$0x0], $0xffff;
	[tilespmem:s31+$0x1C20] =	vst v9  }
0x49: {  	v55 =	vor.u32 $0x7, v1;
	s0 =	sor.u32 $0x40, s31;
	v52 =	vor.u32 $0x6, v2;
	v9 =	vld.idx.msk [tilespmem:v49+s17+$0x0], $0xffff;
	[tilespmem:s31+$0x1C30] =	vst v11  }
0x4a: {  	v56 =	vor.u32 $0x7, v2;
	v53 =	vor.u32 $0x6, v3;
	v1 =	vmov s0;
	s0 =	sor.u32 $0x50, s31;
	v11 =	vld.idx.msk [tilespmem:v50+s17+$0x0], $0xffff  }
0x4b: {  	v54 =	vor.u32 $0x6, v4;
	v1 =	vshll.u32 v1, $0x3;
	v2 =	vmov s0;
	[tilespmem:s31+$0x1E00] =	vst v5  }
0x4c: {  	v1 =	vor.u32 v0, v1;
	v2 =	vshll.u32 v2, $0x3;
	v5 =	vld.idx.msk [tilespmem:v51+s17+$0x0], $0xffff  }
0x4d: {  	v2 =	vor.u32 v0, v2;
	[tilespmem:s31+$0x1E10] =	vst v7  }
0x4e: {  	v7 =	vld.idx.msk [tilespmem:v52+s17+$0x0], $0xffff;
	[tilespmem:s31+$0x1E20] =	vst v9  }
0x4f: {  	s0 =	sor.u32 $0x60, s31;
	v9 =	vld.idx.msk [tilespmem:v53+s17+$0x0], $0xffff;
	[tilespmem:s31+$0x1E30] =	vst v11  }
0x50: {  	v3 =	vor.u32 $0x7, v3;
	v58 =	vmov s0;
	v57 =	vld.idx.msk [tilespmem:v54+s17+$0x0], $0xffff  }
0x51: {  	s0 =	sor.u32 $0x70, s31;
	v4 =	vor.u32 $0x7, v4;
	v20 =	vld.idx.msk [tilespmem:v1+s17+$0x0], $0xffff;
	[tilespmem:s31+$0x2000] =	vst v5;
	v5 =	vshll.u32 v58, $0x3  }
0x52: {  	v59 =	vmov s0;
	v22 =	vld.idx.msk [tilespmem:v2+s17+$0x0], $0xffff;
	v5 =	vor.u32 v0, v5  }
0x53: {  	s0 =	sor.u32 $0x80, s31;
	v21 =	vor.u32 $0x1, v1;
	v6 =	vld.idx.msk [tilespmem:v55+s17+$0x0], $0xffff;
	[tilespmem:s31+$0x2010] =	vst v7;
	v7 =	vshll.u32 v59, $0x3  }
0x54: {  	v60 =	vmov s0;
	s0 =	sor.u32 $0x90, s31;
	v8 =	vld.idx.msk [tilespmem:v56+s17+$0x0], $0xffff;
	[tilespmem:s31+$0x2020] =	vst v9;
	v7 =	vor.u32 v0, v7  }
0x55: {  	v23 =	vor.u32 $0x1, v2;
	v62 =	vmov s0;
	v61 =	vld.idx.msk [tilespmem:v3+s17+$0x0], $0xffff;
	[tilespmem:s31+$0x2030] =	vst v57;
	v3 =	vshll.u32 v60, $0x3  }
0x56: {  	[tilespmem:s31+$0x1440] =	vst v20;
	v4 =	vld.idx.msk [tilespmem:v4+s17+$0x0], $0xffff;
	v63 =	vor.u32 v0, v3;
	v3 =	vshll.u32 v62, $0x3  }
0x57: {  	[tilespmem:s31+$0x1450] =	vst v22;
	v3 =	vor.u32 v0, v3;
	v13 =	vld.idx.msk [tilespmem:v5+s17+$0x0], $0xffff  }
0x58: {  	v24 =	vor.u32 $0x1, v5;
	[tilespmem:s31+$0x2200] =	vst v6;
	v6 =	vld.idx.msk [tilespmem:v21+s17+$0x0], $0xffff  }
0x59: {  	v28 =	vor.u32 $0x2, v1;
	[tilespmem:s31+$0x2210] =	vst v8;
	v14 =	vld.idx.msk [tilespmem:v7+s17+$0x0], $0xffff  }
0x5a: {  	v25 =	vor.u32 $0x1, v7;
	v8 =	vld.idx.msk [tilespmem:v23+s17+$0x0], $0xffff;
	[tilespmem:s31+$0x2220] =	vst v61  }
0x5b: {  	v29 =	vor.u32 $0x2, v2;
	[tilespmem:s31+$0x2230] =	vst v4;
	v15 =	vld.idx.msk [tilespmem:v63+s17+$0x0], $0xffff  }
0x5c: {  	v26 =	vor.u32 $0x1, v63;
	v16 =	vld.idx.msk [tilespmem:v3+s17+$0x0], $0xffff;
	[tilespmem:s31+$0x1460] =	vst v13  }
0x5d: {  	v27 =	vor.u32 $0x1, v3;
	[tilespmem:s31+$0x1640] =	vst v6;
	v11 =	vld.idx.msk [tilespmem:v24+s17+$0x0], $0xffff  }
0x5e: {  	v30 =	vor.u32 $0x2, v5;
	[tilespmem:s31+$0x1470] =	vst v14;
	v13 =	vld.idx.msk [tilespmem:v28+s17+$0x0], $0xffff  }
0x5f: {  	v34 =	vor.u32 $0x3, v1;
	[tilespmem:s31+$0x1650] =	vst v8;
	v4 =	vld.idx.msk [tilespmem:v25+s17+$0x0], $0xffff  }
0x60: {  	v31 =	vor.u32 $0x2, v7;
	v14 =	vld.idx.msk [tilespmem:v29+s17+$0x0], $0xffff;
	[tilespmem:s31+$0x1480] =	vst v15  }
0x61: {  	v35 =	vor.u32 $0x3, v2;
	[tilespmem:s31+$0x1490] =	vst v16;
	v9 =	vld.idx.msk [tilespmem:v26+s17+$0x0], $0xffff  }
0x62: {  	v32 =	vor.u32 $0x2, v63;
	v12 =	vld.idx.msk [tilespmem:v27+s17+$0x0], $0xffff;
	[tilespmem:s31+$0x1660] =	vst v11  }
0x63: {  	v33 =	vor.u32 $0x2, v3;
	[tilespmem:s31+$0x1840] =	vst v13;
	v15 =	vld.idx.msk [tilespmem:v30+s17+$0x0], $0xffff  }
0x64: {  	v36 =	vor.u32 $0x3, v5;
	[tilespmem:s31+$0x1670] =	vst v4;
	v11 =	vld.idx.msk [tilespmem:v34+s17+$0x0], $0xffff  }
0x65: {  	v40 =	vor.u32 $0x4, v1;
	[tilespmem:s31+$0x1850] =	vst v14;
	v16 =	vld.idx.msk [tilespmem:v31+s17+$0x0], $0xffff  }
0x66: {  	v37 =	vor.u32 $0x3, v7;
	v4 =	vld.idx.msk [tilespmem:v35+s17+$0x0], $0xffff;
	[tilespmem:s31+$0x1680] =	vst v9  }
0x67: {  	v41 =	vor.u32 $0x4, v2;
	[tilespmem:s31+$0x1690] =	vst v12;
	v6 =	vld.idx.msk [tilespmem:v32+s17+$0x0], $0xffff  }
0x68: {  	v38 =	vor.u32 $0x3, v63;
	v8 =	vld.idx.msk [tilespmem:v33+s17+$0x0], $0xffff;
	[tilespmem:s31+$0x1860] =	vst v15  }
0x69: {  	v39 =	vor.u32 $0x3, v3;
	[tilespmem:s31+$0x1A40] =	vst v11;
	v9 =	vld.idx.msk [tilespmem:v36+s17+$0x0], $0xffff  }
0x6a: {  	v42 =	vor.u32 $0x4, v5;
	[tilespmem:s31+$0x1870] =	vst v16;
	v15 =	vld.idx.msk [tilespmem:v40+s17+$0x0], $0xffff  }
0x6b: {  	v46 =	vor.u32 $0x5, v1;
	[tilespmem:s31+$0x1A50] =	vst v4;
	v12 =	vld.idx.msk [tilespmem:v37+s17+$0x0], $0xffff  }
0x6c: {  	v43 =	vor.u32 $0x4, v7;
	v16 =	vld.idx.msk [tilespmem:v41+s17+$0x0], $0xffff;
	[tilespmem:s31+$0x1880] =	vst v6  }
0x6d: {  	v47 =	vor.u32 $0x5, v2;
	[tilespmem:s31+$0x1890] =	vst v8;
	v13 =	vld.idx.msk [tilespmem:v38+s17+$0x0], $0xffff  }
0x6e: {  	v44 =	vor.u32 $0x4, v63;
	v14 =	vld.idx.msk [tilespmem:v39+s17+$0x0], $0xffff;
	[tilespmem:s31+$0x1A60] =	vst v9  }
0x6f: {  	v45 =	vor.u32 $0x4, v3;
	[tilespmem:s31+$0x1C40] =	vst v15;
	v6 =	vld.idx.msk [tilespmem:v42+s17+$0x0], $0xffff  }
0x70: {  	v48 =	vor.u32 $0x5, v5;
	[tilespmem:s31+$0x1A70] =	vst v12;
	v9 =	vld.idx.msk [tilespmem:v46+s17+$0x0], $0xffff  }
0x71: {  	v52 =	vor.u32 $0x6, v1;
	[tilespmem:s31+$0x1C50] =	vst v16;
	v8 =	vld.idx.msk [tilespmem:v43+s17+$0x0], $0xffff  }
0x72: {  	v49 =	vor.u32 $0x5, v7;
	v12 =	vld.idx.msk [tilespmem:v47+s17+$0x0], $0xffff;
	[tilespmem:s31+$0x1A80] =	vst v13  }
0x73: {  	v53 =	vor.u32 $0x6, v2;
	[tilespmem:s31+$0x1A90] =	vst v14;
	v11 =	vld.idx.msk [tilespmem:v44+s17+$0x0], $0xffff  }
0x74: {  	v50 =	vor.u32 $0x5, v63;
	v4 =	vld.idx.msk [tilespmem:v45+s17+$0x0], $0xffff;
	[tilespmem:s31+$0x1C60] =	vst v6  }
0x75: {  	v51 =	vor.u32 $0x5, v3;
	[tilespmem:s31+$0x1E40] =	vst v9;
	v13 =	vld.idx.msk [tilespmem:v48+s17+$0x0], $0xffff  }
0x76: {  	v54 =	vor.u32 $0x6, v5;
	[tilespmem:s31+$0x1C70] =	vst v8;
	v6 =	vld.idx.msk [tilespmem:v52+s17+$0x0], $0xffff  }
0x77: {  	v1 =	vor.u32 $0x7, v1;
	[tilespmem:s31+$0x1E50] =	vst v12;
	v14 =	vld.idx.msk [tilespmem:v49+s17+$0x0], $0xffff  }
0x78: {  	v55 =	vor.u32 $0x6, v7;
	v8 =	vld.idx.msk [tilespmem:v53+s17+$0x0], $0xffff;
	[tilespmem:s31+$0x1C80] =	vst v11  }
0x79: {  	v2 =	vor.u32 $0x7, v2;
	[tilespmem:s31+$0x1C90] =	vst v4;
	v15 =	vld.idx.msk [tilespmem:v50+s17+$0x0], $0xffff  }
0x7a: {  	s0 =	sor.u32 $0xA0, s31;
	v56 =	vor.u32 $0x6, v63;
	v16 =	vld.idx.msk [tilespmem:v51+s17+$0x0], $0xffff;
	[tilespmem:s31+$0x1E60] =	vst v13  }
0x7b: {  	v60 =	vmov s0;
	v57 =	vor.u32 $0x6, v3;
	[tilespmem:s31+$0x2040] =	vst v6;
	v11 =	vld.idx.msk [tilespmem:v54+s17+$0x0], $0xffff  }
0x7c: {  	s0 =	sor.u32 $0xB0, s31;
	v58 =	vor.u32 $0x7, v63;
	v5 =	vor.u32 $0x7, v5;
	[tilespmem:s31+$0x1E70] =	vst v14;
	v61 =	vld.idx.msk [tilespmem:v1+s17+$0x0], $0xffff;
	v1 =	vshll.u32 v60, $0x3  }
0x7d: {  	v62 =	vor.u32 $0x7, v3;
	v3 =	vmov s0;
	s0 =	sor.u32 $0xC0, s31;
	[tilespmem:s31+$0x2050] =	vst v8;
	v4 =	vld.idx.msk [tilespmem:v55+s17+$0x0], $0xffff;
	v1 =	vor.u32 v0, v1  }
0x7e: {  	v7 =	vor.u32 $0x7, v7;
	v63 =	vld.idx.msk [tilespmem:v2+s17+$0x0], $0xffff;
	v2 =	vshll.u32 v3, $0x3;
	v3 =	vmov s0;
	[tilespmem:s31+$0x1E80] =	vst v15  }
0x7f: {  	s0 =	sor.u32 $0xD0, s31;
	v2 =	vor.u32 v0, v2;
	v3 =	vshll.u32 v3, $0x3;
	v9 =	vld.idx.msk [tilespmem:v56+s17+$0x0], $0xffff;
	[tilespmem:s31+$0x1E90] =	vst v16  }
0x80: {  	v16 =	vmov s0;
	s0 =	sor.u32 $0xE0, s31;
	v3 =	vor.u32 v0, v3;
	v59 =	vld.idx.msk [tilespmem:v57+s17+$0x0], $0xffff;
	[tilespmem:s31+$0x2060] =	vst v11  }
0x81: {  	v17 =	vmov s0;
	s0 =	sor.u32 $0xF0, s31;
	[tilespmem:s31+$0x2240] =	vst v61;
	v5 =	vld.idx.msk [tilespmem:v5+s17+$0x0], $0xffff  }
0x82: {  	v18 =	vmov s0;
	[tilespmem:s31+$0x2070] =	vst v4;
	v4 =	vshll.u32 v16, $0x3;
	v19 =	vld.idx.msk [tilespmem:v1+s17+$0x0], $0xffff  }
0x83: {  	v10 =	vshll.u32 v18, $0x3;
	[tilespmem:s31+$0x2250] =	vst v63;
	v7 =	vld.idx.msk [tilespmem:v7+s17+$0x0], $0xffff;
	v4 =	vor.u32 v0, v4  }
0x84: {  	v10 =	vor.u32 v0, v10;
	v21 =	vld.idx.msk [tilespmem:v2+s17+$0x0], $0xffff;
	[tilespmem:s31+$0x2080] =	vst v9  }
0x85: {  	v20 =	vor.u32 $0x1, v1;
	v9 =	vshll.u32 v17, $0x3;
	v23 =	vld.idx.msk [tilespmem:v3+s17+$0x0], $0xffff;
	[tilespmem:s31+$0x2090] =	vst v59  }
0x86: {  	v6 =	vld.idx.msk [tilespmem:v58+s17+$0x0], $0xffff;
	v9 =	vor.u32 v0, v9;
	[tilespmem:s31+$0x2260] =	vst v5  }
0x87: {  	v22 =	vor.u32 $0x1, v2;
	v8 =	vld.idx.msk [tilespmem:v62+s17+$0x0], $0xffff;
	[tilespmem:s31+$0x14A0] =	vst v19  }
0x88: {  	v24 =	vor.u32 $0x1, v3;
	[tilespmem:s31+$0x2270] =	vst v7;
	v25 =	vld.idx.msk [tilespmem:v4+s17+$0x0], $0xffff  }
0x89: {  	v26 =	vor.u32 $0x1, v4;
	v29 =	vld.idx.msk [tilespmem:v10+s17+$0x0], $0xffff;
	[tilespmem:s31+$0x14B0] =	vst v21  }
0x8a: {  	v30 =	vor.u32 $0x1, v10;
	v5 =	vld.idx.msk [tilespmem:v20+s17+$0x0], $0xffff;
	[tilespmem:s31+$0x14C0] =	vst v23  }
0x8b: {  	v31 =	vor.u32 $0x2, v1;
	[tilespmem:s31+$0x2280] =	vst v6;
	v27 =	vld.idx.msk [tilespmem:v9+s17+$0x0], $0xffff  }
0x8c: {  	v28 =	vor.u32 $0x1, v9;
	v7 =	vld.idx.msk [tilespmem:v22+s17+$0x0], $0xffff;
	[tilespmem:s31+$0x2290] =	vst v8  }
0x8d: {  	v32 =	vor.u32 $0x2, v2;
	v6 =	vld.idx.msk [tilespmem:v24+s17+$0x0], $0xffff;
	[tilespmem:s31+$0x14D0] =	vst v25  }
0x8e: {  	v33 =	vor.u32 $0x2, v3;
	[tilespmem:s31+$0x14F0] =	vst v29;
	v8 =	vld.idx.msk [tilespmem:v26+s17+$0x0], $0xffff  }
0x8f: {  	v34 =	vor.u32 $0x2, v4;
	[tilespmem:s31+$0x16A0] =	vst v5;
	v12 =	vld.idx.msk [tilespmem:v30+s17+$0x0], $0xffff  }
0x90: {  	v36 =	vor.u32 $0x2, v10;
	v13 =	vld.idx.msk [tilespmem:v31+s17+$0x0], $0xffff;
	[tilespmem:s31+$0x14E0] =	vst v27  }
0x91: {  	v37 =	vor.u32 $0x3, v1;
	[tilespmem:s31+$0x16B0] =	vst v7;
	v11 =	vld.idx.msk [tilespmem:v28+s17+$0x0], $0xffff  }
0x92: {  	v35 =	vor.u32 $0x2, v9;
	[tilespmem:s31+$0x16C0] =	vst v6;
	v14 =	vld.idx.msk [tilespmem:v32+s17+$0x0], $0xffff  }
0x93: {  	v38 =	vor.u32 $0x3, v2;
	v15 =	vld.idx.msk [tilespmem:v33+s17+$0x0], $0xffff;
	[tilespmem:s31+$0x16D0] =	vst v8  }
0x94: {  	v39 =	vor.u32 $0x3, v3;
	[tilespmem:s31+$0x16F0] =	vst v12;
	v16 =	vld.idx.msk [tilespmem:v34+s17+$0x0], $0xffff  }
0x95: {  	v40 =	vor.u32 $0x3, v4;
	[tilespmem:s31+$0x18A0] =	vst v13;
	v7 =	vld.idx.msk [tilespmem:v36+s17+$0x0], $0xffff  }
0x96: {  	v42 =	vor.u32 $0x3, v10;
	v6 =	vld.idx.msk [tilespmem:v37+s17+$0x0], $0xffff;
	[tilespmem:s31+$0x16E0] =	vst v11  }
0x97: {  	v43 =	vor.u32 $0x4, v1;
	[tilespmem:s31+$0x18B0] =	vst v14;
	v5 =	vld.idx.msk [tilespmem:v35+s17+$0x0], $0xffff  }
0x98: {  	v41 =	vor.u32 $0x3, v9;
	[tilespmem:s31+$0x18C0] =	vst v15;
	v8 =	vld.idx.msk [tilespmem:v38+s17+$0x0], $0xffff  }
0x99: {  	v44 =	vor.u32 $0x4, v2;
	v11 =	vld.idx.msk [tilespmem:v39+s17+$0x0], $0xffff;
	[tilespmem:s31+$0x18D0] =	vst v16  }
0x9a: {  	v45 =	vor.u32 $0x4, v3;
	[tilespmem:s31+$0x18F0] =	vst v7;
	v12 =	vld.idx.msk [tilespmem:v40+s17+$0x0], $0xffff  }
0x9b: {  	v46 =	vor.u32 $0x4, v4;
	[tilespmem:s31+$0x1AA0] =	vst v6;
	v14 =	vld.idx.msk [tilespmem:v42+s17+$0x0], $0xffff  }
0x9c: {  	v48 =	vor.u32 $0x4, v10;
	v15 =	vld.idx.msk [tilespmem:v43+s17+$0x0], $0xffff;
	[tilespmem:s31+$0x18E0] =	vst v5  }
0x9d: {  	v49 =	vor.u32 $0x5, v1;
	[tilespmem:s31+$0x1AB0] =	vst v8;
	v13 =	vld.idx.msk [tilespmem:v41+s17+$0x0], $0xffff  }
0x9e: {  	v47 =	vor.u32 $0x4, v9;
	[tilespmem:s31+$0x1AC0] =	vst v11;
	v16 =	vld.idx.msk [tilespmem:v44+s17+$0x0], $0xffff  }
0x9f: {  	v50 =	vor.u32 $0x5, v2;
	v5 =	vld.idx.msk [tilespmem:v45+s17+$0x0], $0xffff;
	[tilespmem:s31+$0x1AD0] =	vst v12  }
0xa0: {  	v51 =	vor.u32 $0x5, v3;
	[tilespmem:s31+$0x1AF0] =	vst v14;
	v7 =	vld.idx.msk [tilespmem:v46+s17+$0x0], $0xffff  }
0xa1: {  	v52 =	vor.u32 $0x5, v4;
	[tilespmem:s31+$0x1CA0] =	vst v15;
	v8 =	vld.idx.msk [tilespmem:v48+s17+$0x0], $0xffff  }
0xa2: {  	v54 =	vor.u32 $0x5, v10;
	v11 =	vld.idx.msk [tilespmem:v49+s17+$0x0], $0xffff;
	[tilespmem:s31+$0x1AE0] =	vst v13  }
0xa3: {  	v55 =	vor.u32 $0x6, v1;
	[tilespmem:s31+$0x1CB0] =	vst v16;
	v6 =	vld.idx.msk [tilespmem:v47+s17+$0x0], $0xffff  }
0xa4: {  	v53 =	vor.u32 $0x5, v9;
	[tilespmem:s31+$0x1CC0] =	vst v5;
	v12 =	vld.idx.msk [tilespmem:v50+s17+$0x0], $0xffff  }
0xa5: {  	v56 =	vor.u32 $0x6, v2;
	v13 =	vld.idx.msk [tilespmem:v51+s17+$0x0], $0xffff;
	[tilespmem:s31+$0x1CD0] =	vst v7  }
0xa6: {  	v57 =	vor.u32 $0x6, v3;
	[tilespmem:s31+$0x1CF0] =	vst v8;
	v14 =	vld.idx.msk [tilespmem:v52+s17+$0x0], $0xffff  }
0xa7: {  	v58 =	vor.u32 $0x6, v4;
	[tilespmem:s31+$0x1EA0] =	vst v11;
	v16 =	vld.idx.msk [tilespmem:v54+s17+$0x0], $0xffff  }
0xa8: {  	v60 =	vor.u32 $0x6, v10;
	v5 =	vld.idx.msk [tilespmem:v55+s17+$0x0], $0xffff;
	[tilespmem:s31+$0x1CE0] =	vst v6  }
0xa9: {  	v1 =	vor.u32 $0x7, v1;
	[tilespmem:s31+$0x1EB0] =	vst v12;
	v15 =	vld.idx.msk [tilespmem:v53+s17+$0x0], $0xffff  }
0xaa: {  	v59 =	vor.u32 $0x6, v9;
	[tilespmem:s31+$0x1EC0] =	vst v13;
	v7 =	vld.idx.msk [tilespmem:v56+s17+$0x0], $0xffff  }
0xab: {  	v6 =	vld.idx.msk [tilespmem:v57+s17+$0x0], $0xffff;
	[tilespmem:s31+$0x1ED0] =	vst v14  }
0xac: {  	v2 =	vor.u32 $0x7, v2;
	[tilespmem:s31+$0x1EF0] =	vst v16;
	v8 =	vld.idx.msk [tilespmem:v58+s17+$0x0], $0xffff  }
0xad: {  	v3 =	vor.u32 $0x7, v3;
	[tilespmem:s31+$0x20A0] =	vst v5;
	v62 =	vld.idx.msk [tilespmem:v60+s17+$0x0], $0xffff  }
0xae: {  	v4 =	vor.u32 $0x7, v4;
	v1 =	vld.idx.msk [tilespmem:v1+s17+$0x0], $0xffff;
	[tilespmem:s31+$0x1EE0] =	vst v15  }
0xaf: {  	v63 =	vor.u32 $0x7, v10;
	[tilespmem:s31+$0x20B0] =	vst v7;
	v11 =	vld.idx.msk [tilespmem:v59+s17+$0x0], $0xffff  }
0xb0: {  	v61 =	vor.u32 $0x7, v9;
	[tilespmem:s31+$0x20C0] =	vst v6  }
0xb1: {  	v2 =	vld.idx.msk [tilespmem:v2+s17+$0x0], $0xffff;
	[tilespmem:s31+$0x20D0] =	vst v8  }
0xb2: {  	v3 =	vld.idx.msk [tilespmem:v3+s17+$0x0], $0xffff;
	[tilespmem:s31+$0x20F0] =	vst v62  }
0xb3: {  	[tilespmem:s31+$0x22A0] =	vst v1;
	v4 =	vld.idx.msk [tilespmem:v4+s17+$0x0], $0xffff  }
0xb4: {  	v1 =	vld.idx.msk [tilespmem:v63+s17+$0x0], $0xffff;
	[tilespmem:s31+$0x20E0] =	vst v11  }
0xb5: {  	p1 =	por p0, p0;
	v5 =	vld.idx.msk [tilespmem:v61+s17+$0x0], $0xffff  }
.Ltmp0:
0xb6: {  	[tilespmem:s31+$0x22B0] =	vst v2;
	(pc) =	sbr.rel @p1 .LBB2_2-.Ltmp0, $4  }
0xb7: {  	[tilespmem:s31+$0x22C0] =	vst v3  }
0xb8: {  	[tilespmem:s31+$0x22D0] =	vst v4  }
0xb9: {  	[tilespmem:s31+$0x22F0] =	vst v1  }
0xba: {  	p0 =	por $0x0, $0x0;
	[tilespmem:s31+$0x22E0] =	vst v5;
	s31 =	simm.s32 $0x100  }
0xbb: {  	[hbm4b:s6+s2] =	stream.linear.scatter [tilespmem:s21], [sflag:$0x3], $0x200, $0x38;
	[tilespmem:$0x2400] =	vst v63  }
0xbc: {  	_ =	swait.ge [sflag:s16], $0x200  }
0xbd: {  	[sflag:s16] =	ssyncset.done $0x0  }
0xbe: {  	[sflag:s16] =	ssyncadd.s32 $0xFFFFFE00  }
0xbf: {  	[hbm4b:s7+s2] =	stream.linear.scatter [tilespmem:s22], [sflag:$0x3], $0x200, $0x38;
	[tilespmem:$0x2400] =	vst v63  }
0xc0: {  	_ =	swait.ge [sflag:s16], $0x200  }
0xc1: {  	[sflag:s16] =	ssyncset.done $0x0  }
0xc2: {  	[sflag:s16] =	ssyncadd.s32 $0xFFFFFE00  }
0xc3: {  	[hbm4b:s8+s2] =	stream.linear.scatter [tilespmem:s23], [sflag:$0x3], $0x200, $0x38;
	[tilespmem:$0x2400] =	vst v63  }
0xc4: {  	_ =	swait.ge [sflag:s16], $0x200  }
0xc5: {  	[sflag:s16] =	ssyncset.done $0x0  }
0xc6: {  	[sflag:s16] =	ssyncadd.s32 $0xFFFFFE00  }
0xc7: {  	[hbm4b:s9+s2] =	stream.linear.scatter [tilespmem:s24], [sflag:$0x3], $0x200, $0x38;
	[tilespmem:$0x2400] =	vst v63  }
0xc8: {  	_ =	swait.ge [sflag:s16], $0x200  }
0xc9: {  	[sflag:s16] =	ssyncset.done $0x0  }
0xca: {  	[sflag:s16] =	ssyncadd.s32 $0xFFFFFE00  }
0xcb: {  	[hbm4b:s10+s2] =	stream.linear.scatter [tilespmem:s25], [sflag:$0x3], $0x200, $0x38;
	[tilespmem:$0x2400] =	vst v63  }
0xcc: {  	_ =	swait.ge [sflag:s16], $0x200  }
0xcd: {  	[sflag:s16] =	ssyncset.done $0x0  }
0xce: {  	[sflag:s16] =	ssyncadd.s32 $0xFFFFFE00  }
0xcf: {  	[hbm4b:s11+s2] =	stream.linear.scatter [tilespmem:s26], [sflag:$0x3], $0x200, $0x38;
	[tilespmem:$0x2400] =	vst v63  }
0xd0: {  	_ =	swait.ge [sflag:s16], $0x200  }
0xd1: {  	[sflag:s16] =	ssyncset.done $0x0  }
0xd2: {  	[sflag:s16] =	ssyncadd.s32 $0xFFFFFE00  }
0xd3: {  	[hbm4b:s12+s2] =	stream.linear.scatter [tilespmem:s28], [sflag:$0x3], $0x200, $0x38;
	[tilespmem:$0x2400] =	vst v63  }
0xd4: {  	_ =	swait.ge [sflag:s16], $0x200  }
0xd5: {  	[sflag:s16] =	ssyncset.done $0x0  }
0xd6: {  	[sflag:s16] =	ssyncadd.s32 $0xFFFFFE00  }
0xd7: {  	[hbm4b:s13+s2] =	stream.linear.scatter [tilespmem:s29], [sflag:$0x3], $0x200, $0x38;
	[tilespmem:$0x2400] =	vst v63  }
0xd8: {  	s30 =	sadd.s32 $0x1, s30;
	_ =	swait.ge [sflag:s16], $0x200  }
0xd9: {  	p0 =	sne.s32 s30, s15;
	[sflag:s16] =	ssyncset.done $0x0  }
.Ltmp1:
0xda: {  	[sflag:s16] =	ssyncadd.s32 $0xFFFFFE00;
	(pc) =	sbr.rel @p0 .LBB2_1-.Ltmp1, $4  }
0xdb: {  	[hbm4b:s14+s2] =	stream.linear.scatter [tilespmem:s18], [sflag:$0x3], $0x200, $0x38;
	[tilespmem:$0x2400] =	vst v63  }
0xdc: {  	_ =	swait.ge [sflag:s16], $0x200  }
0xdd: {  	[sflag:s16] =	ssyncset.done $0x0  }
0xde: {  	[sflag:s16] =	ssyncadd.s32 $0xFFFFFE00  }
0xdf: {  	_ =	sfence.sel $0x180000  }
0xe0: {  	[bflag:$0x0] =	sbarrier.arrive $0xFFFF  }
0xe1: {  	_ =	strace $0x9000004A  }
0xe2: {  	[bflag:$0x2] =	sbarrier.arrive $0xFFFF  }
0xe3: {  	p0 =	sne.s32 s3, $0x0;
	s0 =	rddreg [dreg:$0x5]  }
0xe4: {  	s0 =	sadd.s32 @!p0 $0x100000, s0  }
0xe5: {  	[sflag:s0] =	ssyncadd.tile.s32 @!p0 $0x1;
	_ =	shalt  }
.Lfunc_end2:
_tile_overlayer_lowered:
.L_overlay_start_2:
0xe6: {  	(tag) =	ssettag $0x2  }
0xe7: {  	s0 =	rddreg [dreg:$0x0];
	s2 =	stileid.u32  }
0xe8: {  	s1 =	rddreg [dreg:$0x1];
	p0 =	sne.s32 s2, $0x0  }
0xe9: {  	s3 =	rddreg [dreg:$0x2];
	[bflag:$0x3] =	sbarrier.arrive $0xFFFF;
	s2 =	simm.s32 @!p0 $0x1C03  }
0xea: {  	[timem:s3], [sflag:s2] =	dma.local @!p0 [hbm:s0], s1  }
0xeb: {  	s0 =	simm.s32 @!p0 $0x3  }
0xec: {  	_ =	swait.ge @!p0 [sflag:s0], s1  }
0xed: {  	s1 =	ssub.s32 @!p0 $0x0, s1;
	[sflag:s0] =	ssyncset.done @!p0 $0x0  }
0xee: {  	[sflag:s0] =	ssyncadd.s32 @!p0 s1  }
0xef: {  	[bflag:$0x3] =	sbarrier.arrive $0xFFFF  }
0xf0: {  	_ =	shalt  }

</sc_bundles>
